<compile_context>
chip_gen: v7x
topology: tpu7x:2x2x1
jax: 0.10.2.dev20260603
libtpu: 0.0.44.dev20260713+nightly
codegen_flags: <defaults>
</compile_context>

<pallas_src>
import functools

import jax
import jax.numpy as jnp
import numpy as np
from jax import lax
from jax.experimental import pallas as pl
from jax.experimental.pallas import tpu as pltpu
from jax.experimental.pallas import tpu_sc as plsc

N = 10000
E = 320000
D = 128
NG = 32
NHID = 256
NOUT = 768

NC = 2
NS = 16
NW = NC * NS
CHUNK = 128
K = -(-E // (NW * CHUNK))
EPAD = NW * K * CHUNK
NPAD = 10240
ROWS_PER_TILE = NPAD // NS
INV_SQRT2 = float(1.0 / np.sqrt(2.0))


_sc_kernel_cache = {}


def _sc_deg_body(dst_hbm, zeros_hbm, ones_hbm, out_hbm, didx, ones_v, acc):
    cid = lax.axis_index("c")
    sid = lax.axis_index("s")
    wid = cid * NS + sid
    pltpu.sync_copy(zeros_hbm.at[pl.ds(sid * ROWS_PER_TILE, ROWS_PER_TILE)],
                    acc.at[pl.ds(sid * ROWS_PER_TILE, ROWS_PER_TILE)])
    pltpu.sync_copy(dst_hbm.at[wid], didx)
    pltpu.sync_copy(ones_hbm, ones_v)
    plsc.subcore_barrier()

    def body(j, carry):
        pltpu.sync_copy(ones_v, acc.at[didx.at[j]], add=True)
        return carry

    lax.fori_loop(0, K, body, 0)
    plsc.subcore_barrier()
    pltpu.sync_copy(acc.at[pl.ds(sid * ROWS_PER_TILE, ROWS_PER_TILE)],
                    out_hbm.at[cid, pl.ds(sid * ROWS_PER_TILE, ROWS_PER_TILE)])


def _run_deg(dst3, zeros_big, ones_big):
    if "deg" not in _sc_kernel_cache:
        mesh = plsc.VectorSubcoreMesh(core_axis_name="c", subcore_axis_name="s")
        _sc_kernel_cache["deg"] = functools.partial(
            pl.kernel,
            out_type=jax.ShapeDtypeStruct((NC, NPAD, D), jnp.float32),
            mesh=mesh,
            scratch_types=[
                pltpu.VMEM((K, CHUNK), jnp.int32),
                pltpu.VMEM((CHUNK, D), jnp.float32),
                pltpu.VMEM_SHARED((NPAD, D), jnp.float32),
            ],
        )(_sc_deg_body)
    return _sc_kernel_cache["deg"](dst3, zeros_big, ones_big)


def _sc_scatter_body(y_hbm, src_hbm, dst_hbm, zeros_hbm, out_hbm,
                     sidx, didx, gbuf, acc, gsem):
    cid = lax.axis_index("c")
    sid = lax.axis_index("s")
    wid = cid * NS + sid
    pltpu.sync_copy(zeros_hbm.at[pl.ds(sid * ROWS_PER_TILE, ROWS_PER_TILE)],
                    acc.at[pl.ds(sid * ROWS_PER_TILE, ROWS_PER_TILE)])
    pltpu.sync_copy(src_hbm.at[wid], sidx)
    pltpu.sync_copy(dst_hbm.at[wid], didx)
    plsc.subcore_barrier()

    def body(j, carry):
        pltpu.async_copy(y_hbm.at[sidx.at[j]], gbuf, gsem).wait()
        pltpu.sync_copy(gbuf, acc.at[didx.at[j]], add=True)
        return carry

    lax.fori_loop(0, K, body, 0)
    plsc.subcore_barrier()
    pltpu.sync_copy(acc.at[pl.ds(sid * ROWS_PER_TILE, ROWS_PER_TILE)],
                    out_hbm.at[cid, pl.ds(sid * ROWS_PER_TILE, ROWS_PER_TILE)])


def _run_scatter(y, src3, dst3, zeros_big):
    if "scatter" not in _sc_kernel_cache:
        mesh = plsc.VectorSubcoreMesh(core_axis_name="c", subcore_axis_name="s")
        _sc_kernel_cache["scatter"] = functools.partial(
            pl.kernel,
            out_type=jax.ShapeDtypeStruct((NC, NPAD, D), jnp.float32),
            mesh=mesh,
            scratch_types=[
                pltpu.VMEM((K, CHUNK), jnp.int32),
                pltpu.VMEM((K, CHUNK), jnp.int32),
                pltpu.VMEM((CHUNK, D), jnp.float32),
                pltpu.VMEM_SHARED((NPAD, D), jnp.float32),
                pltpu.SemaphoreType.DMA,
            ],
        )(_sc_scatter_body)
    return _sc_kernel_cache["scatter"](y, src3, dst3, zeros_big)



def _prep_body(degp_ref, x_ref, w_ref, dis_ref, y_ref):
    deg = degp_ref[0, :N, 0:1] + degp_ref[1, :N, 0:1] + 1.0
    dis = lax.rsqrt(deg)
    dis_ref[...] = dis
    xw = jnp.dot(x_ref[...], w_ref[...], preferred_element_type=jnp.float32)
    y_ref[...] = dis * xw


_prep_kernel = pl.pallas_call(
    _prep_body,
    out_shape=(jax.ShapeDtypeStruct((N, 1), jnp.float32),
               jax.ShapeDtypeStruct((N, D), jnp.float32)),
)


def _bn_relu(zp_ref, y_ref, dis_ref, b_ref, g_ref, be_ref):
    z = zp_ref[0, :N, :] + zp_ref[1, :N, :]
    t = dis_ref[...] * (z + y_ref[...]) + b_ref[...]
    m = jnp.mean(t, axis=0, keepdims=True)
    v = jnp.mean((t - m) * (t - m), axis=0, keepdims=True)
    t = (t - m) * lax.rsqrt(v + 1e-5) * g_ref[...] + be_ref[...]
    return jnp.maximum(t, 0.0)


def _mid_even_body(zp_ref, y_ref, dis_ref, b_ref, g_ref, be_ref, wn_ref,
                   ynext_ref):
    t = _bn_relu(zp_ref, y_ref, dis_ref, b_ref, g_ref, be_ref)
    ynext_ref[...] = dis_ref[...] * jnp.dot(
        t, wn_ref[...], preferred_element_type=jnp.float32)


_mid_even_kernel = pl.pallas_call(
    _mid_even_body,
    out_shape=jax.ShapeDtypeStruct((N, D), jnp.float32),
)


def _mid_odd_body(zp_ref, y_ref, dis_ref, b_ref, g_ref, be_ref, hin_ref,
                  wn_ref, hnew_ref, ynext_ref):
    t = _bn_relu(zp_ref, y_ref, dis_ref, b_ref, g_ref, be_ref)
    h = (t + hin_ref[...]) * INV_SQRT2
    hnew_ref[...] = h
    ynext_ref[...] = dis_ref[...] * jnp.dot(
        h, wn_ref[...], preferred_element_type=jnp.float32)


_mid_odd_kernel = pl.pallas_call(
    _mid_odd_body,
    out_shape=(jax.ShapeDtypeStruct((N, D), jnp.float32),
               jax.ShapeDtypeStruct((N, D), jnp.float32)),
)


def _final_body(zp_ref, y_ref, dis_ref, b_ref, g_ref, be_ref, hin_ref,
                batch_ref, wh1_ref, bh1_ref, wh2_ref, bh2_ref, out_ref):
    t = _bn_relu(zp_ref, y_ref, dis_ref, b_ref, g_ref, be_ref)
    h = (t + hin_ref[...]) * INV_SQRT2
    seg = batch_ref[...]
    gid = lax.broadcasted_iota(jnp.int32, (1, NG), 1)
    p = (seg == gid).astype(jnp.float32)
    dn = (((0,), (0,)), ((), ()))
    sums = lax.dot_general(p, h, dn, preferred_element_type=jnp.float32)
    cnt = lax.dot_general(p, jnp.ones((N, 1), jnp.float32), dn,
                          preferred_element_type=jnp.float32)
    pooled = sums / jnp.maximum(cnt, 1.0)
    z1 = jnp.dot(pooled, wh1_ref[...], preferred_element_type=jnp.float32)
    z1 = jnp.maximum(z1 + bh1_ref[...], 0.0)
    z2 = jnp.dot(z1, wh2_ref[...], preferred_element_type=jnp.float32)
    out_ref[...] = z2 + bh2_ref[...]


_final_kernel = pl.pallas_call(
    _final_body,
    out_shape=jax.ShapeDtypeStruct((NG, NOUT), jnp.float32),
)



def kernel(x, edge_index, batch, W1s, b1s, g1s, be1s, W2s, b2s, g2s, be2s,
           Wh1, bh1, Wh2, bh2):
    src = edge_index[0]
    dst = edge_index[1]
    pad = EPAD - E
    srcp = jnp.concatenate([src, jnp.zeros((pad,), jnp.int32)])
    dstp = jnp.concatenate([dst, jnp.full((pad,), NPAD - 1, jnp.int32)])
    src3 = srcp.reshape(NW, K, CHUNK)
    dst3 = dstp.reshape(NW, K, CHUNK)

    zeros_big = jnp.zeros((NPAD, D), jnp.float32)
    ones_big = jnp.ones((CHUNK, D), jnp.float32)
    batch2d = batch.reshape(N, 1)

    ws = [W1s[0], W2s[0], W1s[1], W2s[1], W1s[2], W2s[2]]
    bs = [b1s[0], b2s[0], b1s[1], b2s[1], b1s[2], b2s[2]]
    gs = [g1s[0], g2s[0], g1s[1], g2s[1], g1s[2], g2s[2]]
    bes = [be1s[0], be2s[0], be1s[1], be2s[1], be1s[2], be2s[2]]
    bs = [b.reshape(1, D) for b in bs]
    gs = [g.reshape(1, D) for g in gs]
    bes = [b.reshape(1, D) for b in bes]

    degp = _run_deg(dst3, zeros_big, ones_big)
    dis, y = _prep_kernel(degp, x, ws[0])

    h_in = x
    out = None
    for i in range(6):
        zp = _run_scatter(y, src3, dst3, zeros_big)
        if i == 5:
            out = _final_kernel(zp, y, dis, bs[i], gs[i], bes[i], h_in,
                                batch2d, Wh1, bh1.reshape(1, NHID), Wh2,
                                bh2.reshape(1, NOUT))
        elif i % 2 == 0:
            y = _mid_even_kernel(zp, y, dis, bs[i], gs[i], bes[i], ws[i + 1])
        else:
            h_in, y = _mid_odd_kernel(zp, y, dis, bs[i], gs[i], bes[i], h_in,
                                      ws[i + 1])
    return out

# --- scband reference (transcript-rebuilt; emitter-appended) ---
"""Pipeline reference for scband-hybrid-encoder-75771813036527 (READ-ONLY COPY).

The authoritative reference and input builder live on the scoring server;
editing this copy changes nothing except your own understanding.
"""

import jax, jax.numpy as jnp
import numpy as np

N = 10000
E = 320000
D = 128
NBLK = 3
NG = 32
NHID = 256
NOUT = 768


def setup_inputs(seed: int = 0) -> dict:
    key = jax.random.key(seed)
    ks = jax.random.split(key, 12)
    x = jax.random.normal(ks[0], (N, D), dtype=jnp.float32)
    edge_index = jax.random.randint(ks[1], (2, E), 0, N, dtype=jnp.int32)
    batch = jnp.sort(jax.random.randint(ks[2], (N,), 0, NG, dtype=jnp.int32))
    W1s = jax.random.normal(ks[3], (NBLK, D, D), dtype=jnp.float32) * 0.05
    b1s = jnp.zeros((NBLK, D), dtype=jnp.float32)
    g1s = jnp.ones((NBLK, D), dtype=jnp.float32)
    be1s = jnp.zeros((NBLK, D), dtype=jnp.float32)
    W2s = jax.random.normal(ks[4], (NBLK, D, D), dtype=jnp.float32) * 0.05
    b2s = jnp.zeros((NBLK, D), dtype=jnp.float32)
    g2s = jnp.ones((NBLK, D), dtype=jnp.float32)
    be2s = jnp.zeros((NBLK, D), dtype=jnp.float32)
    Wh1 = jax.random.normal(ks[5], (D, NHID), dtype=jnp.float32) * 0.05
    bh1 = jnp.zeros((NHID,), dtype=jnp.float32)
    Wh2 = jax.random.normal(ks[6], (NHID, NOUT), dtype=jnp.float32) * 0.05
    bh2 = jnp.zeros((NOUT,), dtype=jnp.float32)
    return {"x": x, "edge_index": edge_index, "batch": batch,
            "W1s": W1s, "b1s": b1s, "g1s": g1s, "be1s": be1s,
            "W2s": W2s, "b2s": b2s, "g2s": g2s, "be2s": be2s,
            "Wh1": Wh1, "bh1": bh1, "Wh2": Wh2, "bh2": bh2}


def gcn_conv(x, edge_index, W, b):
    # PyG GCNConv: linear -> symmetric-normalized aggregation with self-loops -> + bias
    src, dst = edge_index[0], edge_index[1]
    loop = jnp.arange(N, dtype=src.dtype)
    src2 = jnp.concatenate([src, loop])
    dst2 = jnp.concatenate([dst, loop])
    deg = jax.ops.segment_sum(jnp.ones((src2.shape[0],), dtype=x.dtype), dst2, num_segments=N)
    dis = jnp.where(deg > 0, deg ** -0.5, 0.0)
    norm = dis[src2] * dis[dst2]
    xw = x @ W
    msg = xw[src2] * norm[:, None]
    out = jax.ops.segment_sum(msg, dst2, num_segments=N)
    return out + b


def batchnorm_train(h, g, b):
    # BatchNorm1d in training mode: batch statistics, biased variance
    m = jnp.mean(h, axis=0)
    v = jnp.var(h, axis=0)
    return (h - m) / jnp.sqrt(v + 1e-5) * g + b


def reference(x, edge_index, batch, W1s, b1s, g1s, be1s, W2s, b2s, g2s, be2s, Wh1, bh1, Wh2, bh2):
    h = x
    for i in range(NBLK):
        t = gcn_conv(h, edge_index, W1s[i], b1s[i])
        t = batchnorm_train(t, g1s[i], be1s[i])
        t = jax.nn.relu(t)
        t = gcn_conv(t, edge_index, W2s[i], b2s[i])
        t = batchnorm_train(t, g2s[i], be2s[i])
        t = jax.nn.relu(t)
        h = (t + h) / np.sqrt(2)
    # global_mean_pool over graph ids
    sums = jax.ops.segment_sum(h, batch, num_segments=NG)
    cnt = jax.ops.segment_sum(jnp.ones((N,), dtype=h.dtype), batch, num_segments=NG)
    pooled = sums / jnp.maximum(cnt, 1.0)[:, None]
    z = jax.nn.relu(pooled @ Wh1 + bh1)
    z = z @ Wh2 + bh2
    return z

if __name__ == "__main__":
    import jax
    _d = setup_inputs()
    print(jax.jit(kernel)(*tuple(_d.values())))

</pallas_src>

<mosaic_0001>
#map = affine_map<(d0, d1) -> (0, 0, 0)>
#map1 = affine_map<(d0, d1) -> (0, 0)>
module attributes {stable_mosaic.version = 14 : i64} {
  func.func @_sc_deg_body(%arg0: i32, %arg1: i32, %arg2: memref<32x79x128xi32, #tpu.memory_space<hbm>>, %arg3: memref<10240x128xf32, #tpu.memory_space<hbm>>, %arg4: memref<128x128xf32, #tpu.memory_space<hbm>>, %arg5: memref<2x10240x128xf32, #tpu.memory_space<hbm>>, %arg6: memref<79x128xi32, #tpu.memory_space<vmem>>, %arg7: memref<128x128xf32, #tpu.memory_space<vmem>>, %arg8: memref<10240x128xf32, #tpu.memory_space<vmem_shared>>) attributes {dimension_semantics = [#tpu.dimension_semantics<core_parallel>, #tpu.dimension_semantics<subcore_parallel>], iteration_bounds = array<i64: 2, 16>, scalar_prefetch = 0 : i64, scratch_operands = 3 : i64, tpu.core_type = #tpu.core_type<sc_vector_subcore>, window_params = [{transform_indices = #map}, {transform_indices = #map1}, {transform_indices = #map1}, {transform_indices = #map}]} {
    %mul3A = arith.constant 16 : i32
    %mul3A_0 = arith.muli %arg0, %mul3A : i32
    %add3A = arith.addi %mul3A_0, %arg1 : i32
    %mul3A_1 = arith.constant 640 : i32
    %mul3A_2 = arith.muli %arg1, %mul3A_1 : i32
    %mul3A_3 = arith.constant 640 : i32
    %mul3A_4 = arith.muli %arg1, %mul3A_3 : i32
    "tpu.region"() ({
      %run_scoped3A = tpu.sem_alloc : memref<!tpu.dma_semaphore, #tpu.memory_space<semaphore_mem>>
      %dma_start3A = arith.constant 0 : i32
      %dma_start3A_15 = tpu.memref_slice %arg8[%mul3A_4, %dma_start3A] : memref<10240x128xf32, #tpu.memory_space<vmem_shared>> -> memref<640x128xf32, #tpu.memory_space<vmem_shared>>
      %dma_start3A_16 = arith.constant 0 : i32
      %dma_start3A_17 = tpu.memref_slice %arg3[%mul3A_2, %dma_start3A_16] : memref<10240x128xf32, #tpu.memory_space<hbm>> -> memref<640x128xf32, #tpu.memory_space<hbm>>
      tpu.enqueue_dma source(%dma_start3A_17 : memref<640x128xf32, #tpu.memory_space<hbm>>) target(%dma_start3A_15 : memref<640x128xf32, #tpu.memory_space<vmem_shared>>) target_semaphore(%run_scoped3A : memref<!tpu.dma_semaphore, #tpu.memory_space<semaphore_mem>>)
      %dma_wait3A = arith.constant 0 : i32
      %dma_wait3A_18 = tpu.memref_slice %arg8[%mul3A_4, %dma_wait3A] : memref<10240x128xf32, #tpu.memory_space<vmem_shared>> -> memref<640x128xf32, #tpu.memory_space<vmem_shared>>
      %dma_wait3A_19 = arith.constant 0 : i32
      %dma_wait3A_20 = tpu.memref_slice %arg3[%mul3A_2, %dma_wait3A_19] : memref<10240x128xf32, #tpu.memory_space<hbm>> -> memref<640x128xf32, #tpu.memory_space<hbm>>
      tpu.wait_dma2 semaphore(%run_scoped3A : memref<!tpu.dma_semaphore, #tpu.memory_space<semaphore_mem>>) src(%dma_wait3A_20 : memref<640x128xf32, #tpu.memory_space<hbm>>) dst(%dma_wait3A_18 : memref<640x128xf32, #tpu.memory_space<vmem_shared>>)
      tpu.yield
    }) : () -> ()
    "tpu.region"() ({
      %run_scoped3A = tpu.sem_alloc : memref<!tpu.dma_semaphore, #tpu.memory_space<semaphore_mem>>
      %dma_start3A = arith.constant 0 : i32
      %dma_start3A_15 = arith.constant 0 : i32
      %dma_start3A_16 = tpu.memref_slice %arg2[%add3A, %dma_start3A, %dma_start3A_15] : memref<32x79x128xi32, #tpu.memory_space<hbm>> -> memref<1x79x128xi32, #tpu.memory_space<hbm>>
      %dma_start3A_17 = tpu.memref_squeeze %dma_start3A_16 : memref<1x79x128xi32, #tpu.memory_space<hbm>> -> memref<79x128xi32, #tpu.memory_space<hbm>>
      %dma_start3A_18 = arith.constant 0 : i32
      %dma_start3A_19 = arith.constant 0 : i32
      %dma_start3A_20 = tpu.memref_slice %arg2[%add3A, %dma_start3A_18, %dma_start3A_19] : memref<32x79x128xi32, #tpu.memory_space<hbm>> -> memref<1x79x128xi32, #tpu.memory_space<hbm>>
      %dma_start3A_21 = tpu.memref_squeeze %dma_start3A_20 : memref<1x79x128xi32, #tpu.memory_space<hbm>> -> memref<79x128xi32, #tpu.memory_space<hbm>>
      tpu.enqueue_dma source(%dma_start3A_21 : memref<79x128xi32, #tpu.memory_space<hbm>>) target(%arg6 : memref<79x128xi32, #tpu.memory_space<vmem>>) target_semaphore(%run_scoped3A : memref<!tpu.dma_semaphore, #tpu.memory_space<semaphore_mem>>)
      %dma_wait3A = arith.constant 0 : i32
      %dma_wait3A_22 = arith.constant 0 : i32
      %dma_wait3A_23 = tpu.memref_slice %arg2[%add3A, %dma_wait3A, %dma_wait3A_22] : memref<32x79x128xi32, #tpu.memory_space<hbm>> -> memref<1x79x128xi32, #tpu.memory_space<hbm>>
      %dma_wait3A_24 = tpu.memref_squeeze %dma_wait3A_23 : memref<1x79x128xi32, #tpu.memory_space<hbm>> -> memref<79x128xi32, #tpu.memory_space<hbm>>
      %dma_wait3A_25 = arith.constant 0 : i32
      %dma_wait3A_26 = arith.constant 0 : i32
      %dma_wait3A_27 = tpu.memref_slice %arg2[%add3A, %dma_wait3A_25, %dma_wait3A_26] : memref<32x79x128xi32, #tpu.memory_space<hbm>> -> memref<1x79x128xi32, #tpu.memory_space<hbm>>
      %dma_wait3A_28 = tpu.memref_squeeze %dma_wait3A_27 : memref<1x79x128xi32, #tpu.memory_space<hbm>> -> memref<79x128xi32, #tpu.memory_space<hbm>>
      tpu.wait_dma2 semaphore(%run_scoped3A : memref<!tpu.dma_semaphore, #tpu.memory_space<semaphore_mem>>) src(%dma_wait3A_28 : memref<79x128xi32, #tpu.memory_space<hbm>>) dst(%arg6 : memref<79x128xi32, #tpu.memory_space<vmem>>)
      tpu.yield
    }) : () -> ()
    "tpu.region"() ({
      %run_scoped3A = tpu.sem_alloc : memref<!tpu.dma_semaphore, #tpu.memory_space<semaphore_mem>>
      tpu.enqueue_dma source(%arg4 : memref<128x128xf32, #tpu.memory_space<hbm>>) target(%arg7 : memref<128x128xf32, #tpu.memory_space<vmem>>) target_semaphore(%run_scoped3A : memref<!tpu.dma_semaphore, #tpu.memory_space<semaphore_mem>>)
      tpu.wait_dma2 semaphore(%run_scoped3A : memref<!tpu.dma_semaphore, #tpu.memory_space<semaphore_mem>>) src(%arg4 : memref<128x128xf32, #tpu.memory_space<hbm>>) dst(%arg7 : memref<128x128xf32, #tpu.memory_space<vmem>>)
      tpu.yield
    }) : () -> ()
    %barrier3A = arith.constant 0 : index
    tpu.barrier barrier_id(%barrier3A)
    %scan3A = arith.constant 0 : i32
    %scan3A_5 = arith.constant 0 : i32
    %scan3A_6 = arith.constant 79 : i32
    %scan3A_7 = arith.addi %scan3A_5, %scan3A_6 : i32
    %scan3A_8 = arith.constant 1 : i32
    scf.for %scan3A_15 = %scan3A_5 to %scan3A_7 step %scan3A_8  : i32 {
      "tpu.region"() ({
        %run_scoped3A = tpu.sem_alloc : memref<!tpu.dma_semaphore, #tpu.memory_space<semaphore_mem>>
        %dma_start3A = arith.constant 0 : i32
        %dma_start3A_16 = tpu.memref_slice %arg6[%scan3A_15, %dma_start3A] : memref<79x128xi32, #tpu.memory_space<vmem>> -> memref<1x128xi32, #tpu.memory_space<vmem>>
        %dma_start3A_17 = tpu.memref_squeeze %dma_start3A_16 : memref<1x128xi32, #tpu.memory_space<vmem>> -> memref<128xi32, #tpu.memory_space<vmem>>
        %dma_start3A_18 = arith.constant 0 : i32
        %dma_start3A_19 = arith.constant 0 : i32
        %dma_start3A_20 = tpu.memref_slice %arg8[%dma_start3A_18, %dma_start3A_19] : memref<10240x128xf32, #tpu.memory_space<vmem_shared>> -> memref<10240x128xf32, #tpu.memory_space<vmem_shared>>
        tpu.enqueue_indirect_dma source(%arg7 : memref<128x128xf32, #tpu.memory_space<vmem>>) target(%dma_start3A_20 : memref<10240x128xf32, #tpu.memory_space<vmem_shared>>) offsets(%dma_start3A_17 : memref<128xi32, #tpu.memory_space<vmem>>) semaphore(%run_scoped3A : memref<!tpu.dma_semaphore, #tpu.memory_space<semaphore_mem>>) {add = true}
        %dma_wait3A = arith.constant 0 : i32
        %dma_wait3A_21 = tpu.memref_slice %arg6[%scan3A_15, %dma_wait3A] : memref<79x128xi32, #tpu.memory_space<vmem>> -> memref<1x128xi32, #tpu.memory_space<vmem>>
        %dma_wait3A_22 = tpu.memref_squeeze %dma_wait3A_21 : memref<1x128xi32, #tpu.memory_space<vmem>> -> memref<128xi32, #tpu.memory_space<vmem>>
        %dma_wait3A_23 = arith.constant 0 : i32
        %dma_wait3A_24 = arith.constant 0 : i32
        %dma_wait3A_25 = tpu.memref_slice %arg8[%dma_wait3A_23, %dma_wait3A_24] : memref<10240x128xf32, #tpu.memory_space<vmem_shared>> -> memref<10240x128xf32, #tpu.memory_space<vmem_shared>>
        tpu.wait_indirect_dma semaphore(%run_scoped3A : memref<!tpu.dma_semaphore, #tpu.memory_space<semaphore_mem>>) src(%arg7 : memref<128x128xf32, #tpu.memory_space<vmem>>) dst(%dma_wait3A_25 : memref<10240x128xf32, #tpu.memory_space<vmem_shared>>)
        tpu.yield
      }) : () -> ()
    }
    %scan3A_9 = arith.constant 79 : i32
    %barrier3A_10 = arith.constant 0 : index
    tpu.barrier barrier_id(%barrier3A_10)
    %mul3A_11 = arith.constant 640 : i32
    %mul3A_12 = arith.muli %arg1, %mul3A_11 : i32
    %mul3A_13 = arith.constant 640 : i32
    %mul3A_14 = arith.muli %arg1, %mul3A_13 : i32
    "tpu.region"() ({
      %run_scoped3A = tpu.sem_alloc : memref<!tpu.dma_semaphore, #tpu.memory_space<semaphore_mem>>
      %dma_start3A = arith.constant 0 : i32
      %dma_start3A_15 = tpu.memref_slice %arg5[%arg0, %mul3A_14, %dma_start3A] : memref<2x10240x128xf32, #tpu.memory_space<hbm>> -> memref<1x640x128xf32, #tpu.memory_space<hbm>>
      %dma_start3A_16 = tpu.memref_squeeze %dma_start3A_15 : memref<1x640x128xf32, #tpu.memory_space<hbm>> -> memref<640x128xf32, #tpu.memory_space<hbm>>
      %dma_start3A_17 = arith.constant 0 : i32
      %dma_start3A_18 = tpu.memref_slice %arg8[%mul3A_12, %dma_start3A_17] : memref<10240x128xf32, #tpu.memory_space<vmem_shared>> -> memref<640x128xf32, #tpu.memory_space<vmem_shared>>
      tpu.enqueue_dma source(%dma_start3A_18 : memref<640x128xf32, #tpu.memory_space<vmem_shared>>) target(%dma_start3A_16 : memref<640x128xf32, #tpu.memory_space<hbm>>) target_semaphore(%run_scoped3A : memref<!tpu.dma_semaphore, #tpu.memory_space<semaphore_mem>>)
      %dma_wait3A = arith.constant 0 : i32
      %dma_wait3A_19 = tpu.memref_slice %arg5[%arg0, %mul3A_14, %dma_wait3A] : memref<2x10240x128xf32, #tpu.memory_space<hbm>> -> memref<1x640x128xf32, #tpu.memory_space<hbm>>
      %dma_wait3A_20 = tpu.memref_squeeze %dma_wait3A_19 : memref<1x640x128xf32, #tpu.memory_space<hbm>> -> memref<640x128xf32, #tpu.memory_space<hbm>>
      %dma_wait3A_21 = arith.constant 0 : i32
      %dma_wait3A_22 = tpu.memref_slice %arg8[%mul3A_12, %dma_wait3A_21] : memref<10240x128xf32, #tpu.memory_space<vmem_shared>> -> memref<640x128xf32, #tpu.memory_space<vmem_shared>>
      tpu.wait_dma2 semaphore(%run_scoped3A : memref<!tpu.dma_semaphore, #tpu.memory_space<semaphore_mem>>) src(%dma_wait3A_22 : memref<640x128xf32, #tpu.memory_space<vmem_shared>>) dst(%dma_wait3A_20 : memref<640x128xf32, #tpu.memory_space<hbm>>)
      tpu.yield
    }) : () -> ()
    return
  }
}

#map = affine_map<(d0, d1) -> (0, 0)>
#map1 = affine_map<(d0, d1) -> (0, 0, 0)>
module attributes {stable_mosaic.version = 14 : i64} {
  func.func @_sc_scatter_body(%arg0: i32, %arg1: i32, %arg2: memref<10000x128xf32, #tpu.memory_space<hbm>>, %arg3: memref<32x79x128xi32, #tpu.memory_space<hbm>>, %arg4: memref<32x79x128xi32, #tpu.memory_space<hbm>>, %arg5: memref<10240x128xf32, #tpu.memory_space<hbm>>, %arg6: memref<2x10240x128xf32, #tpu.memory_space<hbm>>, %arg7: memref<79x128xi32, #tpu.memory_space<vmem>>, %arg8: memref<79x128xi32, #tpu.memory_space<vmem>>, %arg9: memref<128x128xf32, #tpu.memory_space<vmem>>, %arg10: memref<10240x128xf32, #tpu.memory_space<vmem_shared>>, %arg11: memref<!tpu.dma_semaphore, #tpu.memory_space<semaphore_mem>>) attributes {dimension_semantics = [#tpu.dimension_semantics<core_parallel>, #tpu.dimension_semantics<subcore_parallel>], iteration_bounds = array<i64: 2, 16>, scalar_prefetch = 0 : i64, scratch_operands = 5 : i64, tpu.core_type = #tpu.core_type<sc_vector_subcore>, window_params = [{transform_indices = #map}, {transform_indices = #map1}, {transform_indices = #map1}, {transform_indices = #map}, {transform_indices = #map1}]} {
    %mul3A = arith.constant 16 : i32
    %mul3A_0 = arith.muli %arg0, %mul3A : i32
    %add3A = arith.addi %mul3A_0, %arg1 : i32
    %mul3A_1 = arith.constant 640 : i32
    %mul3A_2 = arith.muli %arg1, %mul3A_1 : i32
    %mul3A_3 = arith.constant 640 : i32
    %mul3A_4 = arith.muli %arg1, %mul3A_3 : i32
    "tpu.region"() ({
      %run_scoped3A = tpu.sem_alloc : memref<!tpu.dma_semaphore, #tpu.memory_space<semaphore_mem>>
      %dma_start3A = arith.constant 0 : i32
      %dma_start3A_15 = tpu.memref_slice %arg10[%mul3A_4, %dma_start3A] : memref<10240x128xf32, #tpu.memory_space<vmem_shared>> -> memref<640x128xf32, #tpu.memory_space<vmem_shared>>
      %dma_start3A_16 = arith.constant 0 : i32
      %dma_start3A_17 = tpu.memref_slice %arg5[%mul3A_2, %dma_start3A_16] : memref<10240x128xf32, #tpu.memory_space<hbm>> -> memref<640x128xf32, #tpu.memory_space<hbm>>
      tpu.enqueue_dma source(%dma_start3A_17 : memref<640x128xf32, #tpu.memory_space<hbm>>) target(%dma_start3A_15 : memref<640x128xf32, #tpu.memory_space<vmem_shared>>) target_semaphore(%run_scoped3A : memref<!tpu.dma_semaphore, #tpu.memory_space<semaphore_mem>>)
      %dma_wait3A = arith.constant 0 : i32
      %dma_wait3A_18 = tpu.memref_slice %arg10[%mul3A_4, %dma_wait3A] : memref<10240x128xf32, #tpu.memory_space<vmem_shared>> -> memref<640x128xf32, #tpu.memory_space<vmem_shared>>
      %dma_wait3A_19 = arith.constant 0 : i32
      %dma_wait3A_20 = tpu.memref_slice %arg5[%mul3A_2, %dma_wait3A_19] : memref<10240x128xf32, #tpu.memory_space<hbm>> -> memref<640x128xf32, #tpu.memory_space<hbm>>
      tpu.wait_dma2 semaphore(%run_scoped3A : memref<!tpu.dma_semaphore, #tpu.memory_space<semaphore_mem>>) src(%dma_wait3A_20 : memref<640x128xf32, #tpu.memory_space<hbm>>) dst(%dma_wait3A_18 : memref<640x128xf32, #tpu.memory_space<vmem_shared>>)
      tpu.yield
    }) : () -> ()
    "tpu.region"() ({
      %run_scoped3A = tpu.sem_alloc : memref<!tpu.dma_semaphore, #tpu.memory_space<semaphore_mem>>
      %dma_start3A = arith.constant 0 : i32
      %dma_start3A_15 = arith.constant 0 : i32
      %dma_start3A_16 = tpu.memref_slice %arg3[%add3A, %dma_start3A, %dma_start3A_15] : memref<32x79x128xi32, #tpu.memory_space<hbm>> -> memref<1x79x128xi32, #tpu.memory_space<hbm>>
      %dma_start3A_17 = tpu.memref_squeeze %dma_start3A_16 : memref<1x79x128xi32, #tpu.memory_space<hbm>> -> memref<79x128xi32, #tpu.memory_space<hbm>>
      %dma_start3A_18 = arith.constant 0 : i32
      %dma_start3A_19 = arith.constant 0 : i32
      %dma_start3A_20 = tpu.memref_slice %arg3[%add3A, %dma_start3A_18, %dma_start3A_19] : memref<32x79x128xi32, #tpu.memory_space<hbm>> -> memref<1x79x128xi32, #tpu.memory_space<hbm>>
      %dma_start3A_21 = tpu.memref_squeeze %dma_start3A_20 : memref<1x79x128xi32, #tpu.memory_space<hbm>> -> memref<79x128xi32, #tpu.memory_space<hbm>>
      tpu.enqueue_dma source(%dma_start3A_21 : memref<79x128xi32, #tpu.memory_space<hbm>>) target(%arg7 : memref<79x128xi32, #tpu.memory_space<vmem>>) target_semaphore(%run_scoped3A : memref<!tpu.dma_semaphore, #tpu.memory_space<semaphore_mem>>)
      %dma_wait3A = arith.constant 0 : i32
      %dma_wait3A_22 = arith.constant 0 : i32
      %dma_wait3A_23 = tpu.memref_slice %arg3[%add3A, %dma_wait3A, %dma_wait3A_22] : memref<32x79x128xi32, #tpu.memory_space<hbm>> -> memref<1x79x128xi32, #tpu.memory_space<hbm>>
      %dma_wait3A_24 = tpu.memref_squeeze %dma_wait3A_23 : memref<1x79x128xi32, #tpu.memory_space<hbm>> -> memref<79x128xi32, #tpu.memory_space<hbm>>
      %dma_wait3A_25 = arith.constant 0 : i32
      %dma_wait3A_26 = arith.constant 0 : i32
      %dma_wait3A_27 = tpu.memref_slice %arg3[%add3A, %dma_wait3A_25, %dma_wait3A_26] : memref<32x79x128xi32, #tpu.memory_space<hbm>> -> memref<1x79x128xi32, #tpu.memory_space<hbm>>
      %dma_wait3A_28 = tpu.memref_squeeze %dma_wait3A_27 : memref<1x79x128xi32, #tpu.memory_space<hbm>> -> memref<79x128xi32, #tpu.memory_space<hbm>>
      tpu.wait_dma2 semaphore(%run_scoped3A : memref<!tpu.dma_semaphore, #tpu.memory_space<semaphore_mem>>) src(%dma_wait3A_28 : memref<79x128xi32, #tpu.memory_space<hbm>>) dst(%arg7 : memref<79x128xi32, #tpu.memory_space<vmem>>)
      tpu.yield
    }) : () -> ()
    "tpu.region"() ({
      %run_scoped3A = tpu.sem_alloc : memref<!tpu.dma_semaphore, #tpu.memory_space<semaphore_mem>>
      %dma_start3A = arith.constant 0 : i32
      %dma_start3A_15 = arith.constant 0 : i32
      %dma_start3A_16 = tpu.memref_slice %arg4[%add3A, %dma_start3A, %dma_start3A_15] : memref<32x79x128xi32, #tpu.memory_space<hbm>> -> memref<1x79x128xi32, #tpu.memory_space<hbm>>
      %dma_start3A_17 = tpu.memref_squeeze %dma_start3A_16 : memref<1x79x128xi32, #tpu.memory_space<hbm>> -> memref<79x128xi32, #tpu.memory_space<hbm>>
      %dma_start3A_18 = arith.constant 0 : i32
      %dma_start3A_19 = arith.constant 0 : i32
      %dma_start3A_20 = tpu.memref_slice %arg4[%add3A, %dma_start3A_18, %dma_start3A_19] : memref<32x79x128xi32, #tpu.memory_space<hbm>> -> memref<1x79x128xi32, #tpu.memory_space<hbm>>
      %dma_start3A_21 = tpu.memref_squeeze %dma_start3A_20 : memref<1x79x128xi32, #tpu.memory_space<hbm>> -> memref<79x128xi32, #tpu.memory_space<hbm>>
      tpu.enqueue_dma source(%dma_start3A_21 : memref<79x128xi32, #tpu.memory_space<hbm>>) target(%arg8 : memref<79x128xi32, #tpu.memory_space<vmem>>) target_semaphore(%run_scoped3A : memref<!tpu.dma_semaphore, #tpu.memory_space<semaphore_mem>>)
      %dma_wait3A = arith.constant 0 : i32
      %dma_wait3A_22 = arith.constant 0 : i32
      %dma_wait3A_23 = tpu.memref_slice %arg4[%add3A, %dma_wait3A, %dma_wait3A_22] : memref<32x79x128xi32, #tpu.memory_space<hbm>> -> memref<1x79x128xi32, #tpu.memory_space<hbm>>
      %dma_wait3A_24 = tpu.memref_squeeze %dma_wait3A_23 : memref<1x79x128xi32, #tpu.memory_space<hbm>> -> memref<79x128xi32, #tpu.memory_space<hbm>>
      %dma_wait3A_25 = arith.constant 0 : i32
      %dma_wait3A_26 = arith.constant 0 : i32
      %dma_wait3A_27 = tpu.memref_slice %arg4[%add3A, %dma_wait3A_25, %dma_wait3A_26] : memref<32x79x128xi32, #tpu.memory_space<hbm>> -> memref<1x79x128xi32, #tpu.memory_space<hbm>>
      %dma_wait3A_28 = tpu.memref_squeeze %dma_wait3A_27 : memref<1x79x128xi32, #tpu.memory_space<hbm>> -> memref<79x128xi32, #tpu.memory_space<hbm>>
      tpu.wait_dma2 semaphore(%run_scoped3A : memref<!tpu.dma_semaphore, #tpu.memory_space<semaphore_mem>>) src(%dma_wait3A_28 : memref<79x128xi32, #tpu.memory_space<hbm>>) dst(%arg8 : memref<79x128xi32, #tpu.memory_space<vmem>>)
      tpu.yield
    }) : () -> ()
    %barrier3A = arith.constant 0 : index
    tpu.barrier barrier_id(%barrier3A)
    %scan3A = arith.constant 0 : i32
    %scan3A_5 = arith.constant 0 : i32
    %scan3A_6 = arith.constant 79 : i32
    %scan3A_7 = arith.addi %scan3A_5, %scan3A_6 : i32
    %scan3A_8 = arith.constant 1 : i32
    scf.for %scan3A_15 = %scan3A_5 to %scan3A_7 step %scan3A_8  : i32 {
      %dma_start3A = arith.constant 0 : i32
      %dma_start3A_16 = tpu.memref_slice %arg7[%scan3A_15, %dma_start3A] : memref<79x128xi32, #tpu.memory_space<vmem>> -> memref<1x128xi32, #tpu.memory_space<vmem>>
      %dma_start3A_17 = tpu.memref_squeeze %dma_start3A_16 : memref<1x128xi32, #tpu.memory_space<vmem>> -> memref<128xi32, #tpu.memory_space<vmem>>
      %dma_start3A_18 = arith.constant 0 : i32
      %dma_start3A_19 = arith.constant 0 : i32
      %dma_start3A_20 = tpu.memref_slice %arg2[%dma_start3A_18, %dma_start3A_19] : memref<10000x128xf32, #tpu.memory_space<hbm>> -> memref<10000x128xf32, #tpu.memory_space<hbm>>
      tpu.enqueue_indirect_dma source(%dma_start3A_20 : memref<10000x128xf32, #tpu.memory_space<hbm>>) target(%arg9 : memref<128x128xf32, #tpu.memory_space<vmem>>) offsets(%dma_start3A_17 : memref<128xi32, #tpu.memory_space<vmem>>) semaphore(%arg11 : memref<!tpu.dma_semaphore, #tpu.memory_space<semaphore_mem>>)
      %dma_wait3A = arith.constant 0 : i32
      %dma_wait3A_21 = tpu.memref_slice %arg7[%scan3A_15, %dma_wait3A] : memref<79x128xi32, #tpu.memory_space<vmem>> -> memref<1x128xi32, #tpu.memory_space<vmem>>
      %dma_wait3A_22 = tpu.memref_squeeze %dma_wait3A_21 : memref<1x128xi32, #tpu.memory_space<vmem>> -> memref<128xi32, #tpu.memory_space<vmem>>
      %dma_wait3A_23 = arith.constant 0 : i32
      %dma_wait3A_24 = arith.constant 0 : i32
      %dma_wait3A_25 = tpu.memref_slice %arg2[%dma_wait3A_23, %dma_wait3A_24] : memref<10000x128xf32, #tpu.memory_space<hbm>> -> memref<10000x128xf32, #tpu.memory_space<hbm>>
      tpu.wait_indirect_dma semaphore(%arg11 : memref<!tpu.dma_semaphore, #tpu.memory_space<semaphore_mem>>) src(%dma_wait3A_25 : memref<10000x128xf32, #tpu.memory_space<hbm>>) dst(%arg9 : memref<128x128xf32, #tpu.memory_space<vmem>>)
      "tpu.region"() ({
        %run_scoped3A = tpu.sem_alloc : memref<!tpu.dma_semaphore, #tpu.memory_space<semaphore_mem>>
        %dma_start3A_26 = arith.constant 0 : i32
        %dma_start3A_27 = tpu.memref_slice %arg8[%scan3A_15, %dma_start3A_26] : memref<79x128xi32, #tpu.memory_space<vmem>> -> memref<1x128xi32, #tpu.memory_space<vmem>>
        %dma_start3A_28 = tpu.memref_squeeze %dma_start3A_27 : memref<1x128xi32, #tpu.memory_space<vmem>> -> memref<128xi32, #tpu.memory_space<vmem>>
        %dma_start3A_29 = arith.constant 0 : i32
        %dma_start3A_30 = arith.constant 0 : i32
        %dma_start3A_31 = tpu.memref_slice %arg10[%dma_start3A_29, %dma_start3A_30] : memref<10240x128xf32, #tpu.memory_space<vmem_shared>> -> memref<10240x128xf32, #tpu.memory_space<vmem_shared>>
        tpu.enqueue_indirect_dma source(%arg9 : memref<128x128xf32, #tpu.memory_space<vmem>>) target(%dma_start3A_31 : memref<10240x128xf32, #tpu.memory_space<vmem_shared>>) offsets(%dma_start3A_28 : memref<128xi32, #tpu.memory_space<vmem>>) semaphore(%run_scoped3A : memref<!tpu.dma_semaphore, #tpu.memory_space<semaphore_mem>>) {add = true}
        %dma_wait3A_32 = arith.constant 0 : i32
        %dma_wait3A_33 = tpu.memref_slice %arg8[%scan3A_15, %dma_wait3A_32] : memref<79x128xi32, #tpu.memory_space<vmem>> -> memref<1x128xi32, #tpu.memory_space<vmem>>
        %dma_wait3A_34 = tpu.memref_squeeze %dma_wait3A_33 : memref<1x128xi32, #tpu.memory_space<vmem>> -> memref<128xi32, #tpu.memory_space<vmem>>
        %dma_wait3A_35 = arith.constant 0 : i32
        %dma_wait3A_36 = arith.constant 0 : i32
        %dma_wait3A_37 = tpu.memref_slice %arg10[%dma_wait3A_35, %dma_wait3A_36] : memref<10240x128xf32, #tpu.memory_space<vmem_shared>> -> memref<10240x128xf32, #tpu.memory_space<vmem_shared>>
        tpu.wait_indirect_dma semaphore(%run_scoped3A : memref<!tpu.dma_semaphore, #tpu.memory_space<semaphore_mem>>) src(%arg9 : memref<128x128xf32, #tpu.memory_space<vmem>>) dst(%dma_wait3A_37 : memref<10240x128xf32, #tpu.memory_space<vmem_shared>>)
        tpu.yield
      }) : () -> ()
    }
    %scan3A_9 = arith.constant 79 : i32
    %barrier3A_10 = arith.constant 0 : index
    tpu.barrier barrier_id(%barrier3A_10)
    %mul3A_11 = arith.constant 640 : i32
    %mul3A_12 = arith.muli %arg1, %mul3A_11 : i32
    %mul3A_13 = arith.constant 640 : i32
    %mul3A_14 = arith.muli %arg1, %mul3A_13 : i32
    "tpu.region"() ({
      %run_scoped3A = tpu.sem_alloc : memref<!tpu.dma_semaphore, #tpu.memory_space<semaphore_mem>>
      %dma_start3A = arith.constant 0 : i32
      %dma_start3A_15 = tpu.memref_slice %arg6[%arg0, %mul3A_14, %dma_start3A] : memref<2x10240x128xf32, #tpu.memory_space<hbm>> -> memref<1x640x128xf32, #tpu.memory_space<hbm>>
      %dma_start3A_16 = tpu.memref_squeeze %dma_start3A_15 : memref<1x640x128xf32, #tpu.memory_space<hbm>> -> memref<640x128xf32, #tpu.memory_space<hbm>>
      %dma_start3A_17 = arith.constant 0 : i32
      %dma_start3A_18 = tpu.memref_slice %arg10[%mul3A_12, %dma_start3A_17] : memref<10240x128xf32, #tpu.memory_space<vmem_shared>> -> memref<640x128xf32, #tpu.memory_space<vmem_shared>>
      tpu.enqueue_dma source(%dma_start3A_18 : memref<640x128xf32, #tpu.memory_space<vmem_shared>>) target(%dma_start3A_16 : memref<640x128xf32, #tpu.memory_space<hbm>>) target_semaphore(%run_scoped3A : memref<!tpu.dma_semaphore, #tpu.memory_space<semaphore_mem>>)
      %dma_wait3A = arith.constant 0 : i32
      %dma_wait3A_19 = tpu.memref_slice %arg6[%arg0, %mul3A_14, %dma_wait3A] : memref<2x10240x128xf32, #tpu.memory_space<hbm>> -> memref<1x640x128xf32, #tpu.memory_space<hbm>>
      %dma_wait3A_20 = tpu.memref_squeeze %dma_wait3A_19 : memref<1x640x128xf32, #tpu.memory_space<hbm>> -> memref<640x128xf32, #tpu.memory_space<hbm>>
      %dma_wait3A_21 = arith.constant 0 : i32
      %dma_wait3A_22 = tpu.memref_slice %arg10[%mul3A_12, %dma_wait3A_21] : memref<10240x128xf32, #tpu.memory_space<vmem_shared>> -> memref<640x128xf32, #tpu.memory_space<vmem_shared>>
      tpu.wait_dma2 semaphore(%run_scoped3A : memref<!tpu.dma_semaphore, #tpu.memory_space<semaphore_mem>>) src(%dma_wait3A_22 : memref<640x128xf32, #tpu.memory_space<vmem_shared>>) dst(%dma_wait3A_20 : memref<640x128xf32, #tpu.memory_space<hbm>>)
      tpu.yield
    }) : () -> ()
    return
  }
}

#map = affine_map<(d0, d1) -> (0, 0)>
#map1 = affine_map<(d0, d1) -> (0, 0, 0)>
module attributes {stable_mosaic.version = 14 : i64} {
  func.func @_sc_scatter_body(%arg0: i32, %arg1: i32, %arg2: memref<10000x128xf32, #tpu.memory_space<hbm>>, %arg3: memref<32x79x128xi32, #tpu.memory_space<hbm>>, %arg4: memref<32x79x128xi32, #tpu.memory_space<hbm>>, %arg5: memref<10240x128xf32, #tpu.memory_space<hbm>>, %arg6: memref<2x10240x128xf32, #tpu.memory_space<hbm>>, %arg7: memref<79x128xi32, #tpu.memory_space<vmem>>, %arg8: memref<79x128xi32, #tpu.memory_space<vmem>>, %arg9: memref<128x128xf32, #tpu.memory_space<vmem>>, %arg10: memref<10240x128xf32, #tpu.memory_space<vmem_shared>>, %arg11: memref<!tpu.dma_semaphore, #tpu.memory_space<semaphore_mem>>) attributes {dimension_semantics = [#tpu.dimension_semantics<core_parallel>, #tpu.dimension_semantics<subcore_parallel>], iteration_bounds = array<i64: 2, 16>, scalar_prefetch = 0 : i64, scratch_operands = 5 : i64, tpu.core_type = #tpu.core_type<sc_vector_subcore>, window_params = [{transform_indices = #map}, {transform_indices = #map1}, {transform_indices = #map1}, {transform_indices = #map}, {transform_indices = #map1}]} {
    %mul3A = arith.constant 16 : i32
    %mul3A_0 = arith.muli %arg0, %mul3A : i32
    %add3A = arith.addi %mul3A_0, %arg1 : i32
    %mul3A_1 = arith.constant 640 : i32
    %mul3A_2 = arith.muli %arg1, %mul3A_1 : i32
    %mul3A_3 = arith.constant 640 : i32
    %mul3A_4 = arith.muli %arg1, %mul3A_3 : i32
    "tpu.region"() ({
      %run_scoped3A = tpu.sem_alloc : memref<!tpu.dma_semaphore, #tpu.memory_space<semaphore_mem>>
      %dma_start3A = arith.constant 0 : i32
      %dma_start3A_15 = tpu.memref_slice %arg10[%mul3A_4, %dma_start3A] : memref<10240x128xf32, #tpu.memory_space<vmem_shared>> -> memref<640x128xf32, #tpu.memory_space<vmem_shared>>
      %dma_start3A_16 = arith.constant 0 : i32
      %dma_start3A_17 = tpu.memref_slice %arg5[%mul3A_2, %dma_start3A_16] : memref<10240x128xf32, #tpu.memory_space<hbm>> -> memref<640x128xf32, #tpu.memory_space<hbm>>
      tpu.enqueue_dma source(%dma_start3A_17 : memref<640x128xf32, #tpu.memory_space<hbm>>) target(%dma_start3A_15 : memref<640x128xf32, #tpu.memory_space<vmem_shared>>) target_semaphore(%run_scoped3A : memref<!tpu.dma_semaphore, #tpu.memory_space<semaphore_mem>>)
      %dma_wait3A = arith.constant 0 : i32
      %dma_wait3A_18 = tpu.memref_slice %arg10[%mul3A_4, %dma_wait3A] : memref<10240x128xf32, #tpu.memory_space<vmem_shared>> -> memref<640x128xf32, #tpu.memory_space<vmem_shared>>
      %dma_wait3A_19 = arith.constant 0 : i32
      %dma_wait3A_20 = tpu.memref_slice %arg5[%mul3A_2, %dma_wait3A_19] : memref<10240x128xf32, #tpu.memory_space<hbm>> -> memref<640x128xf32, #tpu.memory_space<hbm>>
      tpu.wait_dma2 semaphore(%run_scoped3A : memref<!tpu.dma_semaphore, #tpu.memory_space<semaphore_mem>>) src(%dma_wait3A_20 : memref<640x128xf32, #tpu.memory_space<hbm>>) dst(%dma_wait3A_18 : memref<640x128xf32, #tpu.memory_space<vmem_shared>>)
      tpu.yield
    }) : () -> ()
    "tpu.region"() ({
      %run_scoped3A = tpu.sem_alloc : memref<!tpu.dma_semaphore, #tpu.memory_space<semaphore_mem>>
      %dma_start3A = arith.constant 0 : i32
      %dma_start3A_15 = arith.constant 0 : i32
      %dma_start3A_16 = tpu.memref_slice %arg3[%add3A, %dma_start3A, %dma_start3A_15] : memref<32x79x128xi32, #tpu.memory_space<hbm>> -> memref<1x79x128xi32, #tpu.memory_space<hbm>>
      %dma_start3A_17 = tpu.memref_squeeze %dma_start3A_16 : memref<1x79x128xi32, #tpu.memory_space<hbm>> -> memref<79x128xi32, #tpu.memory_space<hbm>>
      %dma_start3A_18 = arith.constant 0 : i32
      %dma_start3A_19 = arith.constant 0 : i32
      %dma_start3A_20 = tpu.memref_slice %arg3[%add3A, %dma_start3A_18, %dma_start3A_19] : memref<32x79x128xi32, #tpu.memory_space<hbm>> -> memref<1x79x128xi32, #tpu.memory_space<hbm>>
      %dma_start3A_21 = tpu.memref_squeeze %dma_start3A_20 : memref<1x79x128xi32, #tpu.memory_space<hbm>> -> memref<79x128xi32, #tpu.memory_space<hbm>>
      tpu.enqueue_dma source(%dma_start3A_21 : memref<79x128xi32, #tpu.memory_space<hbm>>) target(%arg7 : memref<79x128xi32, #tpu.memory_space<vmem>>) target_semaphore(%run_scoped3A : memref<!tpu.dma_semaphore, #tpu.memory_space<semaphore_mem>>)
      %dma_wait3A = arith.constant 0 : i32
      %dma_wait3A_22 = arith.constant 0 : i32
      %dma_wait3A_23 = tpu.memref_slice %arg3[%add3A, %dma_wait3A, %dma_wait3A_22] : memref<32x79x128xi32, #tpu.memory_space<hbm>> -> memref<1x79x128xi32, #tpu.memory_space<hbm>>
      %dma_wait3A_24 = tpu.memref_squeeze %dma_wait3A_23 : memref<1x79x128xi32, #tpu.memory_space<hbm>> -> memref<79x128xi32, #tpu.memory_space<hbm>>
      %dma_wait3A_25 = arith.constant 0 : i32
      %dma_wait3A_26 = arith.constant 0 : i32
      %dma_wait3A_27 = tpu.memref_slice %arg3[%add3A, %dma_wait3A_25, %dma_wait3A_26] : memref<32x79x128xi32, #tpu.memory_space<hbm>> -> memref<1x79x128xi32, #tpu.memory_space<hbm>>
      %dma_wait3A_28 = tpu.memref_squeeze %dma_wait3A_27 : memref<1x79x128xi32, #tpu.memory_space<hbm>> -> memref<79x128xi32, #tpu.memory_space<hbm>>
      tpu.wait_dma2 semaphore(%run_scoped3A : memref<!tpu.dma_semaphore, #tpu.memory_space<semaphore_mem>>) src(%dma_wait3A_28 : memref<79x128xi32, #tpu.memory_space<hbm>>) dst(%arg7 : memref<79x128xi32, #tpu.memory_space<vmem>>)
      tpu.yield
    }) : () -> ()
    "tpu.region"() ({
      %run_scoped3A = tpu.sem_alloc : memref<!tpu.dma_semaphore, #tpu.memory_space<semaphore_mem>>
      %dma_start3A = arith.constant 0 : i32
      %dma_start3A_15 = arith.constant 0 : i32
      %dma_start3A_16 = tpu.memref_slice %arg4[%add3A, %dma_start3A, %dma_start3A_15] : memref<32x79x128xi32, #tpu.memory_space<hbm>> -> memref<1x79x128xi32, #tpu.memory_space<hbm>>
      %dma_start3A_17 = tpu.memref_squeeze %dma_start3A_16 : memref<1x79x128xi32, #tpu.memory_space<hbm>> -> memref<79x128xi32, #tpu.memory_space<hbm>>
      %dma_start3A_18 = arith.constant 0 : i32
      %dma_start3A_19 = arith.constant 0 : i32
      %dma_start3A_20 = tpu.memref_slice %arg4[%add3A, %dma_start3A_18, %dma_start3A_19] : memref<32x79x128xi32, #tpu.memory_space<hbm>> -> memref<1x79x128xi32, #tpu.memory_space<hbm>>
      %dma_start3A_21 = tpu.memref_squeeze %dma_start3A_20 : memref<1x79x128xi32, #tpu.memory_space<hbm>> -> memref<79x128xi32, #tpu.memory_space<hbm>>
      tpu.enqueue_dma source(%dma_start3A_21 : memref<79x128xi32, #tpu.memory_space<hbm>>) target(%arg8 : memref<79x128xi32, #tpu.memory_space<vmem>>) target_semaphore(%run_scoped3A : memref<!tpu.dma_semaphore, #tpu.memory_space<semaphore_mem>>)
      %dma_wait3A = arith.constant 0 : i32
      %dma_wait3A_22 = arith.constant 0 : i32
      %dma_wait3A_23 = tpu.memref_slice %arg4[%add3A, %dma_wait3A, %dma_wait3A_22] : memref<32x79x128xi32, #tpu.memory_space<hbm>> -> memref<1x79x128xi32, #tpu.memory_space<hbm>>
      %dma_wait3A_24 = tpu.memref_squeeze %dma_wait3A_23 : memref<1x79x128xi32, #tpu.memory_space<hbm>> -> memref<79x128xi32, #tpu.memory_space<hbm>>
      %dma_wait3A_25 = arith.constant 0 : i32
      %dma_wait3A_26 = arith.constant 0 : i32
      %dma_wait3A_27 = tpu.memref_slice %arg4[%add3A, %dma_wait3A_25, %dma_wait3A_26] : memref<32x79x128xi32, #tpu.memory_space<hbm>> -> memref<1x79x128xi32, #tpu.memory_space<hbm>>
      %dma_wait3A_28 = tpu.memref_squeeze %dma_wait3A_27 : memref<1x79x128xi32, #tpu.memory_space<hbm>> -> memref<79x128xi32, #tpu.memory_space<hbm>>
      tpu.wait_dma2 semaphore(%run_scoped3A : memref<!tpu.dma_semaphore, #tpu.memory_space<semaphore_mem>>) src(%dma_wait3A_28 : memref<79x128xi32, #tpu.memory_space<hbm>>) dst(%arg8 : memref<79x128xi32, #tpu.memory_space<vmem>>)
      tpu.yield
    }) : () -> ()
    %barrier3A = arith.constant 0 : index
    tpu.barrier barrier_id(%barrier3A)
    %scan3A = arith.constant 0 : i32
    %scan3A_5 = arith.constant 0 : i32
    %scan3A_6 = arith.constant 79 : i32
    %scan3A_7 = arith.addi %scan3A_5, %scan3A_6 : i32
    %scan3A_8 = arith.constant 1 : i32
    scf.for %scan3A_15 = %scan3A_5 to %scan3A_7 step %scan3A_8  : i32 {
      %dma_start3A = arith.constant 0 : i32
      %dma_start3A_16 = tpu.memref_slice %arg7[%scan3A_15, %dma_start3A] : memref<79x128xi32, #tpu.memory_space<vmem>> -> memref<1x128xi32, #tpu.memory_space<vmem>>
      %dma_start3A_17 = tpu.memref_squeeze %dma_start3A_16 : memref<1x128xi32, #tpu.memory_space<vmem>> -> memref<128xi32, #tpu.memory_space<vmem>>
      %dma_start3A_18 = arith.constant 0 : i32
      %dma_start3A_19 = arith.constant 0 : i32
      %dma_start3A_20 = tpu.memref_slice %arg2[%dma_start3A_18, %dma_start3A_19] : memref<10000x128xf32, #tpu.memory_space<hbm>> -> memref<10000x128xf32, #tpu.memory_space<hbm>>
      tpu.enqueue_indirect_dma source(%dma_start3A_20 : memref<10000x128xf32, #tpu.memory_space<hbm>>) target(%arg9 : memref<128x128xf32, #tpu.memory_space<vmem>>) offsets(%dma_start3A_17 : memref<128xi32, #tpu.memory_space<vmem>>) semaphore(%arg11 : memref<!tpu.dma_semaphore, #tpu.memory_space<semaphore_mem>>)
      %dma_wait3A = arith.constant 0 : i32
      %dma_wait3A_21 = tpu.memref_slice %arg7[%scan3A_15, %dma_wait3A] : memref<79x128xi32, #tpu.memory_space<vmem>> -> memref<1x128xi32, #tpu.memory_space<vmem>>
      %dma_wait3A_22 = tpu.memref_squeeze %dma_wait3A_21 : memref<1x128xi32, #tpu.memory_space<vmem>> -> memref<128xi32, #tpu.memory_space<vmem>>
      %dma_wait3A_23 = arith.constant 0 : i32
      %dma_wait3A_24 = arith.constant 0 : i32
      %dma_wait3A_25 = tpu.memref_slice %arg2[%dma_wait3A_23, %dma_wait3A_24] : memref<10000x128xf32, #tpu.memory_space<hbm>> -> memref<10000x128xf32, #tpu.memory_space<hbm>>
      tpu.wait_indirect_dma semaphore(%arg11 : memref<!tpu.dma_semaphore, #tpu.memory_space<semaphore_mem>>) src(%dma_wait3A_25 : memref<10000x128xf32, #tpu.memory_space<hbm>>) dst(%arg9 : memref<128x128xf32, #tpu.memory_space<vmem>>)
      "tpu.region"() ({
        %run_scoped3A = tpu.sem_alloc : memref<!tpu.dma_semaphore, #tpu.memory_space<semaphore_mem>>
        %dma_start3A_26 = arith.constant 0 : i32
        %dma_start3A_27 = tpu.memref_slice %arg8[%scan3A_15, %dma_start3A_26] : memref<79x128xi32, #tpu.memory_space<vmem>> -> memref<1x128xi32, #tpu.memory_space<vmem>>
        %dma_start3A_28 = tpu.memref_squeeze %dma_start3A_27 : memref<1x128xi32, #tpu.memory_space<vmem>> -> memref<128xi32, #tpu.memory_space<vmem>>
        %dma_start3A_29 = arith.constant 0 : i32
        %dma_start3A_30 = arith.constant 0 : i32
        %dma_start3A_31 = tpu.memref_slice %arg10[%dma_start3A_29, %dma_start3A_30] : memref<10240x128xf32, #tpu.memory_space<vmem_shared>> -> memref<10240x128xf32, #tpu.memory_space<vmem_shared>>
        tpu.enqueue_indirect_dma source(%arg9 : memref<128x128xf32, #tpu.memory_space<vmem>>) target(%dma_start3A_31 : memref<10240x128xf32, #tpu.memory_space<vmem_shared>>) offsets(%dma_start3A_28 : memref<128xi32, #tpu.memory_space<vmem>>) semaphore(%run_scoped3A : memref<!tpu.dma_semaphore, #tpu.memory_space<semaphore_mem>>) {add = true}
        %dma_wait3A_32 = arith.constant 0 : i32
        %dma_wait3A_33 = tpu.memref_slice %arg8[%scan3A_15, %dma_wait3A_32] : memref<79x128xi32, #tpu.memory_space<vmem>> -> memref<1x128xi32, #tpu.memory_space<vmem>>
        %dma_wait3A_34 = tpu.memref_squeeze %dma_wait3A_33 : memref<1x128xi32, #tpu.memory_space<vmem>> -> memref<128xi32, #tpu.memory_space<vmem>>
        %dma_wait3A_35 = arith.constant 0 : i32
        %dma_wait3A_36 = arith.constant 0 : i32
        %dma_wait3A_37 = tpu.memref_slice %arg10[%dma_wait3A_35, %dma_wait3A_36] : memref<10240x128xf32, #tpu.memory_space<vmem_shared>> -> memref<10240x128xf32, #tpu.memory_space<vmem_shared>>
        tpu.wait_indirect_dma semaphore(%run_scoped3A : memref<!tpu.dma_semaphore, #tpu.memory_space<semaphore_mem>>) src(%arg9 : memref<128x128xf32, #tpu.memory_space<vmem>>) dst(%dma_wait3A_37 : memref<10240x128xf32, #tpu.memory_space<vmem_shared>>)
        tpu.yield
      }) : () -> ()
    }
    %scan3A_9 = arith.constant 79 : i32
    %barrier3A_10 = arith.constant 0 : index
    tpu.barrier barrier_id(%barrier3A_10)
    %mul3A_11 = arith.constant 640 : i32
    %mul3A_12 = arith.muli %arg1, %mul3A_11 : i32
    %mul3A_13 = arith.constant 640 : i32
    %mul3A_14 = arith.muli %arg1, %mul3A_13 : i32
    "tpu.region"() ({
      %run_scoped3A = tpu.sem_alloc : memref<!tpu.dma_semaphore, #tpu.memory_space<semaphore_mem>>
      %dma_start3A = arith.constant 0 : i32
      %dma_start3A_15 = tpu.memref_slice %arg6[%arg0, %mul3A_14, %dma_start3A] : memref<2x10240x128xf32, #tpu.memory_space<hbm>> -> memref<1x640x128xf32, #tpu.memory_space<hbm>>
      %dma_start3A_16 = tpu.memref_squeeze %dma_start3A_15 : memref<1x640x128xf32, #tpu.memory_space<hbm>> -> memref<640x128xf32, #tpu.memory_space<hbm>>
      %dma_start3A_17 = arith.constant 0 : i32
      %dma_start3A_18 = tpu.memref_slice %arg10[%mul3A_12, %dma_start3A_17] : memref<10240x128xf32, #tpu.memory_space<vmem_shared>> -> memref<640x128xf32, #tpu.memory_space<vmem_shared>>
      tpu.enqueue_dma source(%dma_start3A_18 : memref<640x128xf32, #tpu.memory_space<vmem_shared>>) target(%dma_start3A_16 : memref<640x128xf32, #tpu.memory_space<hbm>>) target_semaphore(%run_scoped3A : memref<!tpu.dma_semaphore, #tpu.memory_space<semaphore_mem>>)
      %dma_wait3A = arith.constant 0 : i32
      %dma_wait3A_19 = tpu.memref_slice %arg6[%arg0, %mul3A_14, %dma_wait3A] : memref<2x10240x128xf32, #tpu.memory_space<hbm>> -> memref<1x640x128xf32, #tpu.memory_space<hbm>>
      %dma_wait3A_20 = tpu.memref_squeeze %dma_wait3A_19 : memref<1x640x128xf32, #tpu.memory_space<hbm>> -> memref<640x128xf32, #tpu.memory_space<hbm>>
      %dma_wait3A_21 = arith.constant 0 : i32
      %dma_wait3A_22 = tpu.memref_slice %arg10[%mul3A_12, %dma_wait3A_21] : memref<10240x128xf32, #tpu.memory_space<vmem_shared>> -> memref<640x128xf32, #tpu.memory_space<vmem_shared>>
      tpu.wait_dma2 semaphore(%run_scoped3A : memref<!tpu.dma_semaphore, #tpu.memory_space<semaphore_mem>>) src(%dma_wait3A_22 : memref<640x128xf32, #tpu.memory_space<vmem_shared>>) dst(%dma_wait3A_20 : memref<640x128xf32, #tpu.memory_space<hbm>>)
      tpu.yield
    }) : () -> ()
    return
  }
}

#map = affine_map<(d0, d1) -> (0, 0)>
#map1 = affine_map<(d0, d1) -> (0, 0, 0)>
module attributes {stable_mosaic.version = 14 : i64} {
  func.func @_sc_scatter_body(%arg0: i32, %arg1: i32, %arg2: memref<10000x128xf32, #tpu.memory_space<hbm>>, %arg3: memref<32x79x128xi32, #tpu.memory_space<hbm>>, %arg4: memref<32x79x128xi32, #tpu.memory_space<hbm>>, %arg5: memref<10240x128xf32, #tpu.memory_space<hbm>>, %arg6: memref<2x10240x128xf32, #tpu.memory_space<hbm>>, %arg7: memref<79x128xi32, #tpu.memory_space<vmem>>, %arg8: memref<79x128xi32, #tpu.memory_space<vmem>>, %arg9: memref<128x128xf32, #tpu.memory_space<vmem>>, %arg10: memref<10240x128xf32, #tpu.memory_space<vmem_shared>>, %arg11: memref<!tpu.dma_semaphore, #tpu.memory_space<semaphore_mem>>) attributes {dimension_semantics = [#tpu.dimension_semantics<core_parallel>, #tpu.dimension_semantics<subcore_parallel>], iteration_bounds = array<i64: 2, 16>, scalar_prefetch = 0 : i64, scratch_operands = 5 : i64, tpu.core_type = #tpu.core_type<sc_vector_subcore>, window_params = [{transform_indices = #map}, {transform_indices = #map1}, {transform_indices = #map1}, {transform_indices = #map}, {transform_indices = #map1}]} {
    %mul3A = arith.constant 16 : i32
    %mul3A_0 = arith.muli %arg0, %mul3A : i32
    %add3A = arith.addi %mul3A_0, %arg1 : i32
    %mul3A_1 = arith.constant 640 : i32
    %mul3A_2 = arith.muli %arg1, %mul3A_1 : i32
    %mul3A_3 = arith.constant 640 : i32
    %mul3A_4 = arith.muli %arg1, %mul3A_3 : i32
    "tpu.region"() ({
      %run_scoped3A = tpu.sem_alloc : memref<!tpu.dma_semaphore, #tpu.memory_space<semaphore_mem>>
      %dma_start3A = arith.constant 0 : i32
      %dma_start3A_15 = tpu.memref_slice %arg10[%mul3A_4, %dma_start3A] : memref<10240x128xf32, #tpu.memory_space<vmem_shared>> -> memref<640x128xf32, #tpu.memory_space<vmem_shared>>
      %dma_start3A_16 = arith.constant 0 : i32
      %dma_start3A_17 = tpu.memref_slice %arg5[%mul3A_2, %dma_start3A_16] : memref<10240x128xf32, #tpu.memory_space<hbm>> -> memref<640x128xf32, #tpu.memory_space<hbm>>
      tpu.enqueue_dma source(%dma_start3A_17 : memref<640x128xf32, #tpu.memory_space<hbm>>) target(%dma_start3A_15 : memref<640x128xf32, #tpu.memory_space<vmem_shared>>) target_semaphore(%run_scoped3A : memref<!tpu.dma_semaphore, #tpu.memory_space<semaphore_mem>>)
      %dma_wait3A = arith.constant 0 : i32
      %dma_wait3A_18 = tpu.memref_slice %arg10[%mul3A_4, %dma_wait3A] : memref<10240x128xf32, #tpu.memory_space<vmem_shared>> -> memref<640x128xf32, #tpu.memory_space<vmem_shared>>
      %dma_wait3A_19 = arith.constant 0 : i32
      %dma_wait3A_20 = tpu.memref_slice %arg5[%mul3A_2, %dma_wait3A_19] : memref<10240x128xf32, #tpu.memory_space<hbm>> -> memref<640x128xf32, #tpu.memory_space<hbm>>
      tpu.wait_dma2 semaphore(%run_scoped3A : memref<!tpu.dma_semaphore, #tpu.memory_space<semaphore_mem>>) src(%dma_wait3A_20 : memref<640x128xf32, #tpu.memory_space<hbm>>) dst(%dma_wait3A_18 : memref<640x128xf32, #tpu.memory_space<vmem_shared>>)
      tpu.yield
    }) : () -> ()
    "tpu.region"() ({
      %run_scoped3A = tpu.sem_alloc : memref<!tpu.dma_semaphore, #tpu.memory_space<semaphore_mem>>
      %dma_start3A = arith.constant 0 : i32
      %dma_start3A_15 = arith.constant 0 : i32
      %dma_start3A_16 = tpu.memref_slice %arg3[%add3A, %dma_start3A, %dma_start3A_15] : memref<32x79x128xi32, #tpu.memory_space<hbm>> -> memref<1x79x128xi32, #tpu.memory_space<hbm>>
      %dma_start3A_17 = tpu.memref_squeeze %dma_start3A_16 : memref<1x79x128xi32, #tpu.memory_space<hbm>> -> memref<79x128xi32, #tpu.memory_space<hbm>>
      %dma_start3A_18 = arith.constant 0 : i32
      %dma_start3A_19 = arith.constant 0 : i32
      %dma_start3A_20 = tpu.memref_slice %arg3[%add3A, %dma_start3A_18, %dma_start3A_19] : memref<32x79x128xi32, #tpu.memory_space<hbm>> -> memref<1x79x128xi32, #tpu.memory_space<hbm>>
      %dma_start3A_21 = tpu.memref_squeeze %dma_start3A_20 : memref<1x79x128xi32, #tpu.memory_space<hbm>> -> memref<79x128xi32, #tpu.memory_space<hbm>>
      tpu.enqueue_dma source(%dma_start3A_21 : memref<79x128xi32, #tpu.memory_space<hbm>>) target(%arg7 : memref<79x128xi32, #tpu.memory_space<vmem>>) target_semaphore(%run_scoped3A : memref<!tpu.dma_semaphore, #tpu.memory_space<semaphore_mem>>)
      %dma_wait3A = arith.constant 0 : i32
      %dma_wait3A_22 = arith.constant 0 : i32
      %dma_wait3A_23 = tpu.memref_slice %arg3[%add3A, %dma_wait3A, %dma_wait3A_22] : memref<32x79x128xi32, #tpu.memory_space<hbm>> -> memref<1x79x128xi32, #tpu.memory_space<hbm>>
      %dma_wait3A_24 = tpu.memref_squeeze %dma_wait3A_23 : memref<1x79x128xi32, #tpu.memory_space<hbm>> -> memref<79x128xi32, #tpu.memory_space<hbm>>
      %dma_wait3A_25 = arith.constant 0 : i32
      %dma_wait3A_26 = arith.constant 0 : i32
      %dma_wait3A_27 = tpu.memref_slice %arg3[%add3A, %dma_wait3A_25, %dma_wait3A_26] : memref<32x79x128xi32, #tpu.memory_space<hbm>> -> memref<1x79x128xi32, #tpu.memory_space<hbm>>
      %dma_wait3A_28 = tpu.memref_squeeze %dma_wait3A_27 : memref<1x79x128xi32, #tpu.memory_space<hbm>> -> memref<79x128xi32, #tpu.memory_space<hbm>>
      tpu.wait_dma2 semaphore(%run_scoped3A : memref<!tpu.dma_semaphore, #tpu.memory_space<semaphore_mem>>) src(%dma_wait3A_28 : memref<79x128xi32, #tpu.memory_space<hbm>>) dst(%arg7 : memref<79x128xi32, #tpu.memory_space<vmem>>)
      tpu.yield
    }) : () -> ()
    "tpu.region"() ({
      %run_scoped3A = tpu.sem_alloc : memref<!tpu.dma_semaphore, #tpu.memory_space<semaphore_mem>>
      %dma_start3A = arith.constant 0 : i32
      %dma_start3A_15 = arith.constant 0 : i32
      %dma_start3A_16 = tpu.memref_slice %arg4[%add3A, %dma_start3A, %dma_start3A_15] : memref<32x79x128xi32, #tpu.memory_space<hbm>> -> memref<1x79x128xi32, #tpu.memory_space<hbm>>
      %dma_start3A_17 = tpu.memref_squeeze %dma_start3A_16 : memref<1x79x128xi32, #tpu.memory_space<hbm>> -> memref<79x128xi32, #tpu.memory_space<hbm>>
      %dma_start3A_18 = arith.constant 0 : i32
      %dma_start3A_19 = arith.constant 0 : i32
      %dma_start3A_20 = tpu.memref_slice %arg4[%add3A, %dma_start3A_18, %dma_start3A_19] : memref<32x79x128xi32, #tpu.memory_space<hbm>> -> memref<1x79x128xi32, #tpu.memory_space<hbm>>
      %dma_start3A_21 = tpu.memref_squeeze %dma_start3A_20 : memref<1x79x128xi32, #tpu.memory_space<hbm>> -> memref<79x128xi32, #tpu.memory_space<hbm>>
      tpu.enqueue_dma source(%dma_start3A_21 : memref<79x128xi32, #tpu.memory_space<hbm>>) target(%arg8 : memref<79x128xi32, #tpu.memory_space<vmem>>) target_semaphore(%run_scoped3A : memref<!tpu.dma_semaphore, #tpu.memory_space<semaphore_mem>>)
      %dma_wait3A = arith.constant 0 : i32
      %dma_wait3A_22 = arith.constant 0 : i32
      %dma_wait3A_23 = tpu.memref_slice %arg4[%add3A, %dma_wait3A, %dma_wait3A_22] : memref<32x79x128xi32, #tpu.memory_space<hbm>> -> memref<1x79x128xi32, #tpu.memory_space<hbm>>
      %dma_wait3A_24 = tpu.memref_squeeze %dma_wait3A_23 : memref<1x79x128xi32, #tpu.memory_space<hbm>> -> memref<79x128xi32, #tpu.memory_space<hbm>>
      %dma_wait3A_25 = arith.constant 0 : i32
      %dma_wait3A_26 = arith.constant 0 : i32
      %dma_wait3A_27 = tpu.memref_slice %arg4[%add3A, %dma_wait3A_25, %dma_wait3A_26] : memref<32x79x128xi32, #tpu.memory_space<hbm>> -> memref<1x79x128xi32, #tpu.memory_space<hbm>>
      %dma_wait3A_28 = tpu.memref_squeeze %dma_wait3A_27 : memref<1x79x128xi32, #tpu.memory_space<hbm>> -> memref<79x128xi32, #tpu.memory_space<hbm>>
      tpu.wait_dma2 semaphore(%run_scoped3A : memref<!tpu.dma_semaphore, #tpu.memory_space<semaphore_mem>>) src(%dma_wait3A_28 : memref<79x128xi32, #tpu.memory_space<hbm>>) dst(%arg8 : memref<79x128xi32, #tpu.memory_space<vmem>>)
      tpu.yield
    }) : () -> ()
    %barrier3A = arith.constant 0 : index
    tpu.barrier barrier_id(%barrier3A)
    %scan3A = arith.constant 0 : i32
    %scan3A_5 = arith.constant 0 : i32
    %scan3A_6 = arith.constant 79 : i32
    %scan3A_7 = arith.addi %scan3A_5, %scan3A_6 : i32
    %scan3A_8 = arith.constant 1 : i32
    scf.for %scan3A_15 = %scan3A_5 to %scan3A_7 step %scan3A_8  : i32 {
      %dma_start3A = arith.constant 0 : i32
      %dma_start3A_16 = tpu.memref_slice %arg7[%scan3A_15, %dma_start3A] : memref<79x128xi32, #tpu.memory_space<vmem>> -> memref<1x128xi32, #tpu.memory_space<vmem>>
      %dma_start3A_17 = tpu.memref_squeeze %dma_start3A_16 : memref<1x128xi32, #tpu.memory_space<vmem>> -> memref<128xi32, #tpu.memory_space<vmem>>
      %dma_start3A_18 = arith.constant 0 : i32
      %dma_start3A_19 = arith.constant 0 : i32
      %dma_start3A_20 = tpu.memref_slice %arg2[%dma_start3A_18, %dma_start3A_19] : memref<10000x128xf32, #tpu.memory_space<hbm>> -> memref<10000x128xf32, #tpu.memory_space<hbm>>
      tpu.enqueue_indirect_dma source(%dma_start3A_20 : memref<10000x128xf32, #tpu.memory_space<hbm>>) target(%arg9 : memref<128x128xf32, #tpu.memory_space<vmem>>) offsets(%dma_start3A_17 : memref<128xi32, #tpu.memory_space<vmem>>) semaphore(%arg11 : memref<!tpu.dma_semaphore, #tpu.memory_space<semaphore_mem>>)
      %dma_wait3A = arith.constant 0 : i32
      %dma_wait3A_21 = tpu.memref_slice %arg7[%scan3A_15, %dma_wait3A] : memref<79x128xi32, #tpu.memory_space<vmem>> -> memref<1x128xi32, #tpu.memory_space<vmem>>
      %dma_wait3A_22 = tpu.memref_squeeze %dma_wait3A_21 : memref<1x128xi32, #tpu.memory_space<vmem>> -> memref<128xi32, #tpu.memory_space<vmem>>
      %dma_wait3A_23 = arith.constant 0 : i32
      %dma_wait3A_24 = arith.constant 0 : i32
      %dma_wait3A_25 = tpu.memref_slice %arg2[%dma_wait3A_23, %dma_wait3A_24] : memref<10000x128xf32, #tpu.memory_space<hbm>> -> memref<10000x128xf32, #tpu.memory_space<hbm>>
      tpu.wait_indirect_dma semaphore(%arg11 : memref<!tpu.dma_semaphore, #tpu.memory_space<semaphore_mem>>) src(%dma_wait3A_25 : memref<10000x128xf32, #tpu.memory_space<hbm>>) dst(%arg9 : memref<128x128xf32, #tpu.memory_space<vmem>>)
      "tpu.region"() ({
        %run_scoped3A = tpu.sem_alloc : memref<!tpu.dma_semaphore, #tpu.memory_space<semaphore_mem>>
        %dma_start3A_26 = arith.constant 0 : i32
        %dma_start3A_27 = tpu.memref_slice %arg8[%scan3A_15, %dma_start3A_26] : memref<79x128xi32, #tpu.memory_space<vmem>> -> memref<1x128xi32, #tpu.memory_space<vmem>>
        %dma_start3A_28 = tpu.memref_squeeze %dma_start3A_27 : memref<1x128xi32, #tpu.memory_space<vmem>> -> memref<128xi32, #tpu.memory_space<vmem>>
        %dma_start3A_29 = arith.constant 0 : i32
        %dma_start3A_30 = arith.constant 0 : i32
        %dma_start3A_31 = tpu.memref_slice %arg10[%dma_start3A_29, %dma_start3A_30] : memref<10240x128xf32, #tpu.memory_space<vmem_shared>> -> memref<10240x128xf32, #tpu.memory_space<vmem_shared>>
        tpu.enqueue_indirect_dma source(%arg9 : memref<128x128xf32, #tpu.memory_space<vmem>>) target(%dma_start3A_31 : memref<10240x128xf32, #tpu.memory_space<vmem_shared>>) offsets(%dma_start3A_28 : memref<128xi32, #tpu.memory_space<vmem>>) semaphore(%run_scoped3A : memref<!tpu.dma_semaphore, #tpu.memory_space<semaphore_mem>>) {add = true}
        %dma_wait3A_32 = arith.constant 0 : i32
        %dma_wait3A_33 = tpu.memref_slice %arg8[%scan3A_15, %dma_wait3A_32] : memref<79x128xi32, #tpu.memory_space<vmem>> -> memref<1x128xi32, #tpu.memory_space<vmem>>
        %dma_wait3A_34 = tpu.memref_squeeze %dma_wait3A_33 : memref<1x128xi32, #tpu.memory_space<vmem>> -> memref<128xi32, #tpu.memory_space<vmem>>
        %dma_wait3A_35 = arith.constant 0 : i32
        %dma_wait3A_36 = arith.constant 0 : i32
        %dma_wait3A_37 = tpu.memref_slice %arg10[%dma_wait3A_35, %dma_wait3A_36] : memref<10240x128xf32, #tpu.memory_space<vmem_shared>> -> memref<10240x128xf32, #tpu.memory_space<vmem_shared>>
        tpu.wait_indirect_dma semaphore(%run_scoped3A : memref<!tpu.dma_semaphore, #tpu.memory_space<semaphore_mem>>) src(%arg9 : memref<128x128xf32, #tpu.memory_space<vmem>>) dst(%dma_wait3A_37 : memref<10240x128xf32, #tpu.memory_space<vmem_shared>>)
        tpu.yield
      }) : () -> ()
    }
    %scan3A_9 = arith.constant 79 : i32
    %barrier3A_10 = arith.constant 0 : index
    tpu.barrier barrier_id(%barrier3A_10)
    %mul3A_11 = arith.constant 640 : i32
    %mul3A_12 = arith.muli %arg1, %mul3A_11 : i32
    %mul3A_13 = arith.constant 640 : i32
    %mul3A_14 = arith.muli %arg1, %mul3A_13 : i32
    "tpu.region"() ({
      %run_scoped3A = tpu.sem_alloc : memref<!tpu.dma_semaphore, #tpu.memory_space<semaphore_mem>>
      %dma_start3A = arith.constant 0 : i32
      %dma_start3A_15 = tpu.memref_slice %arg6[%arg0, %mul3A_14, %dma_start3A] : memref<2x10240x128xf32, #tpu.memory_space<hbm>> -> memref<1x640x128xf32, #tpu.memory_space<hbm>>
      %dma_start3A_16 = tpu.memref_squeeze %dma_start3A_15 : memref<1x640x128xf32, #tpu.memory_space<hbm>> -> memref<640x128xf32, #tpu.memory_space<hbm>>
      %dma_start3A_17 = arith.constant 0 : i32
      %dma_start3A_18 = tpu.memref_slice %arg10[%mul3A_12, %dma_start3A_17] : memref<10240x128xf32, #tpu.memory_space<vmem_shared>> -> memref<640x128xf32, #tpu.memory_space<vmem_shared>>
      tpu.enqueue_dma source(%dma_start3A_18 : memref<640x128xf32, #tpu.memory_space<vmem_shared>>) target(%dma_start3A_16 : memref<640x128xf32, #tpu.memory_space<hbm>>) target_semaphore(%run_scoped3A : memref<!tpu.dma_semaphore, #tpu.memory_space<semaphore_mem>>)
      %dma_wait3A = arith.constant 0 : i32
      %dma_wait3A_19 = tpu.memref_slice %arg6[%arg0, %mul3A_14, %dma_wait3A] : memref<2x10240x128xf32, #tpu.memory_space<hbm>> -> memref<1x640x128xf32, #tpu.memory_space<hbm>>
      %dma_wait3A_20 = tpu.memref_squeeze %dma_wait3A_19 : memref<1x640x128xf32, #tpu.memory_space<hbm>> -> memref<640x128xf32, #tpu.memory_space<hbm>>
      %dma_wait3A_21 = arith.constant 0 : i32
      %dma_wait3A_22 = tpu.memref_slice %arg10[%mul3A_12, %dma_wait3A_21] : memref<10240x128xf32, #tpu.memory_space<vmem_shared>> -> memref<640x128xf32, #tpu.memory_space<vmem_shared>>
      tpu.wait_dma2 semaphore(%run_scoped3A : memref<!tpu.dma_semaphore, #tpu.memory_space<semaphore_mem>>) src(%dma_wait3A_22 : memref<640x128xf32, #tpu.memory_space<vmem_shared>>) dst(%dma_wait3A_20 : memref<640x128xf32, #tpu.memory_space<hbm>>)
      tpu.yield
    }) : () -> ()
    return
  }
}

#map = affine_map<(d0, d1) -> (0, 0)>
#map1 = affine_map<(d0, d1) -> (0, 0, 0)>
module attributes {stable_mosaic.version = 14 : i64} {
  func.func @_sc_scatter_body(%arg0: i32, %arg1: i32, %arg2: memref<10000x128xf32, #tpu.memory_space<hbm>>, %arg3: memref<32x79x128xi32, #tpu.memory_space<hbm>>, %arg4: memref<32x79x128xi32, #tpu.memory_space<hbm>>, %arg5: memref<10240x128xf32, #tpu.memory_space<hbm>>, %arg6: memref<2x10240x128xf32, #tpu.memory_space<hbm>>, %arg7: memref<79x128xi32, #tpu.memory_space<vmem>>, %arg8: memref<79x128xi32, #tpu.memory_space<vmem>>, %arg9: memref<128x128xf32, #tpu.memory_space<vmem>>, %arg10: memref<10240x128xf32, #tpu.memory_space<vmem_shared>>, %arg11: memref<!tpu.dma_semaphore, #tpu.memory_space<semaphore_mem>>) attributes {dimension_semantics = [#tpu.dimension_semantics<core_parallel>, #tpu.dimension_semantics<subcore_parallel>], iteration_bounds = array<i64: 2, 16>, scalar_prefetch = 0 : i64, scratch_operands = 5 : i64, tpu.core_type = #tpu.core_type<sc_vector_subcore>, window_params = [{transform_indices = #map}, {transform_indices = #map1}, {transform_indices = #map1}, {transform_indices = #map}, {transform_indices = #map1}]} {
    %mul3A = arith.constant 16 : i32
    %mul3A_0 = arith.muli %arg0, %mul3A : i32
    %add3A = arith.addi %mul3A_0, %arg1 : i32
    %mul3A_1 = arith.constant 640 : i32
    %mul3A_2 = arith.muli %arg1, %mul3A_1 : i32
    %mul3A_3 = arith.constant 640 : i32
    %mul3A_4 = arith.muli %arg1, %mul3A_3 : i32
    "tpu.region"() ({
      %run_scoped3A = tpu.sem_alloc : memref<!tpu.dma_semaphore, #tpu.memory_space<semaphore_mem>>
      %dma_start3A = arith.constant 0 : i32
      %dma_start3A_15 = tpu.memref_slice %arg10[%mul3A_4, %dma_start3A] : memref<10240x128xf32, #tpu.memory_space<vmem_shared>> -> memref<640x128xf32, #tpu.memory_space<vmem_shared>>
      %dma_start3A_16 = arith.constant 0 : i32
      %dma_start3A_17 = tpu.memref_slice %arg5[%mul3A_2, %dma_start3A_16] : memref<10240x128xf32, #tpu.memory_space<hbm>> -> memref<640x128xf32, #tpu.memory_space<hbm>>
      tpu.enqueue_dma source(%dma_start3A_17 : memref<640x128xf32, #tpu.memory_space<hbm>>) target(%dma_start3A_15 : memref<640x128xf32, #tpu.memory_space<vmem_shared>>) target_semaphore(%run_scoped3A : memref<!tpu.dma_semaphore, #tpu.memory_space<semaphore_mem>>)
      %dma_wait3A = arith.constant 0 : i32
      %dma_wait3A_18 = tpu.memref_slice %arg10[%mul3A_4, %dma_wait3A] : memref<10240x128xf32, #tpu.memory_space<vmem_shared>> -> memref<640x128xf32, #tpu.memory_space<vmem_shared>>
      %dma_wait3A_19 = arith.constant 0 : i32
      %dma_wait3A_20 = tpu.memref_slice %arg5[%mul3A_2, %dma_wait3A_19] : memref<10240x128xf32, #tpu.memory_space<hbm>> -> memref<640x128xf32, #tpu.memory_space<hbm>>
      tpu.wait_dma2 semaphore(%run_scoped3A : memref<!tpu.dma_semaphore, #tpu.memory_space<semaphore_mem>>) src(%dma_wait3A_20 : memref<640x128xf32, #tpu.memory_space<hbm>>) dst(%dma_wait3A_18 : memref<640x128xf32, #tpu.memory_space<vmem_shared>>)
      tpu.yield
    }) : () -> ()
    "tpu.region"() ({
      %run_scoped3A = tpu.sem_alloc : memref<!tpu.dma_semaphore, #tpu.memory_space<semaphore_mem>>
      %dma_start3A = arith.constant 0 : i32
      %dma_start3A_15 = arith.constant 0 : i32
      %dma_start3A_16 = tpu.memref_slice %arg3[%add3A, %dma_start3A, %dma_start3A_15] : memref<32x79x128xi32, #tpu.memory_space<hbm>> -> memref<1x79x128xi32, #tpu.memory_space<hbm>>
      %dma_start3A_17 = tpu.memref_squeeze %dma_start3A_16 : memref<1x79x128xi32, #tpu.memory_space<hbm>> -> memref<79x128xi32, #tpu.memory_space<hbm>>
      %dma_start3A_18 = arith.constant 0 : i32
      %dma_start3A_19 = arith.constant 0 : i32
      %dma_start3A_20 = tpu.memref_slice %arg3[%add3A, %dma_start3A_18, %dma_start3A_19] : memref<32x79x128xi32, #tpu.memory_space<hbm>> -> memref<1x79x128xi32, #tpu.memory_space<hbm>>
      %dma_start3A_21 = tpu.memref_squeeze %dma_start3A_20 : memref<1x79x128xi32, #tpu.memory_space<hbm>> -> memref<79x128xi32, #tpu.memory_space<hbm>>
      tpu.enqueue_dma source(%dma_start3A_21 : memref<79x128xi32, #tpu.memory_space<hbm>>) target(%arg7 : memref<79x128xi32, #tpu.memory_space<vmem>>) target_semaphore(%run_scoped3A : memref<!tpu.dma_semaphore, #tpu.memory_space<semaphore_mem>>)
      %dma_wait3A = arith.constant 0 : i32
      %dma_wait3A_22 = arith.constant 0 : i32
      %dma_wait3A_23 = tpu.memref_slice %arg3[%add3A, %dma_wait3A, %dma_wait3A_22] : memref<32x79x128xi32, #tpu.memory_space<hbm>> -> memref<1x79x128xi32, #tpu.memory_space<hbm>>
      %dma_wait3A_24 = tpu.memref_squeeze %dma_wait3A_23 : memref<1x79x128xi32, #tpu.memory_space<hbm>> -> memref<79x128xi32, #tpu.memory_space<hbm>>
      %dma_wait3A_25 = arith.constant 0 : i32
      %dma_wait3A_26 = arith.constant 0 : i32
      %dma_wait3A_27 = tpu.memref_slice %arg3[%add3A, %dma_wait3A_25, %dma_wait3A_26] : memref<32x79x128xi32, #tpu.memory_space<hbm>> -> memref<1x79x128xi32, #tpu.memory_space<hbm>>
      %dma_wait3A_28 = tpu.memref_squeeze %dma_wait3A_27 : memref<1x79x128xi32, #tpu.memory_space<hbm>> -> memref<79x128xi32, #tpu.memory_space<hbm>>
      tpu.wait_dma2 semaphore(%run_scoped3A : memref<!tpu.dma_semaphore, #tpu.memory_space<semaphore_mem>>) src(%dma_wait3A_28 : memref<79x128xi32, #tpu.memory_space<hbm>>) dst(%arg7 : memref<79x128xi32, #tpu.memory_space<vmem>>)
      tpu.yield
    }) : () -> ()
    "tpu.region"() ({
      %run_scoped3A = tpu.sem_alloc : memref<!tpu.dma_semaphore, #tpu.memory_space<semaphore_mem>>
      %dma_start3A = arith.constant 0 : i32
      %dma_start3A_15 = arith.constant 0 : i32
      %dma_start3A_16 = tpu.memref_slice %arg4[%add3A, %dma_start3A, %dma_start3A_15] : memref<32x79x128xi32, #tpu.memory_space<hbm>> -> memref<1x79x128xi32, #tpu.memory_space<hbm>>
      %dma_start3A_17 = tpu.memref_squeeze %dma_start3A_16 : memref<1x79x128xi32, #tpu.memory_space<hbm>> -> memref<79x128xi32, #tpu.memory_space<hbm>>
      %dma_start3A_18 = arith.constant 0 : i32
      %dma_start3A_19 = arith.constant 0 : i32
      %dma_start3A_20 = tpu.memref_slice %arg4[%add3A, %dma_start3A_18, %dma_start3A_19] : memref<32x79x128xi32, #tpu.memory_space<hbm>> -> memref<1x79x128xi32, #tpu.memory_space<hbm>>
      %dma_start3A_21 = tpu.memref_squeeze %dma_start3A_20 : memref<1x79x128xi32, #tpu.memory_space<hbm>> -> memref<79x128xi32, #tpu.memory_space<hbm>>
      tpu.enqueue_dma source(%dma_start3A_21 : memref<79x128xi32, #tpu.memory_space<hbm>>) target(%arg8 : memref<79x128xi32, #tpu.memory_space<vmem>>) target_semaphore(%run_scoped3A : memref<!tpu.dma_semaphore, #tpu.memory_space<semaphore_mem>>)
      %dma_wait3A = arith.constant 0 : i32
      %dma_wait3A_22 = arith.constant 0 : i32
      %dma_wait3A_23 = tpu.memref_slice %arg4[%add3A, %dma_wait3A, %dma_wait3A_22] : memref<32x79x128xi32, #tpu.memory_space<hbm>> -> memref<1x79x128xi32, #tpu.memory_space<hbm>>
      %dma_wait3A_24 = tpu.memref_squeeze %dma_wait3A_23 : memref<1x79x128xi32, #tpu.memory_space<hbm>> -> memref<79x128xi32, #tpu.memory_space<hbm>>
      %dma_wait3A_25 = arith.constant 0 : i32
      %dma_wait3A_26 = arith.constant 0 : i32
      %dma_wait3A_27 = tpu.memref_slice %arg4[%add3A, %dma_wait3A_25, %dma_wait3A_26] : memref<32x79x128xi32, #tpu.memory_space<hbm>> -> memref<1x79x128xi32, #tpu.memory_space<hbm>>
      %dma_wait3A_28 = tpu.memref_squeeze %dma_wait3A_27 : memref<1x79x128xi32, #tpu.memory_space<hbm>> -> memref<79x128xi32, #tpu.memory_space<hbm>>
      tpu.wait_dma2 semaphore(%run_scoped3A : memref<!tpu.dma_semaphore, #tpu.memory_space<semaphore_mem>>) src(%dma_wait3A_28 : memref<79x128xi32, #tpu.memory_space<hbm>>) dst(%arg8 : memref<79x128xi32, #tpu.memory_space<vmem>>)
      tpu.yield
    }) : () -> ()
    %barrier3A = arith.constant 0 : index
    tpu.barrier barrier_id(%barrier3A)
    %scan3A = arith.constant 0 : i32
    %scan3A_5 = arith.constant 0 : i32
    %scan3A_6 = arith.constant 79 : i32
    %scan3A_7 = arith.addi %scan3A_5, %scan3A_6 : i32
    %scan3A_8 = arith.constant 1 : i32
    scf.for %scan3A_15 = %scan3A_5 to %scan3A_7 step %scan3A_8  : i32 {
      %dma_start3A = arith.constant 0 : i32
      %dma_start3A_16 = tpu.memref_slice %arg7[%scan3A_15, %dma_start3A] : memref<79x128xi32, #tpu.memory_space<vmem>> -> memref<1x128xi32, #tpu.memory_space<vmem>>
      %dma_start3A_17 = tpu.memref_squeeze %dma_start3A_16 : memref<1x128xi32, #tpu.memory_space<vmem>> -> memref<128xi32, #tpu.memory_space<vmem>>
      %dma_start3A_18 = arith.constant 0 : i32
      %dma_start3A_19 = arith.constant 0 : i32
      %dma_start3A_20 = tpu.memref_slice %arg2[%dma_start3A_18, %dma_start3A_19] : memref<10000x128xf32, #tpu.memory_space<hbm>> -> memref<10000x128xf32, #tpu.memory_space<hbm>>
      tpu.enqueue_indirect_dma source(%dma_start3A_20 : memref<10000x128xf32, #tpu.memory_space<hbm>>) target(%arg9 : memref<128x128xf32, #tpu.memory_space<vmem>>) offsets(%dma_start3A_17 : memref<128xi32, #tpu.memory_space<vmem>>) semaphore(%arg11 : memref<!tpu.dma_semaphore, #tpu.memory_space<semaphore_mem>>)
      %dma_wait3A = arith.constant 0 : i32
      %dma_wait3A_21 = tpu.memref_slice %arg7[%scan3A_15, %dma_wait3A] : memref<79x128xi32, #tpu.memory_space<vmem>> -> memref<1x128xi32, #tpu.memory_space<vmem>>
      %dma_wait3A_22 = tpu.memref_squeeze %dma_wait3A_21 : memref<1x128xi32, #tpu.memory_space<vmem>> -> memref<128xi32, #tpu.memory_space<vmem>>
      %dma_wait3A_23 = arith.constant 0 : i32
      %dma_wait3A_24 = arith.constant 0 : i32
      %dma_wait3A_25 = tpu.memref_slice %arg2[%dma_wait3A_23, %dma_wait3A_24] : memref<10000x128xf32, #tpu.memory_space<hbm>> -> memref<10000x128xf32, #tpu.memory_space<hbm>>
      tpu.wait_indirect_dma semaphore(%arg11 : memref<!tpu.dma_semaphore, #tpu.memory_space<semaphore_mem>>) src(%dma_wait3A_25 : memref<10000x128xf32, #tpu.memory_space<hbm>>) dst(%arg9 : memref<128x128xf32, #tpu.memory_space<vmem>>)
      "tpu.region"() ({
        %run_scoped3A = tpu.sem_alloc : memref<!tpu.dma_semaphore, #tpu.memory_space<semaphore_mem>>
        %dma_start3A_26 = arith.constant 0 : i32
        %dma_start3A_27 = tpu.memref_slice %arg8[%scan3A_15, %dma_start3A_26] : memref<79x128xi32, #tpu.memory_space<vmem>> -> memref<1x128xi32, #tpu.memory_space<vmem>>
        %dma_start3A_28 = tpu.memref_squeeze %dma_start3A_27 : memref<1x128xi32, #tpu.memory_space<vmem>> -> memref<128xi32, #tpu.memory_space<vmem>>
        %dma_start3A_29 = arith.constant 0 : i32
        %dma_start3A_30 = arith.constant 0 : i32
        %dma_start3A_31 = tpu.memref_slice %arg10[%dma_start3A_29, %dma_start3A_30] : memref<10240x128xf32, #tpu.memory_space<vmem_shared>> -> memref<10240x128xf32, #tpu.memory_space<vmem_shared>>
        tpu.enqueue_indirect_dma source(%arg9 : memref<128x128xf32, #tpu.memory_space<vmem>>) target(%dma_start3A_31 : memref<10240x128xf32, #tpu.memory_space<vmem_shared>>) offsets(%dma_start3A_28 : memref<128xi32, #tpu.memory_space<vmem>>) semaphore(%run_scoped3A : memref<!tpu.dma_semaphore, #tpu.memory_space<semaphore_mem>>) {add = true}
        %dma_wait3A_32 = arith.constant 0 : i32
        %dma_wait3A_33 = tpu.memref_slice %arg8[%scan3A_15, %dma_wait3A_32] : memref<79x128xi32, #tpu.memory_space<vmem>> -> memref<1x128xi32, #tpu.memory_space<vmem>>
        %dma_wait3A_34 = tpu.memref_squeeze %dma_wait3A_33 : memref<1x128xi32, #tpu.memory_space<vmem>> -> memref<128xi32, #tpu.memory_space<vmem>>
        %dma_wait3A_35 = arith.constant 0 : i32
        %dma_wait3A_36 = arith.constant 0 : i32
        %dma_wait3A_37 = tpu.memref_slice %arg10[%dma_wait3A_35, %dma_wait3A_36] : memref<10240x128xf32, #tpu.memory_space<vmem_shared>> -> memref<10240x128xf32, #tpu.memory_space<vmem_shared>>
        tpu.wait_indirect_dma semaphore(%run_scoped3A : memref<!tpu.dma_semaphore, #tpu.memory_space<semaphore_mem>>) src(%arg9 : memref<128x128xf32, #tpu.memory_space<vmem>>) dst(%dma_wait3A_37 : memref<10240x128xf32, #tpu.memory_space<vmem_shared>>)
        tpu.yield
      }) : () -> ()
    }
    %scan3A_9 = arith.constant 79 : i32
    %barrier3A_10 = arith.constant 0 : index
    tpu.barrier barrier_id(%barrier3A_10)
    %mul3A_11 = arith.constant 640 : i32
    %mul3A_12 = arith.muli %arg1, %mul3A_11 : i32
    %mul3A_13 = arith.constant 640 : i32
    %mul3A_14 = arith.muli %arg1, %mul3A_13 : i32
    "tpu.region"() ({
      %run_scoped3A = tpu.sem_alloc : memref<!tpu.dma_semaphore, #tpu.memory_space<semaphore_mem>>
      %dma_start3A = arith.constant 0 : i32
      %dma_start3A_15 = tpu.memref_slice %arg6[%arg0, %mul3A_14, %dma_start3A] : memref<2x10240x128xf32, #tpu.memory_space<hbm>> -> memref<1x640x128xf32, #tpu.memory_space<hbm>>
      %dma_start3A_16 = tpu.memref_squeeze %dma_start3A_15 : memref<1x640x128xf32, #tpu.memory_space<hbm>> -> memref<640x128xf32, #tpu.memory_space<hbm>>
      %dma_start3A_17 = arith.constant 0 : i32
      %dma_start3A_18 = tpu.memref_slice %arg10[%mul3A_12, %dma_start3A_17] : memref<10240x128xf32, #tpu.memory_space<vmem_shared>> -> memref<640x128xf32, #tpu.memory_space<vmem_shared>>
      tpu.enqueue_dma source(%dma_start3A_18 : memref<640x128xf32, #tpu.memory_space<vmem_shared>>) target(%dma_start3A_16 : memref<640x128xf32, #tpu.memory_space<hbm>>) target_semaphore(%run_scoped3A : memref<!tpu.dma_semaphore, #tpu.memory_space<semaphore_mem>>)
      %dma_wait3A = arith.constant 0 : i32
      %dma_wait3A_19 = tpu.memref_slice %arg6[%arg0, %mul3A_14, %dma_wait3A] : memref<2x10240x128xf32, #tpu.memory_space<hbm>> -> memref<1x640x128xf32, #tpu.memory_space<hbm>>
      %dma_wait3A_20 = tpu.memref_squeeze %dma_wait3A_19 : memref<1x640x128xf32, #tpu.memory_space<hbm>> -> memref<640x128xf32, #tpu.memory_space<hbm>>
      %dma_wait3A_21 = arith.constant 0 : i32
      %dma_wait3A_22 = tpu.memref_slice %arg10[%mul3A_12, %dma_wait3A_21] : memref<10240x128xf32, #tpu.memory_space<vmem_shared>> -> memref<640x128xf32, #tpu.memory_space<vmem_shared>>
      tpu.wait_dma2 semaphore(%run_scoped3A : memref<!tpu.dma_semaphore, #tpu.memory_space<semaphore_mem>>) src(%dma_wait3A_22 : memref<640x128xf32, #tpu.memory_space<vmem_shared>>) dst(%dma_wait3A_20 : memref<640x128xf32, #tpu.memory_space<hbm>>)
      tpu.yield
    }) : () -> ()
    return
  }
}

#map = affine_map<(d0, d1) -> (0, 0)>
#map1 = affine_map<(d0, d1) -> (0, 0, 0)>
module attributes {stable_mosaic.version = 14 : i64} {
  func.func @_sc_scatter_body(%arg0: i32, %arg1: i32, %arg2: memref<10000x128xf32, #tpu.memory_space<hbm>>, %arg3: memref<32x79x128xi32, #tpu.memory_space<hbm>>, %arg4: memref<32x79x128xi32, #tpu.memory_space<hbm>>, %arg5: memref<10240x128xf32, #tpu.memory_space<hbm>>, %arg6: memref<2x10240x128xf32, #tpu.memory_space<hbm>>, %arg7: memref<79x128xi32, #tpu.memory_space<vmem>>, %arg8: memref<79x128xi32, #tpu.memory_space<vmem>>, %arg9: memref<128x128xf32, #tpu.memory_space<vmem>>, %arg10: memref<10240x128xf32, #tpu.memory_space<vmem_shared>>, %arg11: memref<!tpu.dma_semaphore, #tpu.memory_space<semaphore_mem>>) attributes {dimension_semantics = [#tpu.dimension_semantics<core_parallel>, #tpu.dimension_semantics<subcore_parallel>], iteration_bounds = array<i64: 2, 16>, scalar_prefetch = 0 : i64, scratch_operands = 5 : i64, tpu.core_type = #tpu.core_type<sc_vector_subcore>, window_params = [{transform_indices = #map}, {transform_indices = #map1}, {transform_indices = #map1}, {transform_indices = #map}, {transform_indices = #map1}]} {
    %mul3A = arith.constant 16 : i32
    %mul3A_0 = arith.muli %arg0, %mul3A : i32
    %add3A = arith.addi %mul3A_0, %arg1 : i32
    %mul3A_1 = arith.constant 640 : i32
    %mul3A_2 = arith.muli %arg1, %mul3A_1 : i32
    %mul3A_3 = arith.constant 640 : i32
    %mul3A_4 = arith.muli %arg1, %mul3A_3 : i32
    "tpu.region"() ({
      %run_scoped3A = tpu.sem_alloc : memref<!tpu.dma_semaphore, #tpu.memory_space<semaphore_mem>>
      %dma_start3A = arith.constant 0 : i32
      %dma_start3A_15 = tpu.memref_slice %arg10[%mul3A_4, %dma_start3A] : memref<10240x128xf32, #tpu.memory_space<vmem_shared>> -> memref<640x128xf32, #tpu.memory_space<vmem_shared>>
      %dma_start3A_16 = arith.constant 0 : i32
      %dma_start3A_17 = tpu.memref_slice %arg5[%mul3A_2, %dma_start3A_16] : memref<10240x128xf32, #tpu.memory_space<hbm>> -> memref<640x128xf32, #tpu.memory_space<hbm>>
      tpu.enqueue_dma source(%dma_start3A_17 : memref<640x128xf32, #tpu.memory_space<hbm>>) target(%dma_start3A_15 : memref<640x128xf32, #tpu.memory_space<vmem_shared>>) target_semaphore(%run_scoped3A : memref<!tpu.dma_semaphore, #tpu.memory_space<semaphore_mem>>)
      %dma_wait3A = arith.constant 0 : i32
      %dma_wait3A_18 = tpu.memref_slice %arg10[%mul3A_4, %dma_wait3A] : memref<10240x128xf32, #tpu.memory_space<vmem_shared>> -> memref<640x128xf32, #tpu.memory_space<vmem_shared>>
      %dma_wait3A_19 = arith.constant 0 : i32
      %dma_wait3A_20 = tpu.memref_slice %arg5[%mul3A_2, %dma_wait3A_19] : memref<10240x128xf32, #tpu.memory_space<hbm>> -> memref<640x128xf32, #tpu.memory_space<hbm>>
      tpu.wait_dma2 semaphore(%run_scoped3A : memref<!tpu.dma_semaphore, #tpu.memory_space<semaphore_mem>>) src(%dma_wait3A_20 : memref<640x128xf32, #tpu.memory_space<hbm>>) dst(%dma_wait3A_18 : memref<640x128xf32, #tpu.memory_space<vmem_shared>>)
      tpu.yield
    }) : () -> ()
    "tpu.region"() ({
      %run_scoped3A = tpu.sem_alloc : memref<!tpu.dma_semaphore, #tpu.memory_space<semaphore_mem>>
      %dma_start3A = arith.constant 0 : i32
      %dma_start3A_15 = arith.constant 0 : i32
      %dma_start3A_16 = tpu.memref_slice %arg3[%add3A, %dma_start3A, %dma_start3A_15] : memref<32x79x128xi32, #tpu.memory_space<hbm>> -> memref<1x79x128xi32, #tpu.memory_space<hbm>>
      %dma_start3A_17 = tpu.memref_squeeze %dma_start3A_16 : memref<1x79x128xi32, #tpu.memory_space<hbm>> -> memref<79x128xi32, #tpu.memory_space<hbm>>
      %dma_start3A_18 = arith.constant 0 : i32
      %dma_start3A_19 = arith.constant 0 : i32
      %dma_start3A_20 = tpu.memref_slice %arg3[%add3A, %dma_start3A_18, %dma_start3A_19] : memref<32x79x128xi32, #tpu.memory_space<hbm>> -> memref<1x79x128xi32, #tpu.memory_space<hbm>>
      %dma_start3A_21 = tpu.memref_squeeze %dma_start3A_20 : memref<1x79x128xi32, #tpu.memory_space<hbm>> -> memref<79x128xi32, #tpu.memory_space<hbm>>
      tpu.enqueue_dma source(%dma_start3A_21 : memref<79x128xi32, #tpu.memory_space<hbm>>) target(%arg7 : memref<79x128xi32, #tpu.memory_space<vmem>>) target_semaphore(%run_scoped3A : memref<!tpu.dma_semaphore, #tpu.memory_space<semaphore_mem>>)
      %dma_wait3A = arith.constant 0 : i32
      %dma_wait3A_22 = arith.constant 0 : i32
      %dma_wait3A_23 = tpu.memref_slice %arg3[%add3A, %dma_wait3A, %dma_wait3A_22] : memref<32x79x128xi32, #tpu.memory_space<hbm>> -> memref<1x79x128xi32, #tpu.memory_space<hbm>>
      %dma_wait3A_24 = tpu.memref_squeeze %dma_wait3A_23 : memref<1x79x128xi32, #tpu.memory_space<hbm>> -> memref<79x128xi32, #tpu.memory_space<hbm>>
      %dma_wait3A_25 = arith.constant 0 : i32
      %dma_wait3A_26 = arith.constant 0 : i32
      %dma_wait3A_27 = tpu.memref_slice %arg3[%add3A, %dma_wait3A_25, %dma_wait3A_26] : memref<32x79x128xi32, #tpu.memory_space<hbm>> -> memref<1x79x128xi32, #tpu.memory_space<hbm>>
      %dma_wait3A_28 = tpu.memref_squeeze %dma_wait3A_27 : memref<1x79x128xi32, #tpu.memory_space<hbm>> -> memref<79x128xi32, #tpu.memory_space<hbm>>
      tpu.wait_dma2 semaphore(%run_scoped3A : memref<!tpu.dma_semaphore, #tpu.memory_space<semaphore_mem>>) src(%dma_wait3A_28 : memref<79x128xi32, #tpu.memory_space<hbm>>) dst(%arg7 : memref<79x128xi32, #tpu.memory_space<vmem>>)
      tpu.yield
    }) : () -> ()
    "tpu.region"() ({
      %run_scoped3A = tpu.sem_alloc : memref<!tpu.dma_semaphore, #tpu.memory_space<semaphore_mem>>
      %dma_start3A = arith.constant 0 : i32
      %dma_start3A_15 = arith.constant 0 : i32
      %dma_start3A_16 = tpu.memref_slice %arg4[%add3A, %dma_start3A, %dma_start3A_15] : memref<32x79x128xi32, #tpu.memory_space<hbm>> -> memref<1x79x128xi32, #tpu.memory_space<hbm>>
      %dma_start3A_17 = tpu.memref_squeeze %dma_start3A_16 : memref<1x79x128xi32, #tpu.memory_space<hbm>> -> memref<79x128xi32, #tpu.memory_space<hbm>>
      %dma_start3A_18 = arith.constant 0 : i32
      %dma_start3A_19 = arith.constant 0 : i32
      %dma_start3A_20 = tpu.memref_slice %arg4[%add3A, %dma_start3A_18, %dma_start3A_19] : memref<32x79x128xi32, #tpu.memory_space<hbm>> -> memref<1x79x128xi32, #tpu.memory_space<hbm>>
      %dma_start3A_21 = tpu.memref_squeeze %dma_start3A_20 : memref<1x79x128xi32, #tpu.memory_space<hbm>> -> memref<79x128xi32, #tpu.memory_space<hbm>>
      tpu.enqueue_dma source(%dma_start3A_21 : memref<79x128xi32, #tpu.memory_space<hbm>>) target(%arg8 : memref<79x128xi32, #tpu.memory_space<vmem>>) target_semaphore(%run_scoped3A : memref<!tpu.dma_semaphore, #tpu.memory_space<semaphore_mem>>)
      %dma_wait3A = arith.constant 0 : i32
      %dma_wait3A_22 = arith.constant 0 : i32
      %dma_wait3A_23 = tpu.memref_slice %arg4[%add3A, %dma_wait3A, %dma_wait3A_22] : memref<32x79x128xi32, #tpu.memory_space<hbm>> -> memref<1x79x128xi32, #tpu.memory_space<hbm>>
      %dma_wait3A_24 = tpu.memref_squeeze %dma_wait3A_23 : memref<1x79x128xi32, #tpu.memory_space<hbm>> -> memref<79x128xi32, #tpu.memory_space<hbm>>
      %dma_wait3A_25 = arith.constant 0 : i32
      %dma_wait3A_26 = arith.constant 0 : i32
      %dma_wait3A_27 = tpu.memref_slice %arg4[%add3A, %dma_wait3A_25, %dma_wait3A_26] : memref<32x79x128xi32, #tpu.memory_space<hbm>> -> memref<1x79x128xi32, #tpu.memory_space<hbm>>
      %dma_wait3A_28 = tpu.memref_squeeze %dma_wait3A_27 : memref<1x79x128xi32, #tpu.memory_space<hbm>> -> memref<79x128xi32, #tpu.memory_space<hbm>>
      tpu.wait_dma2 semaphore(%run_scoped3A : memref<!tpu.dma_semaphore, #tpu.memory_space<semaphore_mem>>) src(%dma_wait3A_28 : memref<79x128xi32, #tpu.memory_space<hbm>>) dst(%arg8 : memref<79x128xi32, #tpu.memory_space<vmem>>)
      tpu.yield
    }) : () -> ()
    %barrier3A = arith.constant 0 : index
    tpu.barrier barrier_id(%barrier3A)
    %scan3A = arith.constant 0 : i32
    %scan3A_5 = arith.constant 0 : i32
    %scan3A_6 = arith.constant 79 : i32
    %scan3A_7 = arith.addi %scan3A_5, %scan3A_6 : i32
    %scan3A_8 = arith.constant 1 : i32
    scf.for %scan3A_15 = %scan3A_5 to %scan3A_7 step %scan3A_8  : i32 {
      %dma_start3A = arith.constant 0 : i32
      %dma_start3A_16 = tpu.memref_slice %arg7[%scan3A_15, %dma_start3A] : memref<79x128xi32, #tpu.memory_space<vmem>> -> memref<1x128xi32, #tpu.memory_space<vmem>>
      %dma_start3A_17 = tpu.memref_squeeze %dma_start3A_16 : memref<1x128xi32, #tpu.memory_space<vmem>> -> memref<128xi32, #tpu.memory_space<vmem>>
      %dma_start3A_18 = arith.constant 0 : i32
      %dma_start3A_19 = arith.constant 0 : i32
      %dma_start3A_20 = tpu.memref_slice %arg2[%dma_start3A_18, %dma_start3A_19] : memref<10000x128xf32, #tpu.memory_space<hbm>> -> memref<10000x128xf32, #tpu.memory_space<hbm>>
      tpu.enqueue_indirect_dma source(%dma_start3A_20 : memref<10000x128xf32, #tpu.memory_space<hbm>>) target(%arg9 : memref<128x128xf32, #tpu.memory_space<vmem>>) offsets(%dma_start3A_17 : memref<128xi32, #tpu.memory_space<vmem>>) semaphore(%arg11 : memref<!tpu.dma_semaphore, #tpu.memory_space<semaphore_mem>>)
      %dma_wait3A = arith.constant 0 : i32
      %dma_wait3A_21 = tpu.memref_slice %arg7[%scan3A_15, %dma_wait3A] : memref<79x128xi32, #tpu.memory_space<vmem>> -> memref<1x128xi32, #tpu.memory_space<vmem>>
      %dma_wait3A_22 = tpu.memref_squeeze %dma_wait3A_21 : memref<1x128xi32, #tpu.memory_space<vmem>> -> memref<128xi32, #tpu.memory_space<vmem>>
      %dma_wait3A_23 = arith.constant 0 : i32
      %dma_wait3A_24 = arith.constant 0 : i32
      %dma_wait3A_25 = tpu.memref_slice %arg2[%dma_wait3A_23, %dma_wait3A_24] : memref<10000x128xf32, #tpu.memory_space<hbm>> -> memref<10000x128xf32, #tpu.memory_space<hbm>>
      tpu.wait_indirect_dma semaphore(%arg11 : memref<!tpu.dma_semaphore, #tpu.memory_space<semaphore_mem>>) src(%dma_wait3A_25 : memref<10000x128xf32, #tpu.memory_space<hbm>>) dst(%arg9 : memref<128x128xf32, #tpu.memory_space<vmem>>)
      "tpu.region"() ({
        %run_scoped3A = tpu.sem_alloc : memref<!tpu.dma_semaphore, #tpu.memory_space<semaphore_mem>>
        %dma_start3A_26 = arith.constant 0 : i32
        %dma_start3A_27 = tpu.memref_slice %arg8[%scan3A_15, %dma_start3A_26] : memref<79x128xi32, #tpu.memory_space<vmem>> -> memref<1x128xi32, #tpu.memory_space<vmem>>
        %dma_start3A_28 = tpu.memref_squeeze %dma_start3A_27 : memref<1x128xi32, #tpu.memory_space<vmem>> -> memref<128xi32, #tpu.memory_space<vmem>>
        %dma_start3A_29 = arith.constant 0 : i32
        %dma_start3A_30 = arith.constant 0 : i32
        %dma_start3A_31 = tpu.memref_slice %arg10[%dma_start3A_29, %dma_start3A_30] : memref<10240x128xf32, #tpu.memory_space<vmem_shared>> -> memref<10240x128xf32, #tpu.memory_space<vmem_shared>>
        tpu.enqueue_indirect_dma source(%arg9 : memref<128x128xf32, #tpu.memory_space<vmem>>) target(%dma_start3A_31 : memref<10240x128xf32, #tpu.memory_space<vmem_shared>>) offsets(%dma_start3A_28 : memref<128xi32, #tpu.memory_space<vmem>>) semaphore(%run_scoped3A : memref<!tpu.dma_semaphore, #tpu.memory_space<semaphore_mem>>) {add = true}
        %dma_wait3A_32 = arith.constant 0 : i32
        %dma_wait3A_33 = tpu.memref_slice %arg8[%scan3A_15, %dma_wait3A_32] : memref<79x128xi32, #tpu.memory_space<vmem>> -> memref<1x128xi32, #tpu.memory_space<vmem>>
        %dma_wait3A_34 = tpu.memref_squeeze %dma_wait3A_33 : memref<1x128xi32, #tpu.memory_space<vmem>> -> memref<128xi32, #tpu.memory_space<vmem>>
        %dma_wait3A_35 = arith.constant 0 : i32
        %dma_wait3A_36 = arith.constant 0 : i32
        %dma_wait3A_37 = tpu.memref_slice %arg10[%dma_wait3A_35, %dma_wait3A_36] : memref<10240x128xf32, #tpu.memory_space<vmem_shared>> -> memref<10240x128xf32, #tpu.memory_space<vmem_shared>>
        tpu.wait_indirect_dma semaphore(%run_scoped3A : memref<!tpu.dma_semaphore, #tpu.memory_space<semaphore_mem>>) src(%arg9 : memref<128x128xf32, #tpu.memory_space<vmem>>) dst(%dma_wait3A_37 : memref<10240x128xf32, #tpu.memory_space<vmem_shared>>)
        tpu.yield
      }) : () -> ()
    }
    %scan3A_9 = arith.constant 79 : i32
    %barrier3A_10 = arith.constant 0 : index
    tpu.barrier barrier_id(%barrier3A_10)
    %mul3A_11 = arith.constant 640 : i32
    %mul3A_12 = arith.muli %arg1, %mul3A_11 : i32
    %mul3A_13 = arith.constant 640 : i32
    %mul3A_14 = arith.muli %arg1, %mul3A_13 : i32
    "tpu.region"() ({
      %run_scoped3A = tpu.sem_alloc : memref<!tpu.dma_semaphore, #tpu.memory_space<semaphore_mem>>
      %dma_start3A = arith.constant 0 : i32
      %dma_start3A_15 = tpu.memref_slice %arg6[%arg0, %mul3A_14, %dma_start3A] : memref<2x10240x128xf32, #tpu.memory_space<hbm>> -> memref<1x640x128xf32, #tpu.memory_space<hbm>>
      %dma_start3A_16 = tpu.memref_squeeze %dma_start3A_15 : memref<1x640x128xf32, #tpu.memory_space<hbm>> -> memref<640x128xf32, #tpu.memory_space<hbm>>
      %dma_start3A_17 = arith.constant 0 : i32
      %dma_start3A_18 = tpu.memref_slice %arg10[%mul3A_12, %dma_start3A_17] : memref<10240x128xf32, #tpu.memory_space<vmem_shared>> -> memref<640x128xf32, #tpu.memory_space<vmem_shared>>
      tpu.enqueue_dma source(%dma_start3A_18 : memref<640x128xf32, #tpu.memory_space<vmem_shared>>) target(%dma_start3A_16 : memref<640x128xf32, #tpu.memory_space<hbm>>) target_semaphore(%run_scoped3A : memref<!tpu.dma_semaphore, #tpu.memory_space<semaphore_mem>>)
      %dma_wait3A = arith.constant 0 : i32
      %dma_wait3A_19 = tpu.memref_slice %arg6[%arg0, %mul3A_14, %dma_wait3A] : memref<2x10240x128xf32, #tpu.memory_space<hbm>> -> memref<1x640x128xf32, #tpu.memory_space<hbm>>
      %dma_wait3A_20 = tpu.memref_squeeze %dma_wait3A_19 : memref<1x640x128xf32, #tpu.memory_space<hbm>> -> memref<640x128xf32, #tpu.memory_space<hbm>>
      %dma_wait3A_21 = arith.constant 0 : i32
      %dma_wait3A_22 = tpu.memref_slice %arg10[%mul3A_12, %dma_wait3A_21] : memref<10240x128xf32, #tpu.memory_space<vmem_shared>> -> memref<640x128xf32, #tpu.memory_space<vmem_shared>>
      tpu.wait_dma2 semaphore(%run_scoped3A : memref<!tpu.dma_semaphore, #tpu.memory_space<semaphore_mem>>) src(%dma_wait3A_22 : memref<640x128xf32, #tpu.memory_space<vmem_shared>>) dst(%dma_wait3A_20 : memref<640x128xf32, #tpu.memory_space<hbm>>)
      tpu.yield
    }) : () -> ()
    return
  }
}

#map = affine_map<(d0, d1) -> (0, 0)>
#map1 = affine_map<(d0, d1) -> (0, 0, 0)>
module attributes {stable_mosaic.version = 14 : i64} {
  func.func @_sc_scatter_body(%arg0: i32, %arg1: i32, %arg2: memref<10000x128xf32, #tpu.memory_space<hbm>>, %arg3: memref<32x79x128xi32, #tpu.memory_space<hbm>>, %arg4: memref<32x79x128xi32, #tpu.memory_space<hbm>>, %arg5: memref<10240x128xf32, #tpu.memory_space<hbm>>, %arg6: memref<2x10240x128xf32, #tpu.memory_space<hbm>>, %arg7: memref<79x128xi32, #tpu.memory_space<vmem>>, %arg8: memref<79x128xi32, #tpu.memory_space<vmem>>, %arg9: memref<128x128xf32, #tpu.memory_space<vmem>>, %arg10: memref<10240x128xf32, #tpu.memory_space<vmem_shared>>, %arg11: memref<!tpu.dma_semaphore, #tpu.memory_space<semaphore_mem>>) attributes {dimension_semantics = [#tpu.dimension_semantics<core_parallel>, #tpu.dimension_semantics<subcore_parallel>], iteration_bounds = array<i64: 2, 16>, scalar_prefetch = 0 : i64, scratch_operands = 5 : i64, tpu.core_type = #tpu.core_type<sc_vector_subcore>, window_params = [{transform_indices = #map}, {transform_indices = #map1}, {transform_indices = #map1}, {transform_indices = #map}, {transform_indices = #map1}]} {
    %mul3A = arith.constant 16 : i32
    %mul3A_0 = arith.muli %arg0, %mul3A : i32
    %add3A = arith.addi %mul3A_0, %arg1 : i32
    %mul3A_1 = arith.constant 640 : i32
    %mul3A_2 = arith.muli %arg1, %mul3A_1 : i32
    %mul3A_3 = arith.constant 640 : i32
    %mul3A_4 = arith.muli %arg1, %mul3A_3 : i32
    "tpu.region"() ({
      %run_scoped3A = tpu.sem_alloc : memref<!tpu.dma_semaphore, #tpu.memory_space<semaphore_mem>>
      %dma_start3A = arith.constant 0 : i32
      %dma_start3A_15 = tpu.memref_slice %arg10[%mul3A_4, %dma_start3A] : memref<10240x128xf32, #tpu.memory_space<vmem_shared>> -> memref<640x128xf32, #tpu.memory_space<vmem_shared>>
      %dma_start3A_16 = arith.constant 0 : i32
      %dma_start3A_17 = tpu.memref_slice %arg5[%mul3A_2, %dma_start3A_16] : memref<10240x128xf32, #tpu.memory_space<hbm>> -> memref<640x128xf32, #tpu.memory_space<hbm>>
      tpu.enqueue_dma source(%dma_start3A_17 : memref<640x128xf32, #tpu.memory_space<hbm>>) target(%dma_start3A_15 : memref<640x128xf32, #tpu.memory_space<vmem_shared>>) target_semaphore(%run_scoped3A : memref<!tpu.dma_semaphore, #tpu.memory_space<semaphore_mem>>)
      %dma_wait3A = arith.constant 0 : i32
      %dma_wait3A_18 = tpu.memref_slice %arg10[%mul3A_4, %dma_wait3A] : memref<10240x128xf32, #tpu.memory_space<vmem_shared>> -> memref<640x128xf32, #tpu.memory_space<vmem_shared>>
      %dma_wait3A_19 = arith.constant 0 : i32
      %dma_wait3A_20 = tpu.memref_slice %arg5[%mul3A_2, %dma_wait3A_19] : memref<10240x128xf32, #tpu.memory_space<hbm>> -> memref<640x128xf32, #tpu.memory_space<hbm>>
      tpu.wait_dma2 semaphore(%run_scoped3A : memref<!tpu.dma_semaphore, #tpu.memory_space<semaphore_mem>>) src(%dma_wait3A_20 : memref<640x128xf32, #tpu.memory_space<hbm>>) dst(%dma_wait3A_18 : memref<640x128xf32, #tpu.memory_space<vmem_shared>>)
      tpu.yield
    }) : () -> ()
    "tpu.region"() ({
      %run_scoped3A = tpu.sem_alloc : memref<!tpu.dma_semaphore, #tpu.memory_space<semaphore_mem>>
      %dma_start3A = arith.constant 0 : i32
      %dma_start3A_15 = arith.constant 0 : i32
      %dma_start3A_16 = tpu.memref_slice %arg3[%add3A, %dma_start3A, %dma_start3A_15] : memref<32x79x128xi32, #tpu.memory_space<hbm>> -> memref<1x79x128xi32, #tpu.memory_space<hbm>>
      %dma_start3A_17 = tpu.memref_squeeze %dma_start3A_16 : memref<1x79x128xi32, #tpu.memory_space<hbm>> -> memref<79x128xi32, #tpu.memory_space<hbm>>
      %dma_start3A_18 = arith.constant 0 : i32
      %dma_start3A_19 = arith.constant 0 : i32
      %dma_start3A_20 = tpu.memref_slice %arg3[%add3A, %dma_start3A_18, %dma_start3A_19] : memref<32x79x128xi32, #tpu.memory_space<hbm>> -> memref<1x79x128xi32, #tpu.memory_space<hbm>>
      %dma_start3A_21 = tpu.memref_squeeze %dma_start3A_20 : memref<1x79x128xi32, #tpu.memory_space<hbm>> -> memref<79x128xi32, #tpu.memory_space<hbm>>
      tpu.enqueue_dma source(%dma_start3A_21 : memref<79x128xi32, #tpu.memory_space<hbm>>) target(%arg7 : memref<79x128xi32, #tpu.memory_space<vmem>>) target_semaphore(%run_scoped3A : memref<!tpu.dma_semaphore, #tpu.memory_space<semaphore_mem>>)
      %dma_wait3A = arith.constant 0 : i32
      %dma_wait3A_22 = arith.constant 0 : i32
      %dma_wait3A_23 = tpu.memref_slice %arg3[%add3A, %dma_wait3A, %dma_wait3A_22] : memref<32x79x128xi32, #tpu.memory_space<hbm>> -> memref<1x79x128xi32, #tpu.memory_space<hbm>>
      %dma_wait3A_24 = tpu.memref_squeeze %dma_wait3A_23 : memref<1x79x128xi32, #tpu.memory_space<hbm>> -> memref<79x128xi32, #tpu.memory_space<hbm>>
      %dma_wait3A_25 = arith.constant 0 : i32
      %dma_wait3A_26 = arith.constant 0 : i32
      %dma_wait3A_27 = tpu.memref_slice %arg3[%add3A, %dma_wait3A_25, %dma_wait3A_26] : memref<32x79x128xi32, #tpu.memory_space<hbm>> -> memref<1x79x128xi32, #tpu.memory_space<hbm>>
      %dma_wait3A_28 = tpu.memref_squeeze %dma_wait3A_27 : memref<1x79x128xi32, #tpu.memory_space<hbm>> -> memref<79x128xi32, #tpu.memory_space<hbm>>
      tpu.wait_dma2 semaphore(%run_scoped3A : memref<!tpu.dma_semaphore, #tpu.memory_space<semaphore_mem>>) src(%dma_wait3A_28 : memref<79x128xi32, #tpu.memory_space<hbm>>) dst(%arg7 : memref<79x128xi32, #tpu.memory_space<vmem>>)
      tpu.yield
    }) : () -> ()
    "tpu.region"() ({
      %run_scoped3A = tpu.sem_alloc : memref<!tpu.dma_semaphore, #tpu.memory_space<semaphore_mem>>
      %dma_start3A = arith.constant 0 : i32
      %dma_start3A_15 = arith.constant 0 : i32
      %dma_start3A_16 = tpu.memref_slice %arg4[%add3A, %dma_start3A, %dma_start3A_15] : memref<32x79x128xi32, #tpu.memory_space<hbm>> -> memref<1x79x128xi32, #tpu.memory_space<hbm>>
      %dma_start3A_17 = tpu.memref_squeeze %dma_start3A_16 : memref<1x79x128xi32, #tpu.memory_space<hbm>> -> memref<79x128xi32, #tpu.memory_space<hbm>>
      %dma_start3A_18 = arith.constant 0 : i32
      %dma_start3A_19 = arith.constant 0 : i32
      %dma_start3A_20 = tpu.memref_slice %arg4[%add3A, %dma_start3A_18, %dma_start3A_19] : memref<32x79x128xi32, #tpu.memory_space<hbm>> -> memref<1x79x128xi32, #tpu.memory_space<hbm>>
      %dma_start3A_21 = tpu.memref_squeeze %dma_start3A_20 : memref<1x79x128xi32, #tpu.memory_space<hbm>> -> memref<79x128xi32, #tpu.memory_space<hbm>>
      tpu.enqueue_dma source(%dma_start3A_21 : memref<79x128xi32, #tpu.memory_space<hbm>>) target(%arg8 : memref<79x128xi32, #tpu.memory_space<vmem>>) target_semaphore(%run_scoped3A : memref<!tpu.dma_semaphore, #tpu.memory_space<semaphore_mem>>)
      %dma_wait3A = arith.constant 0 : i32
      %dma_wait3A_22 = arith.constant 0 : i32
      %dma_wait3A_23 = tpu.memref_slice %arg4[%add3A, %dma_wait3A, %dma_wait3A_22] : memref<32x79x128xi32, #tpu.memory_space<hbm>> -> memref<1x79x128xi32, #tpu.memory_space<hbm>>
      %dma_wait3A_24 = tpu.memref_squeeze %dma_wait3A_23 : memref<1x79x128xi32, #tpu.memory_space<hbm>> -> memref<79x128xi32, #tpu.memory_space<hbm>>
      %dma_wait3A_25 = arith.constant 0 : i32
      %dma_wait3A_26 = arith.constant 0 : i32
      %dma_wait3A_27 = tpu.memref_slice %arg4[%add3A, %dma_wait3A_25, %dma_wait3A_26] : memref<32x79x128xi32, #tpu.memory_space<hbm>> -> memref<1x79x128xi32, #tpu.memory_space<hbm>>
      %dma_wait3A_28 = tpu.memref_squeeze %dma_wait3A_27 : memref<1x79x128xi32, #tpu.memory_space<hbm>> -> memref<79x128xi32, #tpu.memory_space<hbm>>
      tpu.wait_dma2 semaphore(%run_scoped3A : memref<!tpu.dma_semaphore, #tpu.memory_space<semaphore_mem>>) src(%dma_wait3A_28 : memref<79x128xi32, #tpu.memory_space<hbm>>) dst(%arg8 : memref<79x128xi32, #tpu.memory_space<vmem>>)
      tpu.yield
    }) : () -> ()
    %barrier3A = arith.constant 0 : index
    tpu.barrier barrier_id(%barrier3A)
    %scan3A = arith.constant 0 : i32
    %scan3A_5 = arith.constant 0 : i32
    %scan3A_6 = arith.constant 79 : i32
    %scan3A_7 = arith.addi %scan3A_5, %scan3A_6 : i32
    %scan3A_8 = arith.constant 1 : i32
    scf.for %scan3A_15 = %scan3A_5 to %scan3A_7 step %scan3A_8  : i32 {
      %dma_start3A = arith.constant 0 : i32
      %dma_start3A_16 = tpu.memref_slice %arg7[%scan3A_15, %dma_start3A] : memref<79x128xi32, #tpu.memory_space<vmem>> -> memref<1x128xi32, #tpu.memory_space<vmem>>
      %dma_start3A_17 = tpu.memref_squeeze %dma_start3A_16 : memref<1x128xi32, #tpu.memory_space<vmem>> -> memref<128xi32, #tpu.memory_space<vmem>>
      %dma_start3A_18 = arith.constant 0 : i32
      %dma_start3A_19 = arith.constant 0 : i32
      %dma_start3A_20 = tpu.memref_slice %arg2[%dma_start3A_18, %dma_start3A_19] : memref<10000x128xf32, #tpu.memory_space<hbm>> -> memref<10000x128xf32, #tpu.memory_space<hbm>>
      tpu.enqueue_indirect_dma source(%dma_start3A_20 : memref<10000x128xf32, #tpu.memory_space<hbm>>) target(%arg9 : memref<128x128xf32, #tpu.memory_space<vmem>>) offsets(%dma_start3A_17 : memref<128xi32, #tpu.memory_space<vmem>>) semaphore(%arg11 : memref<!tpu.dma_semaphore, #tpu.memory_space<semaphore_mem>>)
      %dma_wait3A = arith.constant 0 : i32
      %dma_wait3A_21 = tpu.memref_slice %arg7[%scan3A_15, %dma_wait3A] : memref<79x128xi32, #tpu.memory_space<vmem>> -> memref<1x128xi32, #tpu.memory_space<vmem>>
      %dma_wait3A_22 = tpu.memref_squeeze %dma_wait3A_21 : memref<1x128xi32, #tpu.memory_space<vmem>> -> memref<128xi32, #tpu.memory_space<vmem>>
      %dma_wait3A_23 = arith.constant 0 : i32
      %dma_wait3A_24 = arith.constant 0 : i32
      %dma_wait3A_25 = tpu.memref_slice %arg2[%dma_wait3A_23, %dma_wait3A_24] : memref<10000x128xf32, #tpu.memory_space<hbm>> -> memref<10000x128xf32, #tpu.memory_space<hbm>>
      tpu.wait_indirect_dma semaphore(%arg11 : memref<!tpu.dma_semaphore, #tpu.memory_space<semaphore_mem>>) src(%dma_wait3A_25 : memref<10000x128xf32, #tpu.memory_space<hbm>>) dst(%arg9 : memref<128x128xf32, #tpu.memory_space<vmem>>)
      "tpu.region"() ({
        %run_scoped3A = tpu.sem_alloc : memref<!tpu.dma_semaphore, #tpu.memory_space<semaphore_mem>>
        %dma_start3A_26 = arith.constant 0 : i32
        %dma_start3A_27 = tpu.memref_slice %arg8[%scan3A_15, %dma_start3A_26] : memref<79x128xi32, #tpu.memory_space<vmem>> -> memref<1x128xi32, #tpu.memory_space<vmem>>
        %dma_start3A_28 = tpu.memref_squeeze %dma_start3A_27 : memref<1x128xi32, #tpu.memory_space<vmem>> -> memref<128xi32, #tpu.memory_space<vmem>>
        %dma_start3A_29 = arith.constant 0 : i32
        %dma_start3A_30 = arith.constant 0 : i32
        %dma_start3A_31 = tpu.memref_slice %arg10[%dma_start3A_29, %dma_start3A_30] : memref<10240x128xf32, #tpu.memory_space<vmem_shared>> -> memref<10240x128xf32, #tpu.memory_space<vmem_shared>>
        tpu.enqueue_indirect_dma source(%arg9 : memref<128x128xf32, #tpu.memory_space<vmem>>) target(%dma_start3A_31 : memref<10240x128xf32, #tpu.memory_space<vmem_shared>>) offsets(%dma_start3A_28 : memref<128xi32, #tpu.memory_space<vmem>>) semaphore(%run_scoped3A : memref<!tpu.dma_semaphore, #tpu.memory_space<semaphore_mem>>) {add = true}
        %dma_wait3A_32 = arith.constant 0 : i32
        %dma_wait3A_33 = tpu.memref_slice %arg8[%scan3A_15, %dma_wait3A_32] : memref<79x128xi32, #tpu.memory_space<vmem>> -> memref<1x128xi32, #tpu.memory_space<vmem>>
        %dma_wait3A_34 = tpu.memref_squeeze %dma_wait3A_33 : memref<1x128xi32, #tpu.memory_space<vmem>> -> memref<128xi32, #tpu.memory_space<vmem>>
        %dma_wait3A_35 = arith.constant 0 : i32
        %dma_wait3A_36 = arith.constant 0 : i32
        %dma_wait3A_37 = tpu.memref_slice %arg10[%dma_wait3A_35, %dma_wait3A_36] : memref<10240x128xf32, #tpu.memory_space<vmem_shared>> -> memref<10240x128xf32, #tpu.memory_space<vmem_shared>>
        tpu.wait_indirect_dma semaphore(%run_scoped3A : memref<!tpu.dma_semaphore, #tpu.memory_space<semaphore_mem>>) src(%arg9 : memref<128x128xf32, #tpu.memory_space<vmem>>) dst(%dma_wait3A_37 : memref<10240x128xf32, #tpu.memory_space<vmem_shared>>)
        tpu.yield
      }) : () -> ()
    }
    %scan3A_9 = arith.constant 79 : i32
    %barrier3A_10 = arith.constant 0 : index
    tpu.barrier barrier_id(%barrier3A_10)
    %mul3A_11 = arith.constant 640 : i32
    %mul3A_12 = arith.muli %arg1, %mul3A_11 : i32
    %mul3A_13 = arith.constant 640 : i32
    %mul3A_14 = arith.muli %arg1, %mul3A_13 : i32
    "tpu.region"() ({
      %run_scoped3A = tpu.sem_alloc : memref<!tpu.dma_semaphore, #tpu.memory_space<semaphore_mem>>
      %dma_start3A = arith.constant 0 : i32
      %dma_start3A_15 = tpu.memref_slice %arg6[%arg0, %mul3A_14, %dma_start3A] : memref<2x10240x128xf32, #tpu.memory_space<hbm>> -> memref<1x640x128xf32, #tpu.memory_space<hbm>>
      %dma_start3A_16 = tpu.memref_squeeze %dma_start3A_15 : memref<1x640x128xf32, #tpu.memory_space<hbm>> -> memref<640x128xf32, #tpu.memory_space<hbm>>
      %dma_start3A_17 = arith.constant 0 : i32
      %dma_start3A_18 = tpu.memref_slice %arg10[%mul3A_12, %dma_start3A_17] : memref<10240x128xf32, #tpu.memory_space<vmem_shared>> -> memref<640x128xf32, #tpu.memory_space<vmem_shared>>
      tpu.enqueue_dma source(%dma_start3A_18 : memref<640x128xf32, #tpu.memory_space<vmem_shared>>) target(%dma_start3A_16 : memref<640x128xf32, #tpu.memory_space<hbm>>) target_semaphore(%run_scoped3A : memref<!tpu.dma_semaphore, #tpu.memory_space<semaphore_mem>>)
      %dma_wait3A = arith.constant 0 : i32
      %dma_wait3A_19 = tpu.memref_slice %arg6[%arg0, %mul3A_14, %dma_wait3A] : memref<2x10240x128xf32, #tpu.memory_space<hbm>> -> memref<1x640x128xf32, #tpu.memory_space<hbm>>
      %dma_wait3A_20 = tpu.memref_squeeze %dma_wait3A_19 : memref<1x640x128xf32, #tpu.memory_space<hbm>> -> memref<640x128xf32, #tpu.memory_space<hbm>>
      %dma_wait3A_21 = arith.constant 0 : i32
      %dma_wait3A_22 = tpu.memref_slice %arg10[%mul3A_12, %dma_wait3A_21] : memref<10240x128xf32, #tpu.memory_space<vmem_shared>> -> memref<640x128xf32, #tpu.memory_space<vmem_shared>>
      tpu.wait_dma2 semaphore(%run_scoped3A : memref<!tpu.dma_semaphore, #tpu.memory_space<semaphore_mem>>) src(%dma_wait3A_22 : memref<640x128xf32, #tpu.memory_space<vmem_shared>>) dst(%dma_wait3A_20 : memref<640x128xf32, #tpu.memory_space<hbm>>)
      tpu.yield
    }) : () -> ()
    return
  }
}

module attributes {stable_mosaic.version = 14 : i64} {
  func.func @_prep_body(%arg0: memref<2x10240x128xf32, #tpu.memory_space<vmem>>, %arg1: memref<10000x128xf32, #tpu.memory_space<vmem>>, %arg2: memref<128x128xf32, #tpu.memory_space<vmem>>, %arg3: memref<10000x1xf32, #tpu.memory_space<vmem>>, %arg4: memref<10000x128xf32, #tpu.memory_space<vmem>>) attributes {dimension_semantics = [], scalar_prefetch = 0 : i64, scratch_operands = 0 : i64, tpu.core_type = #tpu.core_type<tc>} {
    %get3A = arith.constant 0 : index
    %get3A_0 = arith.constant 0 : index
    %get3A_1 = arith.constant 0 : index
    %get3A_2 = vector.load %arg0[%get3A, %get3A_0, %get3A_1] : memref<2x10240x128xf32, #tpu.memory_space<vmem>>, vector<1x10000x1xf32>
    %get3A_3 = vector.shape_cast %get3A_2 : vector<1x10000x1xf32> to vector<10000x1xf32>
    %get3A_4 = arith.constant 1 : index
    %get3A_5 = arith.constant 0 : index
    %get3A_6 = arith.constant 0 : index
    %get3A_7 = vector.load %arg0[%get3A_4, %get3A_5, %get3A_6] : memref<2x10240x128xf32, #tpu.memory_space<vmem>>, vector<1x10000x1xf32>
    %get3A_8 = vector.shape_cast %get3A_7 : vector<1x10000x1xf32> to vector<10000x1xf32>
    %add3A = arith.addf %get3A_3, %get3A_8 : vector<10000x1xf32>
    %add3A_9 = arith.constant 1.000000e+00 : f32
    %add3A_10 = vector.broadcast %add3A_9 : f32 to vector<10000x1xf32>
    %add3A_11 = arith.addf %add3A, %add3A_10 : vector<10000x1xf32>
    %rsqrt3A = math.rsqrt %add3A_11 : vector<10000x1xf32>
    %swap3A = arith.constant 0 : index
    %swap3A_12 = arith.constant 0 : index
    %swap3A_13 = vector.load %arg3[%swap3A, %swap3A_12] : memref<10000x1xf32, #tpu.memory_space<vmem>>, vector<10000x1xf32>
    tpu.vector_store %arg3[%swap3A, %swap3A_12], %rsqrt3A {strides = array<i32>} : memref<10000x1xf32, #tpu.memory_space<vmem>>, vector<10000x1xf32>,
    %get3A_14 = arith.constant 0 : index
    %get3A_15 = arith.constant 0 : index
    %get3A_16 = vector.load %arg1[%get3A_14, %get3A_15] : memref<10000x128xf32, #tpu.memory_space<vmem>>, vector<10000x128xf32>
    %get3A_17 = arith.constant 0 : index
    %get3A_18 = arith.constant 0 : index
    %get3A_19 = vector.load %arg2[%get3A_17, %get3A_18] : memref<128x128xf32, #tpu.memory_space<vmem>>, vector<128x128xf32>
    %dot_general3A = arith.constant dense<0.000000e+00> : vector<10000x128xf32>
    %dot_general3A_20 = tpu.matmul %get3A_16, %get3A_19, %dot_general3A {dimension_numbers = #tpu.dot_dimension_numbers<[1], [0], [0], [1], [0, 0, 1, 1], [], []>, transpose_lhs_hint = false} : vector<10000x128xf32>, vector<128x128xf32>, vector<10000x128xf32> -> vector<10000x128xf32>
    %mul3A = vector.broadcast %rsqrt3A : vector<10000x1xf32> to vector<10000x128xf32>
    %mul3A_21 = arith.mulf %mul3A, %dot_general3A_20 : vector<10000x128xf32>
    %swap3A_22 = arith.constant 0 : index
    %swap3A_23 = arith.constant 0 : index
    %swap3A_24 = vector.load %arg4[%swap3A_22, %swap3A_23] : memref<10000x128xf32, #tpu.memory_space<vmem>>, vector<10000x128xf32>
    tpu.vector_store %arg4[%swap3A_22, %swap3A_23], %mul3A_21 {strides = array<i32>} : memref<10000x128xf32, #tpu.memory_space<vmem>>, vector<10000x128xf32>,
    return
  }
}

module attributes {stable_mosaic.version = 14 : i64} {
  func.func @_mid_even_body(%arg0: memref<2x10240x128xf32, #tpu.memory_space<vmem>>, %arg1: memref<10000x128xf32, #tpu.memory_space<vmem>>, %arg2: memref<10000x1xf32, #tpu.memory_space<vmem>>, %arg3: memref<1x128xf32, #tpu.memory_space<vmem>>, %arg4: memref<1x128xf32, #tpu.memory_space<vmem>>, %arg5: memref<1x128xf32, #tpu.memory_space<vmem>>, %arg6: memref<128x128xf32, #tpu.memory_space<vmem>>, %arg7: memref<10000x128xf32, #tpu.memory_space<vmem>>) attributes {dimension_semantics = [], scalar_prefetch = 0 : i64, scratch_operands = 0 : i64, tpu.core_type = #tpu.core_type<tc>} {
    %get3A = arith.constant 0 : index
    %get3A_0 = arith.constant 0 : index
    %get3A_1 = arith.constant 0 : index
    %get3A_2 = vector.load %arg0[%get3A, %get3A_0, %get3A_1] : memref<2x10240x128xf32, #tpu.memory_space<vmem>>, vector<1x10000x128xf32>
    %get3A_3 = vector.shape_cast %get3A_2 : vector<1x10000x128xf32> to vector<10000x128xf32>
    %get3A_4 = arith.constant 1 : index
    %get3A_5 = arith.constant 0 : index
    %get3A_6 = arith.constant 0 : index
    %get3A_7 = vector.load %arg0[%get3A_4, %get3A_5, %get3A_6] : memref<2x10240x128xf32, #tpu.memory_space<vmem>>, vector<1x10000x128xf32>
    %get3A_8 = vector.shape_cast %get3A_7 : vector<1x10000x128xf32> to vector<10000x128xf32>
    %add3A = arith.addf %get3A_3, %get3A_8 : vector<10000x128xf32>
    %get3A_9 = arith.constant 0 : index
    %get3A_10 = arith.constant 0 : index
    %get3A_11 = vector.load %arg2[%get3A_9, %get3A_10] : memref<10000x1xf32, #tpu.memory_space<vmem>>, vector<10000x1xf32>
    %get3A_12 = arith.constant 0 : index
    %get3A_13 = arith.constant 0 : index
    %get3A_14 = vector.load %arg1[%get3A_12, %get3A_13] : memref<10000x128xf32, #tpu.memory_space<vmem>>, vector<10000x128xf32>
    %add3A_15 = arith.addf %add3A, %get3A_14 : vector<10000x128xf32>
    %mul3A = vector.broadcast %get3A_11 : vector<10000x1xf32> to vector<10000x128xf32>
    %mul3A_16 = arith.mulf %mul3A, %add3A_15 : vector<10000x128xf32>
    %get3A_17 = arith.constant 0 : index
    %get3A_18 = arith.constant 0 : index
    %get3A_19 = vector.load %arg3[%get3A_17, %get3A_18] : memref<1x128xf32, #tpu.memory_space<vmem>>, vector<1x128xf32>
    %add3A_20 = vector.broadcast %get3A_19 : vector<1x128xf32> to vector<10000x128xf32>
    %add3A_21 = arith.addf %mul3A_16, %add3A_20 : vector<10000x128xf32>
    %reduce_sum3A = arith.constant dense<0.000000e+00> : vector<128xf32>
    %reduce_sum3A_22 = vector.multi_reduction <add>, %add3A_21, %reduce_sum3A [0] : vector<10000x128xf32> to vector<128xf32>
    %broadcast_in_dim3A = vector.shape_cast %reduce_sum3A_22 : vector<128xf32> to vector<1x128xf32>
    %div3A = arith.constant 1.000000e+04 : f32
    %div3A_23 = vector.broadcast %div3A : f32 to vector<1x128xf32>
    %div3A_24 = arith.divf %broadcast_in_dim3A, %div3A_23 : vector<1x128xf32>
    %sub3A = vector.broadcast %div3A_24 : vector<1x128xf32> to vector<10000x128xf32>
    %sub3A_25 = arith.subf %add3A_21, %sub3A : vector<10000x128xf32>
    %sub3A_26 = vector.broadcast %div3A_24 : vector<1x128xf32> to vector<10000x128xf32>
    %sub3A_27 = arith.subf %add3A_21, %sub3A_26 : vector<10000x128xf32>
    %mul3A_28 = arith.mulf %sub3A_25, %sub3A_27 : vector<10000x128xf32>
    %reduce_sum3A_29 = arith.constant dense<0.000000e+00> : vector<128xf32>
    %reduce_sum3A_30 = vector.multi_reduction <add>, %mul3A_28, %reduce_sum3A_29 [0] : vector<10000x128xf32> to vector<128xf32>
    %broadcast_in_dim3A_31 = vector.shape_cast %reduce_sum3A_30 : vector<128xf32> to vector<1x128xf32>
    %div3A_32 = arith.constant 1.000000e+04 : f32
    %div3A_33 = vector.broadcast %div3A_32 : f32 to vector<1x128xf32>
    %div3A_34 = arith.divf %broadcast_in_dim3A_31, %div3A_33 : vector<1x128xf32>
    %sub3A_35 = vector.broadcast %div3A_24 : vector<1x128xf32> to vector<10000x128xf32>
    %sub3A_36 = arith.subf %add3A_21, %sub3A_35 : vector<10000x128xf32>
    %add3A_37 = arith.constant 9.99999974E-6 : f32
    %add3A_38 = vector.broadcast %add3A_37 : f32 to vector<1x128xf32>
    %add3A_39 = arith.addf %div3A_34, %add3A_38 : vector<1x128xf32>
    %rsqrt3A = math.rsqrt %add3A_39 : vector<1x128xf32>
    %mul3A_40 = vector.broadcast %rsqrt3A : vector<1x128xf32> to vector<10000x128xf32>
    %mul3A_41 = arith.mulf %sub3A_36, %mul3A_40 : vector<10000x128xf32>
    %get3A_42 = arith.constant 0 : index
    %get3A_43 = arith.constant 0 : index
    %get3A_44 = vector.load %arg4[%get3A_42, %get3A_43] : memref<1x128xf32, #tpu.memory_space<vmem>>, vector<1x128xf32>
    %mul3A_45 = vector.broadcast %get3A_44 : vector<1x128xf32> to vector<10000x128xf32>
    %mul3A_46 = arith.mulf %mul3A_41, %mul3A_45 : vector<10000x128xf32>
    %get3A_47 = arith.constant 0 : index
    %get3A_48 = arith.constant 0 : index
    %get3A_49 = vector.load %arg5[%get3A_47, %get3A_48] : memref<1x128xf32, #tpu.memory_space<vmem>>, vector<1x128xf32>
    %add3A_50 = vector.broadcast %get3A_49 : vector<1x128xf32> to vector<10000x128xf32>
    %add3A_51 = arith.addf %mul3A_46, %add3A_50 : vector<10000x128xf32>
    %max3A = arith.constant 0.000000e+00 : f32
    %max3A_52 = vector.broadcast %max3A : f32 to vector<10000x128xf32>
    %max3A_53 = arith.maximumf %add3A_51, %max3A_52 : vector<10000x128xf32>
    %get3A_54 = arith.constant 0 : index
    %get3A_55 = arith.constant 0 : index
    %get3A_56 = vector.load %arg2[%get3A_54, %get3A_55] : memref<10000x1xf32, #tpu.memory_space<vmem>>, vector<10000x1xf32>
    %get3A_57 = arith.constant 0 : index
    %get3A_58 = arith.constant 0 : index
    %get3A_59 = vector.load %arg6[%get3A_57, %get3A_58] : memref<128x128xf32, #tpu.memory_space<vmem>>, vector<128x128xf32>
    %dot_general3A = arith.constant dense<0.000000e+00> : vector<10000x128xf32>
    %dot_general3A_60 = tpu.matmul %max3A_53, %get3A_59, %dot_general3A {dimension_numbers = #tpu.dot_dimension_numbers<[1], [0], [0], [1], [0, 0, 1, 1], [], []>, transpose_lhs_hint = false} : vector<10000x128xf32>, vector<128x128xf32>, vector<10000x128xf32> -> vector<10000x128xf32>
    %mul3A_61 = vector.broadcast %get3A_56 : vector<10000x1xf32> to vector<10000x128xf32>
    %mul3A_62 = arith.mulf %mul3A_61, %dot_general3A_60 : vector<10000x128xf32>
    %swap3A = arith.constant 0 : index
    %swap3A_63 = arith.constant 0 : index
    %swap3A_64 = vector.load %arg7[%swap3A, %swap3A_63] : memref<10000x128xf32, #tpu.memory_space<vmem>>, vector<10000x128xf32>
    tpu.vector_store %arg7[%swap3A, %swap3A_63], %mul3A_62 {strides = array<i32>} : memref<10000x128xf32, #tpu.memory_space<vmem>>, vector<10000x128xf32>,
    return
  }
}

module attributes {stable_mosaic.version = 14 : i64} {
  func.func @_mid_odd_body(%arg0: memref<2x10240x128xf32, #tpu.memory_space<vmem>>, %arg1: memref<10000x128xf32, #tpu.memory_space<vmem>>, %arg2: memref<10000x1xf32, #tpu.memory_space<vmem>>, %arg3: memref<1x128xf32, #tpu.memory_space<vmem>>, %arg4: memref<1x128xf32, #tpu.memory_space<vmem>>, %arg5: memref<1x128xf32, #tpu.memory_space<vmem>>, %arg6: memref<10000x128xf32, #tpu.memory_space<vmem>>, %arg7: memref<128x128xf32, #tpu.memory_space<vmem>>, %arg8: memref<10000x128xf32, #tpu.memory_space<vmem>>, %arg9: memref<10000x128xf32, #tpu.memory_space<vmem>>) attributes {dimension_semantics = [], scalar_prefetch = 0 : i64, scratch_operands = 0 : i64, tpu.core_type = #tpu.core_type<tc>} {
    %get3A = arith.constant 0 : index
    %get3A_0 = arith.constant 0 : index
    %get3A_1 = arith.constant 0 : index
    %get3A_2 = vector.load %arg0[%get3A, %get3A_0, %get3A_1] : memref<2x10240x128xf32, #tpu.memory_space<vmem>>, vector<1x10000x128xf32>
    %get3A_3 = vector.shape_cast %get3A_2 : vector<1x10000x128xf32> to vector<10000x128xf32>
    %get3A_4 = arith.constant 1 : index
    %get3A_5 = arith.constant 0 : index
    %get3A_6 = arith.constant 0 : index
    %get3A_7 = vector.load %arg0[%get3A_4, %get3A_5, %get3A_6] : memref<2x10240x128xf32, #tpu.memory_space<vmem>>, vector<1x10000x128xf32>
    %get3A_8 = vector.shape_cast %get3A_7 : vector<1x10000x128xf32> to vector<10000x128xf32>
    %add3A = arith.addf %get3A_3, %get3A_8 : vector<10000x128xf32>
    %get3A_9 = arith.constant 0 : index
    %get3A_10 = arith.constant 0 : index
    %get3A_11 = vector.load %arg2[%get3A_9, %get3A_10] : memref<10000x1xf32, #tpu.memory_space<vmem>>, vector<10000x1xf32>
    %get3A_12 = arith.constant 0 : index
    %get3A_13 = arith.constant 0 : index
    %get3A_14 = vector.load %arg1[%get3A_12, %get3A_13] : memref<10000x128xf32, #tpu.memory_space<vmem>>, vector<10000x128xf32>
    %add3A_15 = arith.addf %add3A, %get3A_14 : vector<10000x128xf32>
    %mul3A = vector.broadcast %get3A_11 : vector<10000x1xf32> to vector<10000x128xf32>
    %mul3A_16 = arith.mulf %mul3A, %add3A_15 : vector<10000x128xf32>
    %get3A_17 = arith.constant 0 : index
    %get3A_18 = arith.constant 0 : index
    %get3A_19 = vector.load %arg3[%get3A_17, %get3A_18] : memref<1x128xf32, #tpu.memory_space<vmem>>, vector<1x128xf32>
    %add3A_20 = vector.broadcast %get3A_19 : vector<1x128xf32> to vector<10000x128xf32>
    %add3A_21 = arith.addf %mul3A_16, %add3A_20 : vector<10000x128xf32>
    %reduce_sum3A = arith.constant dense<0.000000e+00> : vector<128xf32>
    %reduce_sum3A_22 = vector.multi_reduction <add>, %add3A_21, %reduce_sum3A [0] : vector<10000x128xf32> to vector<128xf32>
    %broadcast_in_dim3A = vector.shape_cast %reduce_sum3A_22 : vector<128xf32> to vector<1x128xf32>
    %div3A = arith.constant 1.000000e+04 : f32
    %div3A_23 = vector.broadcast %div3A : f32 to vector<1x128xf32>
    %div3A_24 = arith.divf %broadcast_in_dim3A, %div3A_23 : vector<1x128xf32>
    %sub3A = vector.broadcast %div3A_24 : vector<1x128xf32> to vector<10000x128xf32>
    %sub3A_25 = arith.subf %add3A_21, %sub3A : vector<10000x128xf32>
    %sub3A_26 = vector.broadcast %div3A_24 : vector<1x128xf32> to vector<10000x128xf32>
    %sub3A_27 = arith.subf %add3A_21, %sub3A_26 : vector<10000x128xf32>
    %mul3A_28 = arith.mulf %sub3A_25, %sub3A_27 : vector<10000x128xf32>
    %reduce_sum3A_29 = arith.constant dense<0.000000e+00> : vector<128xf32>
    %reduce_sum3A_30 = vector.multi_reduction <add>, %mul3A_28, %reduce_sum3A_29 [0] : vector<10000x128xf32> to vector<128xf32>
    %broadcast_in_dim3A_31 = vector.shape_cast %reduce_sum3A_30 : vector<128xf32> to vector<1x128xf32>
    %div3A_32 = arith.constant 1.000000e+04 : f32
    %div3A_33 = vector.broadcast %div3A_32 : f32 to vector<1x128xf32>
    %div3A_34 = arith.divf %broadcast_in_dim3A_31, %div3A_33 : vector<1x128xf32>
    %sub3A_35 = vector.broadcast %div3A_24 : vector<1x128xf32> to vector<10000x128xf32>
    %sub3A_36 = arith.subf %add3A_21, %sub3A_35 : vector<10000x128xf32>
    %add3A_37 = arith.constant 9.99999974E-6 : f32
    %add3A_38 = vector.broadcast %add3A_37 : f32 to vector<1x128xf32>
    %add3A_39 = arith.addf %div3A_34, %add3A_38 : vector<1x128xf32>
    %rsqrt3A = math.rsqrt %add3A_39 : vector<1x128xf32>
    %mul3A_40 = vector.broadcast %rsqrt3A : vector<1x128xf32> to vector<10000x128xf32>
    %mul3A_41 = arith.mulf %sub3A_36, %mul3A_40 : vector<10000x128xf32>
    %get3A_42 = arith.constant 0 : index
    %get3A_43 = arith.constant 0 : index
    %get3A_44 = vector.load %arg4[%get3A_42, %get3A_43] : memref<1x128xf32, #tpu.memory_space<vmem>>, vector<1x128xf32>
    %mul3A_45 = vector.broadcast %get3A_44 : vector<1x128xf32> to vector<10000x128xf32>
    %mul3A_46 = arith.mulf %mul3A_41, %mul3A_45 : vector<10000x128xf32>
    %get3A_47 = arith.constant 0 : index
    %get3A_48 = arith.constant 0 : index
    %get3A_49 = vector.load %arg5[%get3A_47, %get3A_48] : memref<1x128xf32, #tpu.memory_space<vmem>>, vector<1x128xf32>
    %add3A_50 = vector.broadcast %get3A_49 : vector<1x128xf32> to vector<10000x128xf32>
    %add3A_51 = arith.addf %mul3A_46, %add3A_50 : vector<10000x128xf32>
    %max3A = arith.constant 0.000000e+00 : f32
    %max3A_52 = vector.broadcast %max3A : f32 to vector<10000x128xf32>
    %max3A_53 = arith.maximumf %add3A_51, %max3A_52 : vector<10000x128xf32>
    %get3A_54 = arith.constant 0 : index
    %get3A_55 = arith.constant 0 : index
    %get3A_56 = vector.load %arg6[%get3A_54, %get3A_55] : memref<10000x128xf32, #tpu.memory_space<vmem>>, vector<10000x128xf32>
    %add3A_57 = arith.addf %max3A_53, %get3A_56 : vector<10000x128xf32>
    %mul3A_58 = arith.constant 0.707106769 : f32
    %mul3A_59 = vector.broadcast %mul3A_58 : f32 to vector<10000x128xf32>
    %mul3A_60 = arith.mulf %add3A_57, %mul3A_59 : vector<10000x128xf32>
    %swap3A = arith.constant 0 : index
    %swap3A_61 = arith.constant 0 : index
    %swap3A_62 = vector.load %arg8[%swap3A, %swap3A_61] : memref<10000x128xf32, #tpu.memory_space<vmem>>, vector<10000x128xf32>
    tpu.vector_store %arg8[%swap3A, %swap3A_61], %mul3A_60 {strides = array<i32>} : memref<10000x128xf32, #tpu.memory_space<vmem>>, vector<10000x128xf32>,
    %get3A_63 = arith.constant 0 : index
    %get3A_64 = arith.constant 0 : index
    %get3A_65 = vector.load %arg2[%get3A_63, %get3A_64] : memref<10000x1xf32, #tpu.memory_space<vmem>>, vector<10000x1xf32>
    %get3A_66 = arith.constant 0 : index
    %get3A_67 = arith.constant 0 : index
    %get3A_68 = vector.load %arg7[%get3A_66, %get3A_67] : memref<128x128xf32, #tpu.memory_space<vmem>>, vector<128x128xf32>
    %dot_general3A = arith.constant dense<0.000000e+00> : vector<10000x128xf32>
    %dot_general3A_69 = tpu.matmul %mul3A_60, %get3A_68, %dot_general3A {dimension_numbers = #tpu.dot_dimension_numbers<[1], [0], [0], [1], [0, 0, 1, 1], [], []>, transpose_lhs_hint = false} : vector<10000x128xf32>, vector<128x128xf32>, vector<10000x128xf32> -> vector<10000x128xf32>
    %mul3A_70 = vector.broadcast %get3A_65 : vector<10000x1xf32> to vector<10000x128xf32>
    %mul3A_71 = arith.mulf %mul3A_70, %dot_general3A_69 : vector<10000x128xf32>
    %swap3A_72 = arith.constant 0 : index
    %swap3A_73 = arith.constant 0 : index
    %swap3A_74 = vector.load %arg9[%swap3A_72, %swap3A_73] : memref<10000x128xf32, #tpu.memory_space<vmem>>, vector<10000x128xf32>
    tpu.vector_store %arg9[%swap3A_72, %swap3A_73], %mul3A_71 {strides = array<i32>} : memref<10000x128xf32, #tpu.memory_space<vmem>>, vector<10000x128xf32>,
    return
  }
}

module attributes {stable_mosaic.version = 14 : i64} {
  func.func @_final_body(%arg0: memref<2x10240x128xf32, #tpu.memory_space<vmem>>, %arg1: memref<10000x128xf32, #tpu.memory_space<vmem>>, %arg2: memref<10000x1xf32, #tpu.memory_space<vmem>>, %arg3: memref<1x128xf32, #tpu.memory_space<vmem>>, %arg4: memref<1x128xf32, #tpu.memory_space<vmem>>, %arg5: memref<1x128xf32, #tpu.memory_space<vmem>>, %arg6: memref<10000x128xf32, #tpu.memory_space<vmem>>, %arg7: memref<10000x1xi32, #tpu.memory_space<vmem>>, %arg8: memref<128x256xf32, #tpu.memory_space<vmem>>, %arg9: memref<1x256xf32, #tpu.memory_space<vmem>>, %arg10: memref<256x768xf32, #tpu.memory_space<vmem>>, %arg11: memref<1x768xf32, #tpu.memory_space<vmem>>, %arg12: memref<32x768xf32, #tpu.memory_space<vmem>>) attributes {dimension_semantics = [], scalar_prefetch = 0 : i64, scratch_operands = 0 : i64, tpu.core_type = #tpu.core_type<tc>} {
    %get3A = arith.constant 0 : index
    %get3A_0 = arith.constant 0 : index
    %get3A_1 = arith.constant 0 : index
    %get3A_2 = vector.load %arg0[%get3A, %get3A_0, %get3A_1] : memref<2x10240x128xf32, #tpu.memory_space<vmem>>, vector<1x10000x128xf32>
    %get3A_3 = vector.shape_cast %get3A_2 : vector<1x10000x128xf32> to vector<10000x128xf32>
    %get3A_4 = arith.constant 1 : index
    %get3A_5 = arith.constant 0 : index
    %get3A_6 = arith.constant 0 : index
    %get3A_7 = vector.load %arg0[%get3A_4, %get3A_5, %get3A_6] : memref<2x10240x128xf32, #tpu.memory_space<vmem>>, vector<1x10000x128xf32>
    %get3A_8 = vector.shape_cast %get3A_7 : vector<1x10000x128xf32> to vector<10000x128xf32>
    %add3A = arith.addf %get3A_3, %get3A_8 : vector<10000x128xf32>
    %get3A_9 = arith.constant 0 : index
    %get3A_10 = arith.constant 0 : index
    %get3A_11 = vector.load %arg2[%get3A_9, %get3A_10] : memref<10000x1xf32, #tpu.memory_space<vmem>>, vector<10000x1xf32>
    %get3A_12 = arith.constant 0 : index
    %get3A_13 = arith.constant 0 : index
    %get3A_14 = vector.load %arg1[%get3A_12, %get3A_13] : memref<10000x128xf32, #tpu.memory_space<vmem>>, vector<10000x128xf32>
    %add3A_15 = arith.addf %add3A, %get3A_14 : vector<10000x128xf32>
    %mul3A = vector.broadcast %get3A_11 : vector<10000x1xf32> to vector<10000x128xf32>
    %mul3A_16 = arith.mulf %mul3A, %add3A_15 : vector<10000x128xf32>
    %get3A_17 = arith.constant 0 : index
    %get3A_18 = arith.constant 0 : index
    %get3A_19 = vector.load %arg3[%get3A_17, %get3A_18] : memref<1x128xf32, #tpu.memory_space<vmem>>, vector<1x128xf32>
    %add3A_20 = vector.broadcast %get3A_19 : vector<1x128xf32> to vector<10000x128xf32>
    %add3A_21 = arith.addf %mul3A_16, %add3A_20 : vector<10000x128xf32>
    %reduce_sum3A = arith.constant dense<0.000000e+00> : vector<128xf32>
    %reduce_sum3A_22 = vector.multi_reduction <add>, %add3A_21, %reduce_sum3A [0] : vector<10000x128xf32> to vector<128xf32>
    %broadcast_in_dim3A = vector.shape_cast %reduce_sum3A_22 : vector<128xf32> to vector<1x128xf32>
    %div3A = arith.constant 1.000000e+04 : f32
    %div3A_23 = vector.broadcast %div3A : f32 to vector<1x128xf32>
    %div3A_24 = arith.divf %broadcast_in_dim3A, %div3A_23 : vector<1x128xf32>
    %sub3A = vector.broadcast %div3A_24 : vector<1x128xf32> to vector<10000x128xf32>
    %sub3A_25 = arith.subf %add3A_21, %sub3A : vector<10000x128xf32>
    %sub3A_26 = vector.broadcast %div3A_24 : vector<1x128xf32> to vector<10000x128xf32>
    %sub3A_27 = arith.subf %add3A_21, %sub3A_26 : vector<10000x128xf32>
    %mul3A_28 = arith.mulf %sub3A_25, %sub3A_27 : vector<10000x128xf32>
    %reduce_sum3A_29 = arith.constant dense<0.000000e+00> : vector<128xf32>
    %reduce_sum3A_30 = vector.multi_reduction <add>, %mul3A_28, %reduce_sum3A_29 [0] : vector<10000x128xf32> to vector<128xf32>
    %broadcast_in_dim3A_31 = vector.shape_cast %reduce_sum3A_30 : vector<128xf32> to vector<1x128xf32>
    %div3A_32 = arith.constant 1.000000e+04 : f32
    %div3A_33 = vector.broadcast %div3A_32 : f32 to vector<1x128xf32>
    %div3A_34 = arith.divf %broadcast_in_dim3A_31, %div3A_33 : vector<1x128xf32>
    %sub3A_35 = vector.broadcast %div3A_24 : vector<1x128xf32> to vector<10000x128xf32>
    %sub3A_36 = arith.subf %add3A_21, %sub3A_35 : vector<10000x128xf32>
    %add3A_37 = arith.constant 9.99999974E-6 : f32
    %add3A_38 = vector.broadcast %add3A_37 : f32 to vector<1x128xf32>
    %add3A_39 = arith.addf %div3A_34, %add3A_38 : vector<1x128xf32>
    %rsqrt3A = math.rsqrt %add3A_39 : vector<1x128xf32>
    %mul3A_40 = vector.broadcast %rsqrt3A : vector<1x128xf32> to vector<10000x128xf32>
    %mul3A_41 = arith.mulf %sub3A_36, %mul3A_40 : vector<10000x128xf32>
    %get3A_42 = arith.constant 0 : index
    %get3A_43 = arith.constant 0 : index
    %get3A_44 = vector.load %arg4[%get3A_42, %get3A_43] : memref<1x128xf32, #tpu.memory_space<vmem>>, vector<1x128xf32>
    %mul3A_45 = vector.broadcast %get3A_44 : vector<1x128xf32> to vector<10000x128xf32>
    %mul3A_46 = arith.mulf %mul3A_41, %mul3A_45 : vector<10000x128xf32>
    %get3A_47 = arith.constant 0 : index
    %get3A_48 = arith.constant 0 : index
    %get3A_49 = vector.load %arg5[%get3A_47, %get3A_48] : memref<1x128xf32, #tpu.memory_space<vmem>>, vector<1x128xf32>
    %add3A_50 = vector.broadcast %get3A_49 : vector<1x128xf32> to vector<10000x128xf32>
    %add3A_51 = arith.addf %mul3A_46, %add3A_50 : vector<10000x128xf32>
    %max3A = arith.constant 0.000000e+00 : f32
    %max3A_52 = vector.broadcast %max3A : f32 to vector<10000x128xf32>
    %max3A_53 = arith.maximumf %add3A_51, %max3A_52 : vector<10000x128xf32>
    %get3A_54 = arith.constant 0 : index
    %get3A_55 = arith.constant 0 : index
    %get3A_56 = vector.load %arg6[%get3A_54, %get3A_55] : memref<10000x128xf32, #tpu.memory_space<vmem>>, vector<10000x128xf32>
    %add3A_57 = arith.addf %max3A_53, %get3A_56 : vector<10000x128xf32>
    %mul3A_58 = arith.constant 0.707106769 : f32
    %mul3A_59 = vector.broadcast %mul3A_58 : f32 to vector<10000x128xf32>
    %mul3A_60 = arith.mulf %add3A_57, %mul3A_59 : vector<10000x128xf32>
    %get3A_61 = arith.constant 0 : index
    %get3A_62 = arith.constant 0 : index
    %get3A_63 = vector.load %arg7[%get3A_61, %get3A_62] : memref<10000x1xi32, #tpu.memory_space<vmem>>, vector<10000x1xi32>
    %iota3A = tpu.iota {dimensions = array<i32: 1>} : vector<1x32xi32>
    %eq3A = vector.broadcast %get3A_63 : vector<10000x1xi32> to vector<10000x32xi32>
    %eq3A_64 = vector.broadcast %iota3A : vector<1x32xi32> to vector<10000x32xi32>
    %eq3A_65 = arith.cmpi eq, %eq3A, %eq3A_64 : vector<10000x32xi32>
    %convert_element_type3A = arith.extui %eq3A_65 : vector<10000x32xi1> to vector<10000x32xi32>
    %convert_element_type3A_66 = arith.sitofp %convert_element_type3A : vector<10000x32xi32> to vector<10000x32xf32>
    %dot_general3A = arith.constant dense<0.000000e+00> : vector<32x128xf32>
    %dot_general3A_67 = tpu.matmul %convert_element_type3A_66, %mul3A_60, %dot_general3A {dimension_numbers = #tpu.dot_dimension_numbers<[0], [0], [1], [1], [0, 1, 1, 1], [], []>, transpose_lhs_hint = false} : vector<10000x32xf32>, vector<10000x128xf32>, vector<32x128xf32> -> vector<32x128xf32>
    %broadcast_in_dim3A_68 = arith.constant 1.000000e+00 : f32
    %broadcast_in_dim3A_69 = vector.broadcast %broadcast_in_dim3A_68 : f32 to vector<10000x1xf32>
    %dot_general3A_70 = arith.constant dense<0.000000e+00> : vector<32x1xf32>
    %dot_general3A_71 = tpu.matmul %convert_element_type3A_66, %broadcast_in_dim3A_69, %dot_general3A_70 {dimension_numbers = #tpu.dot_dimension_numbers<[0], [0], [1], [1], [0, 1, 1, 1], [], []>, transpose_lhs_hint = false} : vector<10000x32xf32>, vector<10000x1xf32>, vector<32x1xf32> -> vector<32x1xf32>
    %max3A_72 = arith.constant 1.000000e+00 : f32
    %max3A_73 = vector.broadcast %max3A_72 : f32 to vector<32x1xf32>
    %max3A_74 = arith.maximumf %dot_general3A_71, %max3A_73 : vector<32x1xf32>
    %div3A_75 = vector.broadcast %max3A_74 : vector<32x1xf32> to vector<32x128xf32>
    %div3A_76 = arith.divf %dot_general3A_67, %div3A_75 : vector<32x128xf32>
    %get3A_77 = arith.constant 0 : index
    %get3A_78 = arith.constant 0 : index
    %get3A_79 = vector.load %arg8[%get3A_77, %get3A_78] : memref<128x256xf32, #tpu.memory_space<vmem>>, vector<128x256xf32>
    %dot_general3A_80 = arith.constant dense<0.000000e+00> : vector<32x256xf32>
    %dot_general3A_81 = tpu.matmul %div3A_76, %get3A_79, %dot_general3A_80 {dimension_numbers = #tpu.dot_dimension_numbers<[1], [0], [0], [1], [0, 0, 1, 1], [], []>, transpose_lhs_hint = false} : vector<32x128xf32>, vector<128x256xf32>, vector<32x256xf32> -> vector<32x256xf32>
    %get3A_82 = arith.constant 0 : index
    %get3A_83 = arith.constant 0 : index
    %get3A_84 = vector.load %arg9[%get3A_82, %get3A_83] : memref<1x256xf32, #tpu.memory_space<vmem>>, vector<1x256xf32>
    %add3A_85 = vector.broadcast %get3A_84 : vector<1x256xf32> to vector<32x256xf32>
    %add3A_86 = arith.addf %dot_general3A_81, %add3A_85 : vector<32x256xf32>
    %max3A_87 = arith.constant 0.000000e+00 : f32
    %max3A_88 = vector.broadcast %max3A_87 : f32 to vector<32x256xf32>
    %max3A_89 = arith.maximumf %add3A_86, %max3A_88 : vector<32x256xf32>
    %get3A_90 = arith.constant 0 : index
    %get3A_91 = arith.constant 0 : index
    %get3A_92 = vector.load %arg10[%get3A_90, %get3A_91] : memref<256x768xf32, #tpu.memory_space<vmem>>, vector<256x768xf32>
    %dot_general3A_93 = arith.constant dense<0.000000e+00> : vector<32x768xf32>
    %dot_general3A_94 = tpu.matmul %max3A_89, %get3A_92, %dot_general3A_93 {dimension_numbers = #tpu.dot_dimension_numbers<[1], [0], [0], [1], [0, 0, 1, 1], [], []>, transpose_lhs_hint = false} : vector<32x256xf32>, vector<256x768xf32>, vector<32x768xf32> -> vector<32x768xf32>
    %get3A_95 = arith.constant 0 : index
    %get3A_96 = arith.constant 0 : index
    %get3A_97 = vector.load %arg11[%get3A_95, %get3A_96] : memref<1x768xf32, #tpu.memory_space<vmem>>, vector<1x768xf32>
    %add3A_98 = vector.broadcast %get3A_97 : vector<1x768xf32> to vector<32x768xf32>
    %add3A_99 = arith.addf %dot_general3A_94, %add3A_98 : vector<32x768xf32>
    %swap3A = arith.constant 0 : index
    %swap3A_100 = arith.constant 0 : index
    %swap3A_101 = vector.load %arg12[%swap3A, %swap3A_100] : memref<32x768xf32, #tpu.memory_space<vmem>>, vector<32x768xf32>
    tpu.vector_store %arg12[%swap3A, %swap3A_100], %add3A_99 {strides = array<i32>} : memref<32x768xf32, #tpu.memory_space<vmem>>, vector<32x768xf32>,
    return
  }
}

</mosaic_0001>

<sc_bundles>
// kernel: kernel.16.cloned.1.call-start
scs
__scs_entry_jumppad:
0x0: {  	(pc) =	sbr.rel $0x88, $3  }
0x1: {  	(tag) =	ssettag $0x0;
	lr =	simm.s32 $0x1  }
0x2: {  	[smem:$0x3F92] =	sst lr;
	_ =	strace $0xD0000000  }
0x3: {  	_ = 	snop  }
0x4: {  	_ = 	snop  }
0x5: {  	_ = 	snop  }
0x6: {  	_ = 	snop  }
0x7: {  	_ = 	snop  }
__scs_overlays_trampoline_lowered:
0x8: {  	[smem:$0x3FA1] =	sst s0  }
0x9: {  	[smem:$0x3FA2] =	sst s1  }
0xa: {  	[smem:$0x3FA3] =	sst s2  }
0xb: {  	[smem:$0x3FA4] =	sst s3  }
0xc: {  	[smem:$0x3FA5] =	sst s4  }
0xd: {  	[smem:$0x3FA6] =	sst s5  }
0xe: {  	[smem:$0x3FA7] =	sst s6  }
0xf: {  	[smem:$0x3FA8] =	sst s7  }
0x10: {  	[smem:$0x3FA9] =	sst s8  }
0x11: {  	[smem:$0x3FAA] =	sst s9;
	s0 =	simm.s32 @!p0 $0x0  }
0x12: {  	s1 =	sld [smem:$0x3F90];
	s0 =	simm.s32 @p0 $0x1  }
0x13: {  	[smem:$0x3FAB] =	sst s0;
	s0 =	simm.s32 @!p1 $0x0  }
0x14: {  	s2 =	sld [smem:$0x3F8F];
	s0 =	simm.s32 @p1 $0x1  }
0x15: {  	[smem:$0x3FAC] =	sst s0;
	s0 =	simm.s32 @!p2 $0x0  }
0x16: {  	s3 =	sld [smem:$0x3FDB];
	s0 =	simm.s32 @p2 $0x1  }
0x17: {  	s4 =	simm.s32 $0x1BF5;
	[smem:$0x3FAE] =	sst s0  }
0x18: {  	s0 =	sld [smem:$0x3F91];
	_ =	swait.ge [sflag:s4], $0x0  }
0x19: {  	s7 =	sld [smem:$0x3F92]  }
0x1a: {  	s8 =	sadd.s32 $0xFFFFE003, lr  }
0x1b: {  	s9 =	sadd.s32 $0xFFFFFEF7, lr;
	s5 =	simm.s32 $0xFFFFFFFF;
	p2 =	slt.u32 s8, $0xFFFFF086  }
0x1c: {  	p1 =	slt.u32 s9, $0xF7A;
	s5 =	simm.s32 @!p2 $0x0  }
0x1d: {  	s5 =	simm.s32 @p1 $0x1;
	p0 =	seq.s32 s7, s2  }
0x1e: {  	s7 =	smul.u32 @!p0 $0xF7A, s2;
	p2 =	seq.s32 @!p0 s5, $0x0  }
0x1f: {  	s9 =	smul.u32 $0xF7A, s1;
	s8 =	simm.s32 @!p0 $0x1BF5;
	p2 =	por !p2, p0  }
0x20: {  	[sflag:s8] =	ssyncset.s32 @!p0 $0xFFFFF086;
	s6 =	sadd.s32 @!p0 s3, s7;
	s7 =	simm.s32 @!p0 $0x108  }
0x21: {  	s3 =	sadd.s32 s3, s9;
	s6 =	sadd.s32 @!p0 $0x88, s6;
	s7 =	simm.s32 @p2 $0x1082  }
0x22: {  	[simem:s7], [sflag:s8] =	dma.local @!p0 [hbm:s6], $0xF7A  }
0x23: {  	s9 =	sor.u32 $0xD0000000, s2;
	s6 =	simm.s32 $0x108;
	_ =	swait.ge @!p0 [sflag:s8], $0x0  }
0x24: {  	s3 =	sadd.s32 $0x88, s3;
	s6 =	simm.s32 @!p1 $0x1082;
	[sflag:s4] =	ssyncset.s32 $0xFFFFF086  }
0x25: {  	[simem:s6], [sflag:s4] =	dma.local [hbm:s3], $0xF7A  }
0x26: {  	[smem:$0x3F92] =	sst s1;
	(tag) =	ssettag s2;
	_ =	strace s9  }
0x27: {  	s1 =	sld [smem:$0x3FA2]  }
0x28: {  	s2 =	sld [smem:$0x3FA3]  }
0x29: {  	s4 =	sld [smem:$0x3FA5]  }
0x2a: {  	p0 =	seq.s32 s5, $0x0;
	s5 =	sld [smem:$0x3FA6]  }
0x2b: {  	s6 =	sld [smem:$0x3FA7]  }
0x2c: {  	s7 =	sld [smem:$0x3FA8]  }
0x2d: {  	s3 =	simm.s32 $0x108;
	s8 =	sld [smem:$0x3FA9]  }
0x2e: {  	s3 =	simm.s32 @!p0 $0x1082;
	s9 =	sld [smem:$0x3FAA]  }
0x2f: {  	lr =	sadd.s32 s0, s3;
	s0 =	sld [smem:$0x3FA1]  }
0x30: {  	s3 =	sld [smem:$0x3FA4]  }
0x31: {  	[smem:$0x3FAD] =	sst s10  }
0x32: {  	s10 =	sld [smem:$0x3FAB];
	_ =	sdelay $0x3  }
0x33: {  	p0 =	seq.s32 s10, $0x1;
	s10 =	sld [smem:$0x3FAD];
	_ =	sdelay $0x3  }
0x34: {  	[smem:$0x3FAD] =	sst s10  }
0x35: {  	s10 =	sld [smem:$0x3FAC];
	_ =	sdelay $0x3  }
0x36: {  	p1 =	seq.s32 s10, $0x1;
	s10 =	sld [smem:$0x3FAD];
	_ =	sdelay $0x3  }
0x37: {  	[smem:$0x3FAD] =	sst s10  }
0x38: {  	s10 =	sld [smem:$0x3FAE]  }
0x39: {  	_ = 	snop;
	(pc) =	sbr.ind lr, $3  }
0x3a: {  	_ = 	snop  }
0x3b: {  	_ = 	snop  }
0x3c: {  	p2 =	seq.s32 s10, $0x1;
	s10 =	sld [smem:$0x3FAD]  }
0x3d: {  	_ =	shalt  }
0x3e: {  	_ =	shalt  }
0x3f: {  	_ =	shalt  }
0x40: {  	_ =	shalt  }
0x41: {  	_ =	shalt  }
0x42: {  	_ =	shalt  }
0x43: {  	_ =	shalt  }
0x44: {  	_ =	shalt  }
0x45: {  	_ =	shalt  }
0x46: {  	_ =	shalt  }
0x47: {  	_ =	shalt  }
0x48: {  	_ =	shalt  }
0x49: {  	_ =	shalt  }
0x4a: {  	_ =	shalt  }
0x4b: {  	_ =	shalt  }
0x4c: {  	_ =	shalt  }
0x4d: {  	_ =	shalt  }
0x4e: {  	_ =	shalt  }
0x4f: {  	_ =	shalt  }
0x50: {  	_ =	shalt  }
0x51: {  	_ =	shalt  }
0x52: {  	_ =	shalt  }
0x53: {  	_ =	shalt  }
0x54: {  	_ =	shalt  }
0x55: {  	_ =	shalt  }
0x56: {  	_ =	shalt  }
0x57: {  	_ =	shalt  }
0x58: {  	_ =	shalt  }
0x59: {  	_ =	shalt  }
0x5a: {  	_ =	shalt  }
0x5b: {  	_ =	shalt  }
0x5c: {  	_ =	shalt  }
0x5d: {  	_ =	shalt  }
0x5e: {  	_ =	shalt  }
0x5f: {  	_ =	shalt  }
0x60: {  	_ =	shalt  }
0x61: {  	_ =	shalt  }
0x62: {  	_ =	shalt  }
0x63: {  	_ =	shalt  }
0x64: {  	_ =	shalt  }
0x65: {  	_ =	shalt  }
0x66: {  	_ =	shalt  }
0x67: {  	_ =	shalt  }
0x68: {  	_ =	shalt  }
0x69: {  	_ =	shalt  }
0x6a: {  	_ =	shalt  }
0x6b: {  	_ =	shalt  }
0x6c: {  	_ =	shalt  }
0x6d: {  	_ =	shalt  }
0x6e: {  	_ =	shalt  }
0x6f: {  	_ =	shalt  }
0x70: {  	_ =	shalt  }
0x71: {  	_ =	shalt  }
0x72: {  	_ =	shalt  }
0x73: {  	_ =	shalt  }
0x74: {  	_ =	shalt  }
0x75: {  	_ =	shalt  }
0x76: {  	_ =	shalt  }
0x77: {  	_ =	shalt  }
0x78: {  	_ =	shalt  }
0x79: {  	_ =	shalt  }
0x7a: {  	_ =	shalt  }
0x7b: {  	_ =	shalt  }
0x7c: {  	_ =	shalt  }
0x7d: {  	_ =	shalt  }
0x7e: {  	_ =	shalt  }
0x7f: {  	_ =	shalt  }
0x80: {  	_ =	shalt  }
0x81: {  	_ =	shalt  }
0x82: {  	_ =	shalt  }
0x83: {  	_ =	shalt  }
0x84: {  	_ =	shalt  }
0x85: {  	_ =	shalt  }
0x86: {  	_ =	shalt  }
0x87: {  	_ =	shalt  }
.Lfunc_end0:
.L_simem_size_0:
called_computation_lowered:
.L_overlay_start_0:
0x88: {  	s2 =	sld [smem:$0x3FD9]  }
0x89: {  	s3 =	sld [smem:$0x3FFE];
	_ =	sdelay $0x1  }
0x8a: {  	s1 =	srdreg.scid  }
0x8b: {  	s0 =	sand.u32 $0x1, s1  }
0x8c: {  	s17 =	sshll.u32 s0, $0xA;
	s2 =	sadd.s32 s3, s2  }
0x8d: {  	s2 =	sadd.s32 s2, s17  }
0x8e: {  	[smem:$0x3FB9] =	sst s2  }
0x8f: {  	_ = 	snop  }
0x90: {  	s2 =	sld [smem:$0x3FD0];
	(tm) =	ssettm $0x1  }
0x91: {  	s18 =	sld [smem:$0x3FFB];
	_ =	sdelay $0x3  }
0x92: {  	_ =	strace s18  }
0x93: {  	s3 =	sld [smem:$0x3FFC];
	_ =	sdelay $0x3  }
0x94: {  	_ =	strace s3  }
0x95: {  	s3 =	sld [smem:$0x3FFD];
	_ =	sdelay $0x3  }
0x96: {  	_ =	strace s3  }
0x97: {  	_ =	strace $0x8FFFFFFF  }
0x98: {  	s19 =	sld [smem:$0x3FDB];
	_ =	sdelay $0x1  }
0x99: {  	s4 =	simm.s32 $_scs_section_size  }
0x9a: {  	s5 =	simm.s32 $_size__tile_overlayer_lowered;
	s6 =	simm.s32 $_tile_overlayer_lowered  }
0x9b: {  	s22 =	simm.s32 $0x1BFF;
	s21 =	sshll.u32 s6, $0x1;
	s3 =	sadd.s32 s4, s19  }
0x9c: {  	s7 =	simm.s32 $0x0;
	s20 =	sshll.u32 s5, $0x1;
	s5 =	sadd.s32 s21, s3  }
0x9d: {  	[timem:s7], [sflag:s22] =	dma.local [hbm:s5], s20  }
0x9e: {  	_ =	swait.ge [sflag:s22], s20  }
0x9f: {  	s4 =	ssub.s32 $0x0, s20;
	[sflag:s22] =	ssyncset.done $0x0  }
0xa0: {  	[sflag:s22] =	ssyncadd.s32 s4;
	_ =	sdelay $0x1  }
0xa1: {  	s23 =	simm.s32 $0x1B8B  }
0xa2: {  	_ =	swait.ge [sflag:s23], $0x1  }
0xa3: {  	[sflag:s23] =	ssyncset.done $0x0  }
0xa4: {  	s25 =	simm.s32 $0x1B8E;
	s24 =	sld [smem:$0x3FFE];
	[sflag:s23] =	ssyncadd.s32 $0xFFFFFFFF  }
0xa5: {  	s26 =	simm.s32 $execute0_lowered;
	[smem:$0x3FD2] =	sst s25  }
0xa6: {  	s5 =	sshll.u32 s26, $0x1;
	_ =	strace $0x80000046;
	[dreg:$0x1] =	wrdreg $0xFFFFFFFF  }
0xa7: {  	s28 =	simm.s32 $_size_execute0_lowered;
	s3 =	sadd.s32 s3, s5;
	[dreg:$0x0] =	wrdreg $0x0  }
0xa8: {  	s5 =	sshll.u32 s28, $0x1;
	[dreg:$0x2] =	wrdreg s3  }
0xa9: {  	[dreg:$0x3] =	wrdreg s5  }
0xaa: {  	[dreg:$0x4] =	wrdreg $0xC0  }
0xab: {  	_ =	task [dreg:s7], $0x5FFFF  }
0xac: {  	[dreg:$0x1] =	wrdreg $0xFFFFFFFF  }
0xad: {  	[dreg:$0x0] =	wrdreg $0x60  }
0xae: {  	[dreg:$0x2] =	wrdreg s24  }
0xaf: {  	[dreg:$0x3] =	wrdreg s2  }
0xb0: {  	[dreg:$0x4] =	wrdreg $0x68000  }
0xb1: {  	[dreg:$0x5] =	wrdreg $0x9  }
0xb2: {  	_ =	task.clear_ibuf [dreg:s7], $0x6FFFF;
	_ =	strace $0x90000046  }
0xb3: {  	s29 =	simm.s32 $0x9;
	_ =	strace $0x80000048  }
0xb4: {  	_ =	swait.ge [sflag:s29], $0x1  }
0xb5: {  	[sflag:s29] =	ssyncadd.s32 $0xFFFFFFFF  }
0xb6: {  	_ =	strace $0x90000048  }
0xb7: {  	_ =	sfence  }
0xb8: {  	s30 =	sld [smem:$0x0];
	_ =	sdelay $0x2  }
0xb9: {  	s31 =	sshll.u32 s1, $0xD;
	s1 =	sshrl.u32 s1, $0x2  }
0xba: {  	s3 =	sand.u32 $0x4000, s31;
	s1 =	sadd.s32 s1, s30  }
0xbb: {  	s0 =	sor.u32 s3, s0;
	s1 =	sshll.u32 s1, $0x11  }
0xbc: {  	s0 =	sor.u32 s1, s0  }
0xbd: {  	s0 =	sadd.s32 $0x8F2B, s0  }
0xbe: {  	[sflag:s0] =	ssyncadd.remote.s32 $0x1  }
0xbf: {  	_ =	sfence.sel $0xFFFF  }
0xc0: {  	[dreg:$0x0] =	wrdreg $0xFFFFFFFF;
	(pc) =	sbr.abs _section_cstart, $3  }
0xc1: {  	[dreg:$0x1] =	wrdreg $0xFFFFFFFF  }
0xc2: {  	_ =	task.clear_ibuf [dreg:s7], $0x2FFFF;
	_ =	strace $0x9FFFFFFF  }
0xc3: {  	(tm) =	ssettm $0x7FFFFFFF  }
tec
execute0_lowered:
.L_overlay_start_1:
0x0: {  	(tag) =	ssettag $0x1  }
0x1: {  	s6 =	rddreg [dreg:$0x0]  }
0x2: {  	s2 =	rddreg [dreg:$0x1]  }
0x3: {  	s0 =	srdreg.scid;
	s3 =	rddreg [dreg:$0x2];
	s4 =	simm.s32 $0x0  }
0x4: {  	s13 =	simm.s32 $0x80;
	s5 =	sand.u32 $0x1, s0;
	s0 =	stileid.u32  }
0x5: {  	s14 =	simm.s32 $0x0;
	[smem:$0x7FF] =	sst s4;
	s8 =	smul.u32 $0x14000, s0  }
0x6: {  	s1 =	sshll.u32 s5, $0x4;
	s9 =	smul.u32 $0x140000, s5;
	s5 =	ssub.s32 $0x2, s5  }
0x7: {  	s29 =	smul.u32 $0x50000, s0;
	s31 =	sshll.u32 s0, $0x6;
	s1 =	sor.u32 s0, s1  }
0x8: {  	s11 =	sshrl.u32 s5, $0x1;
	s7 =	smul.u32 $0x500, s1;
	s1 =	rddreg [dreg:$0x3]  }
0x9: {  	_ =	strace $0x80000047;
	s10 =	sshrl.u32 s8, $0x3;
	s8 =	sadd.s32 s8, s9  }
0xa: {  	s11 =	ssub.s32 s5, s11;
	s30 =	sshrl.u32 s29, $0x2;
	s10 =	sadd.s32 s10, s6  }
0xb: {  	s8 =	sshrl.u32 s8, $0x3;
	s12 =	sadd.s32 s30, s3;
	s9 =	smax.u32 s11, $0x1  }
0xc: {  	s11 =	simm.s32 $0x1;
	s7 =	sadd.s32 s7, s6;
	s8 =	sadd.s32 s8, s6  }
0xd: {  	s5 =	sadd.s32 $0x10200, s10;
	s6 =	sor.u32 $0x1C01, s31;
	s10 =	sshrl.u32 s12, $0x3  }
0xe: {  	s12 =	simm.s32 $0x2800;
	s7 =	sadd.s32 $0x6200, s7;
	s8 =	sadd.s32 $0x38200, s8  }
.LBB2_1:
0xf: {  	[spmem:s10], [sflag:s6] =	dma.local [hbm:s5], $0x2800  }
0x10: {  	_ =	swait.ge [sflag:s11], $0x2800  }
0x11: {  	[sflag:s11] =	ssyncset.done $0x0  }
0x12: {  	[sflag:s11] =	ssyncadd.s32 $0xFFFFD800  }
0x13: {  	[tilespmem:s4], [sflag:$0x1] =	stream.linear.gather [hbm4b:s7+s4], $0x2780, $0x38;
	[tilespmem:$0x1A800] =	vst v63  }
0x14: {  	_ =	swait.ge [sflag:s11], $0x2780  }
0x15: {  	[sflag:s11] =	ssyncset.done $0x0  }
0x16: {  	[sflag:s11] =	ssyncadd.s32 $0xFFFFD880  }
0x17: {  	[tilespmem:s12], [sflag:$0x1] =	stream.linear.gather [hbm4b:s2+s4], $0x4000, $0x38;
	[tilespmem:$0x1A800] =	vst v63  }
0x18: {  	_ =	swait.ge [sflag:s11], $0x4000  }
0x19: {  	[sflag:s11] =	ssyncset.done $0x0  }
0x1a: {  	[sflag:s11] =	ssyncadd.s32 $0xFFFFC000  }
0x1b: {  	s15 =	simm.s32 $0x0;
	[bflag:$0x0] =	sbarrier.arrive $0xFFFF  }
0x1c: {  	[spmem:s3] =	stream.indirect.scatter.add.f32 [tilespmem:s12], [sflag:$0x1], $0x80, s15, s13, $0xb8;
	[tilespmem:$0x1A800] =	vst v63  }
0x1d: {  	_ =	swait.ge [sflag:s11], $0x4000  }
0x1e: {  	s15 =	simm.s32 $0x200;
	[sflag:s11] =	ssyncset.done $0x0  }
.LBB2_2:
0x1f: {  	s16 =	sshra.s32 s15, $0x2;
	[sflag:s11] =	ssyncadd.s32 $0xFFFFC000;
	p0 =	sne.s32 s15, $0x9C00  }
0x20: {  	[spmem:s3] =	stream.indirect.scatter.add.f32 [tilespmem:s12], [sflag:$0x1], $0x80, s16, s13, $0xb8;
	[tilespmem:$0x1A800] =	vst v63  }
.Ltmp0:
0x21: {  	_ = 	snop;
	(pc) =	sbr.rel @p0 .LBB2_2-.Ltmp0, $4  }
0x22: {  	_ = 	snop  }
0x23: {  	s15 =	sadd.s32 $0x200, s15  }
0x24: {  	_ =	swait.ge [sflag:s11], $0x4000  }
0x25: {  	[sflag:s11] =	ssyncset.done $0x0  }
0x26: {  	s14 =	sadd.s32 $0x1, s14  }
0x27: {  	[sflag:s11] =	ssyncadd.s32 $0xFFFFC000;
	p0 =	sne.s32 s14, s9  }
.Ltmp1:
0x28: {  	[bflag:$0x0] =	sbarrier.arrive $0xFFFF;
	(pc) =	sbr.rel @p0 .LBB2_1-.Ltmp1, $4  }
0x29: {  	[hbm:s8], [sflag:s6] =	dma.local [spmem:s10], $0x2800  }
0x2a: {  	_ =	swait.ge [sflag:s11], $0x2800  }
0x2b: {  	[sflag:s11] =	ssyncset.done $0x0  }
0x2c: {  	[sflag:s11] =	ssyncadd.s32 $0xFFFFD800  }
0x2d: {  	_ =	sfence.sel $0x180000  }
0x2e: {  	[bflag:$0x0] =	sbarrier.arrive $0xFFFF  }
0x2f: {  	p0 =	sne.s32 s0, $0x0;
	_ =	strace $0x90000047  }
0x30: {  	s0 =	sadd.s32 @!p0 $0x100000, s1;
	[bflag:$0x2] =	sbarrier.arrive $0xFFFF  }
0x31: {  	[sflag:s0] =	ssyncadd.tile.s32 @!p0 $0x1;
	_ =	shalt  }
.Lfunc_end2:
_tile_overlayer_lowered:
.L_overlay_start_2:
0x32: {  	(tag) =	ssettag $0x2  }
0x33: {  	s0 =	rddreg [dreg:$0x0];
	s2 =	stileid.u32  }
0x34: {  	s1 =	rddreg [dreg:$0x1];
	p0 =	sne.s32 s2, $0x0  }
0x35: {  	s3 =	rddreg [dreg:$0x2];
	[bflag:$0x3] =	sbarrier.arrive $0xFFFF;
	s2 =	simm.s32 @!p0 $0x1C01  }
0x36: {  	[timem:s3], [sflag:s2] =	dma.local @!p0 [hbm:s0], s1  }
0x37: {  	s0 =	simm.s32 @!p0 $0x1  }
0x38: {  	_ =	swait.ge @!p0 [sflag:s0], s1  }
0x39: {  	s1 =	ssub.s32 @!p0 $0x0, s1;
	[sflag:s0] =	ssyncset.done @!p0 $0x0  }
0x3a: {  	[sflag:s0] =	ssyncadd.s32 @!p0 s1  }
0x3b: {  	[bflag:$0x3] =	sbarrier.arrive $0xFFFF  }
0x3c: {  	_ =	shalt  }

// kernel: kernel.19.cloned.1.call-start
scs
__scs_entry_jumppad:
0x0: {  	(pc) =	sbr.rel $0x88, $3  }
0x1: {  	(tag) =	ssettag $0x0;
	lr =	simm.s32 $0x1  }
0x2: {  	[smem:$0x3F92] =	sst lr;
	_ =	strace $0xD0000000  }
0x3: {  	_ = 	snop  }
0x4: {  	_ = 	snop  }
0x5: {  	_ = 	snop  }
0x6: {  	_ = 	snop  }
0x7: {  	_ = 	snop  }
__scs_overlays_trampoline_lowered:
0x8: {  	[smem:$0x3FA1] =	sst s0  }
0x9: {  	[smem:$0x3FA2] =	sst s1  }
0xa: {  	[smem:$0x3FA3] =	sst s2  }
0xb: {  	[smem:$0x3FA4] =	sst s3  }
0xc: {  	[smem:$0x3FA5] =	sst s4  }
0xd: {  	[smem:$0x3FA6] =	sst s5  }
0xe: {  	[smem:$0x3FA7] =	sst s6  }
0xf: {  	[smem:$0x3FA8] =	sst s7  }
0x10: {  	[smem:$0x3FA9] =	sst s8  }
0x11: {  	[smem:$0x3FAA] =	sst s9;
	s0 =	simm.s32 @!p0 $0x0  }
0x12: {  	s1 =	sld [smem:$0x3F90];
	s0 =	simm.s32 @p0 $0x1  }
0x13: {  	[smem:$0x3FAB] =	sst s0;
	s0 =	simm.s32 @!p1 $0x0  }
0x14: {  	s2 =	sld [smem:$0x3F8F];
	s0 =	simm.s32 @p1 $0x1  }
0x15: {  	[smem:$0x3FAC] =	sst s0;
	s0 =	simm.s32 @!p2 $0x0  }
0x16: {  	s3 =	sld [smem:$0x3FDB];
	s0 =	simm.s32 @p2 $0x1  }
0x17: {  	s4 =	simm.s32 $0x1BF5;
	[smem:$0x3FAE] =	sst s0  }
0x18: {  	s0 =	sld [smem:$0x3F91];
	_ =	swait.ge [sflag:s4], $0x0  }
0x19: {  	s7 =	sld [smem:$0x3F92]  }
0x1a: {  	s8 =	sadd.s32 $0xFFFFE003, lr  }
0x1b: {  	s9 =	sadd.s32 $0xFFFFFEF7, lr;
	s5 =	simm.s32 $0xFFFFFFFF;
	p2 =	slt.u32 s8, $0xFFFFF086  }
0x1c: {  	p1 =	slt.u32 s9, $0xF7A;
	s5 =	simm.s32 @!p2 $0x0  }
0x1d: {  	s5 =	simm.s32 @p1 $0x1;
	p0 =	seq.s32 s7, s2  }
0x1e: {  	s7 =	smul.u32 @!p0 $0xF7A, s2;
	p2 =	seq.s32 @!p0 s5, $0x0  }
0x1f: {  	s9 =	smul.u32 $0xF7A, s1;
	s8 =	simm.s32 @!p0 $0x1BF5;
	p2 =	por !p2, p0  }
0x20: {  	[sflag:s8] =	ssyncset.s32 @!p0 $0xFFFFF086;
	s6 =	sadd.s32 @!p0 s3, s7;
	s7 =	simm.s32 @!p0 $0x108  }
0x21: {  	s3 =	sadd.s32 s3, s9;
	s6 =	sadd.s32 @!p0 $0x88, s6;
	s7 =	simm.s32 @p2 $0x1082  }
0x22: {  	[simem:s7], [sflag:s8] =	dma.local @!p0 [hbm:s6], $0xF7A  }
0x23: {  	s9 =	sor.u32 $0xD0000000, s2;
	s6 =	simm.s32 $0x108;
	_ =	swait.ge @!p0 [sflag:s8], $0x0  }
0x24: {  	s3 =	sadd.s32 $0x88, s3;
	s6 =	simm.s32 @!p1 $0x1082;
	[sflag:s4] =	ssyncset.s32 $0xFFFFF086  }
0x25: {  	[simem:s6], [sflag:s4] =	dma.local [hbm:s3], $0xF7A  }
0x26: {  	[smem:$0x3F92] =	sst s1;
	(tag) =	ssettag s2;
	_ =	strace s9  }
0x27: {  	s1 =	sld [smem:$0x3FA2]  }
0x28: {  	s2 =	sld [smem:$0x3FA3]  }
0x29: {  	s4 =	sld [smem:$0x3FA5]  }
0x2a: {  	p0 =	seq.s32 s5, $0x0;
	s5 =	sld [smem:$0x3FA6]  }
0x2b: {  	s6 =	sld [smem:$0x3FA7]  }
0x2c: {  	s7 =	sld [smem:$0x3FA8]  }
0x2d: {  	s3 =	simm.s32 $0x108;
	s8 =	sld [smem:$0x3FA9]  }
0x2e: {  	s3 =	simm.s32 @!p0 $0x1082;
	s9 =	sld [smem:$0x3FAA]  }
0x2f: {  	lr =	sadd.s32 s0, s3;
	s0 =	sld [smem:$0x3FA1]  }
0x30: {  	s3 =	sld [smem:$0x3FA4]  }
0x31: {  	[smem:$0x3FAD] =	sst s10  }
0x32: {  	s10 =	sld [smem:$0x3FAB];
	_ =	sdelay $0x3  }
0x33: {  	p0 =	seq.s32 s10, $0x1;
	s10 =	sld [smem:$0x3FAD];
	_ =	sdelay $0x3  }
0x34: {  	[smem:$0x3FAD] =	sst s10  }
0x35: {  	s10 =	sld [smem:$0x3FAC];
	_ =	sdelay $0x3  }
0x36: {  	p1 =	seq.s32 s10, $0x1;
	s10 =	sld [smem:$0x3FAD];
	_ =	sdelay $0x3  }
0x37: {  	[smem:$0x3FAD] =	sst s10  }
0x38: {  	s10 =	sld [smem:$0x3FAE]  }
0x39: {  	_ = 	snop;
	(pc) =	sbr.ind lr, $3  }
0x3a: {  	_ = 	snop  }
0x3b: {  	_ = 	snop  }
0x3c: {  	p2 =	seq.s32 s10, $0x1;
	s10 =	sld [smem:$0x3FAD]  }
0x3d: {  	_ =	shalt  }
0x3e: {  	_ =	shalt  }
0x3f: {  	_ =	shalt  }
0x40: {  	_ =	shalt  }
0x41: {  	_ =	shalt  }
0x42: {  	_ =	shalt  }
0x43: {  	_ =	shalt  }
0x44: {  	_ =	shalt  }
0x45: {  	_ =	shalt  }
0x46: {  	_ =	shalt  }
0x47: {  	_ =	shalt  }
0x48: {  	_ =	shalt  }
0x49: {  	_ =	shalt  }
0x4a: {  	_ =	shalt  }
0x4b: {  	_ =	shalt  }
0x4c: {  	_ =	shalt  }
0x4d: {  	_ =	shalt  }
0x4e: {  	_ =	shalt  }
0x4f: {  	_ =	shalt  }
0x50: {  	_ =	shalt  }
0x51: {  	_ =	shalt  }
0x52: {  	_ =	shalt  }
0x53: {  	_ =	shalt  }
0x54: {  	_ =	shalt  }
0x55: {  	_ =	shalt  }
0x56: {  	_ =	shalt  }
0x57: {  	_ =	shalt  }
0x58: {  	_ =	shalt  }
0x59: {  	_ =	shalt  }
0x5a: {  	_ =	shalt  }
0x5b: {  	_ =	shalt  }
0x5c: {  	_ =	shalt  }
0x5d: {  	_ =	shalt  }
0x5e: {  	_ =	shalt  }
0x5f: {  	_ =	shalt  }
0x60: {  	_ =	shalt  }
0x61: {  	_ =	shalt  }
0x62: {  	_ =	shalt  }
0x63: {  	_ =	shalt  }
0x64: {  	_ =	shalt  }
0x65: {  	_ =	shalt  }
0x66: {  	_ =	shalt  }
0x67: {  	_ =	shalt  }
0x68: {  	_ =	shalt  }
0x69: {  	_ =	shalt  }
0x6a: {  	_ =	shalt  }
0x6b: {  	_ =	shalt  }
0x6c: {  	_ =	shalt  }
0x6d: {  	_ =	shalt  }
0x6e: {  	_ =	shalt  }
0x6f: {  	_ =	shalt  }
0x70: {  	_ =	shalt  }
0x71: {  	_ =	shalt  }
0x72: {  	_ =	shalt  }
0x73: {  	_ =	shalt  }
0x74: {  	_ =	shalt  }
0x75: {  	_ =	shalt  }
0x76: {  	_ =	shalt  }
0x77: {  	_ =	shalt  }
0x78: {  	_ =	shalt  }
0x79: {  	_ =	shalt  }
0x7a: {  	_ =	shalt  }
0x7b: {  	_ =	shalt  }
0x7c: {  	_ =	shalt  }
0x7d: {  	_ =	shalt  }
0x7e: {  	_ =	shalt  }
0x7f: {  	_ =	shalt  }
0x80: {  	_ =	shalt  }
0x81: {  	_ =	shalt  }
0x82: {  	_ =	shalt  }
0x83: {  	_ =	shalt  }
0x84: {  	_ =	shalt  }
0x85: {  	_ =	shalt  }
0x86: {  	_ =	shalt  }
0x87: {  	_ =	shalt  }
.Lfunc_end0:
.L_simem_size_0:
called_computation.1_lowered:
.L_overlay_start_0:
0x88: {  	s2 =	sld [smem:$0x3FD9]  }
0x89: {  	s3 =	sld [smem:$0x3FFE];
	_ =	sdelay $0x1  }
0x8a: {  	s1 =	srdreg.scid  }
0x8b: {  	s0 =	sand.u32 $0x1, s1  }
0x8c: {  	s16 =	sshll.u32 s0, $0xA;
	s2 =	sadd.s32 s3, s2  }
0x8d: {  	s2 =	sadd.s32 s2, s16  }
0x8e: {  	[smem:$0x3FB9] =	sst s2  }
0x8f: {  	_ = 	snop  }
0x90: {  	(tm) =	ssettm $0x1  }
0x91: {  	s17 =	sld [smem:$0x3FFB];
	_ =	sdelay $0x3  }
0x92: {  	_ =	strace s17  }
0x93: {  	s2 =	sld [smem:$0x3FFC];
	_ =	sdelay $0x3  }
0x94: {  	_ =	strace s2  }
0x95: {  	s2 =	sld [smem:$0x3FFD];
	_ =	sdelay $0x3  }
0x96: {  	_ =	strace s2  }
0x97: {  	_ =	strace $0x8FFFFFFF  }
0x98: {  	s18 =	sld [smem:$0x3FDB];
	_ =	sdelay $0x1  }
0x99: {  	s19 =	simm.s32 $_scs_section_size  }
0x9a: {  	s4 =	simm.s32 $_size__tile_overlayer_lowered;
	s5 =	simm.s32 $_tile_overlayer_lowered  }
0x9b: {  	s22 =	simm.s32 $0x1BFF;
	s21 =	sshll.u32 s5, $0x1;
	s2 =	sadd.s32 s19, s18  }
0x9c: {  	s6 =	simm.s32 $0x0;
	s20 =	sshll.u32 s4, $0x1;
	s4 =	sadd.s32 s21, s2  }
0x9d: {  	[timem:s6], [sflag:s22] =	dma.local [hbm:s4], s20  }
0x9e: {  	_ =	swait.ge [sflag:s22], s20  }
0x9f: {  	s3 =	ssub.s32 $0x0, s20;
	[sflag:s22] =	ssyncset.done $0x0  }
0xa0: {  	[sflag:s22] =	ssyncadd.s32 s3;
	_ =	sdelay $0x1  }
0xa1: {  	s23 =	simm.s32 $0x1B8B  }
0xa2: {  	_ =	swait.ge [sflag:s23], $0x1  }
0xa3: {  	[sflag:s23] =	ssyncset.done $0x0  }
0xa4: {  	s25 =	simm.s32 $0x1B8E;
	s24 =	sld [smem:$0x3FFE];
	[sflag:s23] =	ssyncadd.s32 $0xFFFFFFFF  }
0xa5: {  	s26 =	simm.s32 $execute0_lowered;
	[smem:$0x3FD2] =	sst s25  }
0xa6: {  	s4 =	sshll.u32 s26, $0x1;
	_ =	strace $0x80000049;
	[dreg:$0x1] =	wrdreg $0xFFFFFFFF  }
0xa7: {  	s28 =	simm.s32 $_size_execute0_lowered;
	s2 =	sadd.s32 s2, s4;
	[dreg:$0x0] =	wrdreg $0x0  }
0xa8: {  	s4 =	sshll.u32 s28, $0x1;
	[dreg:$0x2] =	wrdreg s2  }
0xa9: {  	[dreg:$0x3] =	wrdreg s4  }
0xaa: {  	[dreg:$0x4] =	wrdreg $0xC0  }
0xab: {  	_ =	task [dreg:s6], $0x5FFFF  }
0xac: {  	[dreg:$0x1] =	wrdreg $0xFFFFFFFF  }
0xad: {  	[dreg:$0x0] =	wrdreg $0x60  }
0xae: {  	[dreg:$0x2] =	wrdreg s24  }
0xaf: {  	[dreg:$0x3] =	wrdreg $0x90000  }
0xb0: {  	[dreg:$0x4] =	wrdreg $0x9  }
0xb1: {  	_ =	task.clear_ibuf [dreg:s6], $0x5FFFF;
	_ =	strace $0x90000049  }
0xb2: {  	s29 =	simm.s32 $0x9;
	_ =	strace $0x8000004B  }
0xb3: {  	_ =	swait.ge [sflag:s29], $0x1  }
0xb4: {  	[sflag:s29] =	ssyncadd.s32 $0xFFFFFFFF  }
0xb5: {  	_ =	strace $0x9000004B  }
0xb6: {  	_ =	sfence  }
0xb7: {  	s30 =	sld [smem:$0x0];
	_ =	sdelay $0x2  }
0xb8: {  	s31 =	sshll.u32 s1, $0xD;
	s1 =	sshrl.u32 s1, $0x2  }
0xb9: {  	s3 =	sand.u32 $0x4000, s31;
	s1 =	sadd.s32 s1, s30  }
0xba: {  	s0 =	sor.u32 s3, s0;
	s1 =	sshll.u32 s1, $0x11  }
0xbb: {  	s0 =	sor.u32 s1, s0  }
0xbc: {  	s0 =	sadd.s32 $0x8F2B, s0  }
0xbd: {  	[sflag:s0] =	ssyncadd.remote.s32 $0x1  }
0xbe: {  	_ =	sfence.sel $0xFFFF  }
0xbf: {  	[dreg:$0x0] =	wrdreg $0xFFFFFFFF;
	(pc) =	sbr.abs _section_cstart, $3  }
0xc0: {  	[dreg:$0x1] =	wrdreg $0xFFFFFFFF  }
0xc1: {  	_ =	task.clear_ibuf [dreg:s6], $0x2FFFF;
	_ =	strace $0x9FFFFFFF  }
0xc2: {  	(tm) =	ssettm $0x7FFFFFFF  }
0xc3: {  	_ =	shalt  }
tec
execute0_lowered:
.L_overlay_start_1:
0x0: {  	(tag) =	ssettag $0x1  }
0x1: {  	s0 =	srdreg.scid;
	s6 =	rddreg [dreg:$0x0]  }
0x2: {  	s2 =	rddreg [dreg:$0x1];
	s3 =	simm.s32 $0x0;
	s14 =	simm.s32 $0x80  }
0x3: {  	s15 =	simm.s32 $0x5000;
	s5 =	sand.u32 $0x1, s0;
	s0 =	stileid.u32  }
0x4: {  	s16 =	simm.s32 $0x1;
	s17 =	simm.s32 $0x0;
	s8 =	smul.u32 $0x14000, s0  }
0x5: {  	[smem:$0x7FF] =	sst s3;
	s1 =	sshll.u32 s5, $0x4;
	s9 =	smul.u32 $0x140000, s5  }
0x6: {  	s5 =	ssub.s32 $0x2, s5;
	s29 =	smul.u32 $0x50000, s0;
	s31 =	sshll.u32 s0, $0x6  }
0x7: {  	s4 =	sor.u32 s0, s1;
	s1 =	rddreg [dreg:$0x2];
	_ =	strace $0x8000004A  }
0x8: {  	s11 =	sshrl.u32 s5, $0x1;
	s7 =	smul.u32 $0x500, s4;
	s4 =	sadd.s32 $0x38200, s6  }
0x9: {  	s28 =	sshrl.u32 s8, $0x3;
	s8 =	sadd.s32 s8, s9;
	s30 =	sshrl.u32 s29, $0x2  }
0xa: {  	s11 =	ssub.s32 s5, s11;
	s8 =	sshrl.u32 s8, $0x3;
	s13 =	sadd.s32 s30, s2  }
0xb: {  	s10 =	sadd.s32 s7, s6;
	s7 =	sadd.s32 s28, s6;
	s12 =	sadd.s32 s8, s6  }
0xc: {  	s6 =	sor.u32 $0x1C02, s31;
	s5 =	sadd.s32 $0x10200, s7;
	s7 =	sadd.s32 $0x88200, s10  }
0xd: {  	s8 =	sadd.s32 $0x6200, s10;
	s9 =	sadd.s32 $0x92200, s12;
	s10 =	smax.u32 s11, $0x1  }
0xe: {  	s11 =	sshrl.u32 s13, $0x3;
	s12 =	simm.s32 $0x2;
	s13 =	simm.s32 $0x2800  }
.LBB2_1:
0xf: {  	[spmem:s11], [sflag:s6] =	dma.local [hbm:s5], $0x2800  }
0x10: {  	_ =	swait.ge [sflag:s12], $0x2800  }
0x11: {  	[sflag:s12] =	ssyncset.done $0x0  }
0x12: {  	[sflag:s12] =	ssyncadd.s32 $0xFFFFD800  }
0x13: {  	[tilespmem:s3], [sflag:$0x2] =	stream.linear.gather [hbm4b:s7+s3], $0x2780, $0x38;
	[tilespmem:$0x1D000] =	vst v63  }
0x14: {  	_ =	swait.ge [sflag:s12], $0x2780  }
0x15: {  	[sflag:s12] =	ssyncset.done $0x0  }
0x16: {  	[sflag:s12] =	ssyncadd.s32 $0xFFFFD880  }
0x17: {  	[tilespmem:s13], [sflag:$0x2] =	stream.linear.gather [hbm4b:s8+s3], $0x2780, $0x38;
	[tilespmem:$0x1D000] =	vst v63  }
0x18: {  	_ =	swait.ge [sflag:s12], $0x2780  }
0x19: {  	[sflag:s12] =	ssyncset.done $0x0  }
0x1a: {  	[sflag:s12] =	ssyncadd.s32 $0xFFFFD880  }
0x1b: {  	s18 =	simm.s32 $0x0;
	[bflag:$0x0] =	sbarrier.arrive $0xFFFF  }
0x1c: {  	[tilespmem:s15], [sflag:$0x1] =	stream.indirect.gather [hbm4b:s4+s14], $0x80, s18, s14, $0xb8;
	[tilespmem:$0x1D000] =	vst v63  }
0x1d: {  	_ =	swait.ge [sflag:s16], $0x4000  }
0x1e: {  	[sflag:s16] =	ssyncset.done $0x0  }
0x1f: {  	s31 =	simm.s32 $0x2800;
	[sflag:s16] =	ssyncadd.s32 $0xFFFFC000  }
0x20: {  	[spmem:s2] =	stream.indirect.scatter.add.f32 [tilespmem:s15], [sflag:$0x2], $0x80, s31, s14, $0xb8;
	[tilespmem:$0x1D000] =	vst v63  }
0x21: {  	_ =	swait.ge [sflag:s12], $0x4000  }
0x22: {  	s19 =	simm.s32 $0x400;
	s18 =	simm.s32 $0x200;
	[sflag:s12] =	ssyncset.done $0x0  }
.LBB2_2:
0x23: {  	s20 =	sshra.s32 s18, $0x2  }
0x24: {  	[sflag:s12] =	ssyncadd.s32 $0xFFFFC000;
	s18 =	smov.u32 s19;
	s21 =	sadd.s32 $0x200, s19  }
0x25: {  	[tilespmem:s15], [sflag:$0x1] =	stream.indirect.gather [hbm4b:s4+s14], $0x80, s20, s14, $0xb8;
	[tilespmem:$0x1D000] =	vst v63  }
0x26: {  	p0 =	sne.s32 s19, $0x9C00;
	_ =	swait.ge [sflag:s16], $0x4000  }
.Ltmp0:
0x27: {  	[sflag:s16] =	ssyncset.done $0x0;
	(pc) =	sbr.rel @p0 .LBB2_2-.Ltmp0, $4  }
0x28: {  	s19 =	sadd.s32 $0x2800, s20;
	[sflag:s16] =	ssyncadd.s32 $0xFFFFC000  }
0x29: {  	[spmem:s2] =	stream.indirect.scatter.add.f32 [tilespmem:s15], [sflag:$0x2], $0x80, s19, s14, $0xb8;
	[tilespmem:$0x1D000] =	vst v63  }
0x2a: {  	_ =	swait.ge [sflag:s12], $0x4000  }
0x2b: {  	s19 =	smov.u32 s21;
	[sflag:s12] =	ssyncset.done $0x0  }
0x2c: {  	s18 =	sshra.s32 s18, $0x2;
	[sflag:s12] =	ssyncadd.s32 $0xFFFFC000  }
0x2d: {  	[tilespmem:s15], [sflag:$0x1] =	stream.indirect.gather [hbm4b:s4+s14], $0x80, s18, s14, $0xb8;
	[tilespmem:$0x1D000] =	vst v63  }
0x2e: {  	_ =	swait.ge [sflag:s16], $0x4000  }
0x2f: {  	[sflag:s16] =	ssyncset.done $0x0  }
0x30: {  	s18 =	sadd.s32 $0x2800, s18;
	[sflag:s16] =	ssyncadd.s32 $0xFFFFC000  }
0x31: {  	[spmem:s2] =	stream.indirect.scatter.add.f32 [tilespmem:s15], [sflag:$0x2], $0x80, s18, s14, $0xb8;
	[tilespmem:$0x1D000] =	vst v63  }
0x32: {  	_ =	swait.ge [sflag:s12], $0x4000  }
0x33: {  	s17 =	sadd.s32 $0x1, s17;
	[sflag:s12] =	ssyncset.done $0x0  }
0x34: {  	p0 =	sne.s32 s17, s10;
	[sflag:s12] =	ssyncadd.s32 $0xFFFFC000  }
.Ltmp1:
0x35: {  	[bflag:$0x0] =	sbarrier.arrive $0xFFFF;
	(pc) =	sbr.rel @p0 .LBB2_1-.Ltmp1, $4  }
0x36: {  	[hbm:s9], [sflag:s6] =	dma.local [spmem:s11], $0x2800  }
0x37: {  	_ =	swait.ge [sflag:s12], $0x2800  }
0x38: {  	[sflag:s12] =	ssyncset.done $0x0  }
0x39: {  	[sflag:s12] =	ssyncadd.s32 $0xFFFFD800  }
0x3a: {  	_ =	sfence.sel $0x180000  }
0x3b: {  	[bflag:$0x0] =	sbarrier.arrive $0xFFFF  }
0x3c: {  	p0 =	sne.s32 s0, $0x0;
	_ =	strace $0x9000004A  }
0x3d: {  	s0 =	sadd.s32 @!p0 $0x100000, s1;
	[bflag:$0x2] =	sbarrier.arrive $0xFFFF  }
0x3e: {  	[sflag:s0] =	ssyncadd.tile.s32 @!p0 $0x1;
	_ =	shalt  }
.Lfunc_end2:
_tile_overlayer_lowered:
.L_overlay_start_2:
0x3f: {  	(tag) =	ssettag $0x2  }
0x40: {  	s0 =	rddreg [dreg:$0x0];
	s2 =	stileid.u32  }
0x41: {  	s1 =	rddreg [dreg:$0x1];
	p0 =	sne.s32 s2, $0x0  }
0x42: {  	s3 =	rddreg [dreg:$0x2];
	[bflag:$0x3] =	sbarrier.arrive $0xFFFF;
	s2 =	simm.s32 @!p0 $0x1C02  }
0x43: {  	[timem:s3], [sflag:s2] =	dma.local @!p0 [hbm:s0], s1  }
0x44: {  	s0 =	simm.s32 @!p0 $0x2  }
0x45: {  	_ =	swait.ge @!p0 [sflag:s0], s1  }
0x46: {  	s1 =	ssub.s32 @!p0 $0x0, s1;
	[sflag:s0] =	ssyncset.done @!p0 $0x0  }
0x47: {  	[sflag:s0] =	ssyncadd.s32 @!p0 s1  }
0x48: {  	[bflag:$0x3] =	sbarrier.arrive $0xFFFF  }
0x49: {  	_ =	shalt  }

// kernel: kernel.22.cloned.1.call-start
scs
__scs_entry_jumppad:
0x0: {  	(pc) =	sbr.rel $0x88, $3  }
0x1: {  	(tag) =	ssettag $0x0;
	lr =	simm.s32 $0x1  }
0x2: {  	[smem:$0x3F92] =	sst lr;
	_ =	strace $0xD0000000  }
0x3: {  	_ = 	snop  }
0x4: {  	_ = 	snop  }
0x5: {  	_ = 	snop  }
0x6: {  	_ = 	snop  }
0x7: {  	_ = 	snop  }
__scs_overlays_trampoline_lowered:
0x8: {  	[smem:$0x3FA1] =	sst s0  }
0x9: {  	[smem:$0x3FA2] =	sst s1  }
0xa: {  	[smem:$0x3FA3] =	sst s2  }
0xb: {  	[smem:$0x3FA4] =	sst s3  }
0xc: {  	[smem:$0x3FA5] =	sst s4  }
0xd: {  	[smem:$0x3FA6] =	sst s5  }
0xe: {  	[smem:$0x3FA7] =	sst s6  }
0xf: {  	[smem:$0x3FA8] =	sst s7  }
0x10: {  	[smem:$0x3FA9] =	sst s8  }
0x11: {  	[smem:$0x3FAA] =	sst s9;
	s0 =	simm.s32 @!p0 $0x0  }
0x12: {  	s1 =	sld [smem:$0x3F90];
	s0 =	simm.s32 @p0 $0x1  }
0x13: {  	[smem:$0x3FAB] =	sst s0;
	s0 =	simm.s32 @!p1 $0x0  }
0x14: {  	s2 =	sld [smem:$0x3F8F];
	s0 =	simm.s32 @p1 $0x1  }
0x15: {  	[smem:$0x3FAC] =	sst s0;
	s0 =	simm.s32 @!p2 $0x0  }
0x16: {  	s3 =	sld [smem:$0x3FDB];
	s0 =	simm.s32 @p2 $0x1  }
0x17: {  	s4 =	simm.s32 $0x1BF5;
	[smem:$0x3FAE] =	sst s0  }
0x18: {  	s0 =	sld [smem:$0x3F91];
	_ =	swait.ge [sflag:s4], $0x0  }
0x19: {  	s7 =	sld [smem:$0x3F92]  }
0x1a: {  	s8 =	sadd.s32 $0xFFFFE003, lr  }
0x1b: {  	s9 =	sadd.s32 $0xFFFFFEF7, lr;
	s5 =	simm.s32 $0xFFFFFFFF;
	p2 =	slt.u32 s8, $0xFFFFF086  }
0x1c: {  	p1 =	slt.u32 s9, $0xF7A;
	s5 =	simm.s32 @!p2 $0x0  }
0x1d: {  	s5 =	simm.s32 @p1 $0x1;
	p0 =	seq.s32 s7, s2  }
0x1e: {  	s7 =	smul.u32 @!p0 $0xF7A, s2;
	p2 =	seq.s32 @!p0 s5, $0x0  }
0x1f: {  	s9 =	smul.u32 $0xF7A, s1;
	s8 =	simm.s32 @!p0 $0x1BF5;
	p2 =	por !p2, p0  }
0x20: {  	[sflag:s8] =	ssyncset.s32 @!p0 $0xFFFFF086;
	s6 =	sadd.s32 @!p0 s3, s7;
	s7 =	simm.s32 @!p0 $0x108  }
0x21: {  	s3 =	sadd.s32 s3, s9;
	s6 =	sadd.s32 @!p0 $0x88, s6;
	s7 =	simm.s32 @p2 $0x1082  }
0x22: {  	[simem:s7], [sflag:s8] =	dma.local @!p0 [hbm:s6], $0xF7A  }
0x23: {  	s9 =	sor.u32 $0xD0000000, s2;
	s6 =	simm.s32 $0x108;
	_ =	swait.ge @!p0 [sflag:s8], $0x0  }
0x24: {  	s3 =	sadd.s32 $0x88, s3;
	s6 =	simm.s32 @!p1 $0x1082;
	[sflag:s4] =	ssyncset.s32 $0xFFFFF086  }
0x25: {  	[simem:s6], [sflag:s4] =	dma.local [hbm:s3], $0xF7A  }
0x26: {  	[smem:$0x3F92] =	sst s1;
	(tag) =	ssettag s2;
	_ =	strace s9  }
0x27: {  	s1 =	sld [smem:$0x3FA2]  }
0x28: {  	s2 =	sld [smem:$0x3FA3]  }
0x29: {  	s4 =	sld [smem:$0x3FA5]  }
0x2a: {  	p0 =	seq.s32 s5, $0x0;
	s5 =	sld [smem:$0x3FA6]  }
0x2b: {  	s6 =	sld [smem:$0x3FA7]  }
0x2c: {  	s7 =	sld [smem:$0x3FA8]  }
0x2d: {  	s3 =	simm.s32 $0x108;
	s8 =	sld [smem:$0x3FA9]  }
0x2e: {  	s3 =	simm.s32 @!p0 $0x1082;
	s9 =	sld [smem:$0x3FAA]  }
0x2f: {  	lr =	sadd.s32 s0, s3;
	s0 =	sld [smem:$0x3FA1]  }
0x30: {  	s3 =	sld [smem:$0x3FA4]  }
0x31: {  	[smem:$0x3FAD] =	sst s10  }
0x32: {  	s10 =	sld [smem:$0x3FAB];
	_ =	sdelay $0x3  }
0x33: {  	p0 =	seq.s32 s10, $0x1;
	s10 =	sld [smem:$0x3FAD];
	_ =	sdelay $0x3  }
0x34: {  	[smem:$0x3FAD] =	sst s10  }
0x35: {  	s10 =	sld [smem:$0x3FAC];
	_ =	sdelay $0x3  }
0x36: {  	p1 =	seq.s32 s10, $0x1;
	s10 =	sld [smem:$0x3FAD];
	_ =	sdelay $0x3  }
0x37: {  	[smem:$0x3FAD] =	sst s10  }
0x38: {  	s10 =	sld [smem:$0x3FAE]  }
0x39: {  	_ = 	snop;
	(pc) =	sbr.ind lr, $3  }
0x3a: {  	_ = 	snop  }
0x3b: {  	_ = 	snop  }
0x3c: {  	p2 =	seq.s32 s10, $0x1;
	s10 =	sld [smem:$0x3FAD]  }
0x3d: {  	_ =	shalt  }
0x3e: {  	_ =	shalt  }
0x3f: {  	_ =	shalt  }
0x40: {  	_ =	shalt  }
0x41: {  	_ =	shalt  }
0x42: {  	_ =	shalt  }
0x43: {  	_ =	shalt  }
0x44: {  	_ =	shalt  }
0x45: {  	_ =	shalt  }
0x46: {  	_ =	shalt  }
0x47: {  	_ =	shalt  }
0x48: {  	_ =	shalt  }
0x49: {  	_ =	shalt  }
0x4a: {  	_ =	shalt  }
0x4b: {  	_ =	shalt  }
0x4c: {  	_ =	shalt  }
0x4d: {  	_ =	shalt  }
0x4e: {  	_ =	shalt  }
0x4f: {  	_ =	shalt  }
0x50: {  	_ =	shalt  }
0x51: {  	_ =	shalt  }
0x52: {  	_ =	shalt  }
0x53: {  	_ =	shalt  }
0x54: {  	_ =	shalt  }
0x55: {  	_ =	shalt  }
0x56: {  	_ =	shalt  }
0x57: {  	_ =	shalt  }
0x58: {  	_ =	shalt  }
0x59: {  	_ =	shalt  }
0x5a: {  	_ =	shalt  }
0x5b: {  	_ =	shalt  }
0x5c: {  	_ =	shalt  }
0x5d: {  	_ =	shalt  }
0x5e: {  	_ =	shalt  }
0x5f: {  	_ =	shalt  }
0x60: {  	_ =	shalt  }
0x61: {  	_ =	shalt  }
0x62: {  	_ =	shalt  }
0x63: {  	_ =	shalt  }
0x64: {  	_ =	shalt  }
0x65: {  	_ =	shalt  }
0x66: {  	_ =	shalt  }
0x67: {  	_ =	shalt  }
0x68: {  	_ =	shalt  }
0x69: {  	_ =	shalt  }
0x6a: {  	_ =	shalt  }
0x6b: {  	_ =	shalt  }
0x6c: {  	_ =	shalt  }
0x6d: {  	_ =	shalt  }
0x6e: {  	_ =	shalt  }
0x6f: {  	_ =	shalt  }
0x70: {  	_ =	shalt  }
0x71: {  	_ =	shalt  }
0x72: {  	_ =	shalt  }
0x73: {  	_ =	shalt  }
0x74: {  	_ =	shalt  }
0x75: {  	_ =	shalt  }
0x76: {  	_ =	shalt  }
0x77: {  	_ =	shalt  }
0x78: {  	_ =	shalt  }
0x79: {  	_ =	shalt  }
0x7a: {  	_ =	shalt  }
0x7b: {  	_ =	shalt  }
0x7c: {  	_ =	shalt  }
0x7d: {  	_ =	shalt  }
0x7e: {  	_ =	shalt  }
0x7f: {  	_ =	shalt  }
0x80: {  	_ =	shalt  }
0x81: {  	_ =	shalt  }
0x82: {  	_ =	shalt  }
0x83: {  	_ =	shalt  }
0x84: {  	_ =	shalt  }
0x85: {  	_ =	shalt  }
0x86: {  	_ =	shalt  }
0x87: {  	_ =	shalt  }
.Lfunc_end0:
.L_simem_size_0:
called_computation.2_lowered:
.L_overlay_start_0:
0x88: {  	s2 =	sld [smem:$0x3FD9]  }
0x89: {  	s3 =	sld [smem:$0x3FFE];
	_ =	sdelay $0x1  }
0x8a: {  	s1 =	srdreg.scid  }
0x8b: {  	s0 =	sand.u32 $0x1, s1  }
0x8c: {  	s16 =	sshll.u32 s0, $0xA;
	s2 =	sadd.s32 s3, s2  }
0x8d: {  	s2 =	sadd.s32 s2, s16  }
0x8e: {  	[smem:$0x3FB9] =	sst s2  }
0x8f: {  	_ = 	snop  }
0x90: {  	(tm) =	ssettm $0x1  }
0x91: {  	s17 =	sld [smem:$0x3FFB];
	_ =	sdelay $0x3  }
0x92: {  	_ =	strace s17  }
0x93: {  	s2 =	sld [smem:$0x3FFC];
	_ =	sdelay $0x3  }
0x94: {  	_ =	strace s2  }
0x95: {  	s2 =	sld [smem:$0x3FFD];
	_ =	sdelay $0x3  }
0x96: {  	_ =	strace s2  }
0x97: {  	_ =	strace $0x8FFFFFFF  }
0x98: {  	s18 =	sld [smem:$0x3FDB];
	_ =	sdelay $0x1  }
0x99: {  	s19 =	simm.s32 $_scs_section_size  }
0x9a: {  	s4 =	simm.s32 $_size__tile_overlayer_lowered;
	s5 =	simm.s32 $_tile_overlayer_lowered  }
0x9b: {  	s22 =	simm.s32 $0x1BFF;
	s21 =	sshll.u32 s5, $0x1;
	s2 =	sadd.s32 s19, s18  }
0x9c: {  	s6 =	simm.s32 $0x0;
	s20 =	sshll.u32 s4, $0x1;
	s4 =	sadd.s32 s21, s2  }
0x9d: {  	[timem:s6], [sflag:s22] =	dma.local [hbm:s4], s20  }
0x9e: {  	_ =	swait.ge [sflag:s22], s20  }
0x9f: {  	s3 =	ssub.s32 $0x0, s20;
	[sflag:s22] =	ssyncset.done $0x0  }
0xa0: {  	[sflag:s22] =	ssyncadd.s32 s3;
	_ =	sdelay $0x1  }
0xa1: {  	s23 =	simm.s32 $0x1B8B  }
0xa2: {  	_ =	swait.ge [sflag:s23], $0x1  }
0xa3: {  	[sflag:s23] =	ssyncset.done $0x0  }
0xa4: {  	s25 =	simm.s32 $0x1B8E;
	s24 =	sld [smem:$0x3FFE];
	[sflag:s23] =	ssyncadd.s32 $0xFFFFFFFF  }
0xa5: {  	s26 =	simm.s32 $execute0_lowered;
	[smem:$0x3FD2] =	sst s25  }
0xa6: {  	s4 =	sshll.u32 s26, $0x1;
	_ =	strace $0x8000004C;
	[dreg:$0x1] =	wrdreg $0xFFFFFFFF  }
0xa7: {  	s28 =	simm.s32 $_size_execute0_lowered;
	s2 =	sadd.s32 s2, s4;
	[dreg:$0x0] =	wrdreg $0x0  }
0xa8: {  	s4 =	sshll.u32 s28, $0x1;
	[dreg:$0x2] =	wrdreg s2  }
0xa9: {  	[dreg:$0x3] =	wrdreg s4  }
0xaa: {  	[dreg:$0x4] =	wrdreg $0xC0  }
0xab: {  	_ =	task [dreg:s6], $0x5FFFF  }
0xac: {  	[dreg:$0x1] =	wrdreg $0xFFFFFFFF  }
0xad: {  	[dreg:$0x0] =	wrdreg $0x60  }
0xae: {  	[dreg:$0x2] =	wrdreg s24  }
0xaf: {  	[dreg:$0x3] =	wrdreg $0x90000  }
0xb0: {  	[dreg:$0x4] =	wrdreg $0x9  }
0xb1: {  	_ =	task.clear_ibuf [dreg:s6], $0x5FFFF;
	_ =	strace $0x9000004C  }
0xb2: {  	s29 =	simm.s32 $0x9;
	_ =	strace $0x8000004E  }
0xb3: {  	_ =	swait.ge [sflag:s29], $0x1  }
0xb4: {  	[sflag:s29] =	ssyncadd.s32 $0xFFFFFFFF  }
0xb5: {  	_ =	strace $0x9000004E  }
0xb6: {  	_ =	sfence  }
0xb7: {  	s30 =	sld [smem:$0x0];
	_ =	sdelay $0x2  }
0xb8: {  	s31 =	sshll.u32 s1, $0xD;
	s1 =	sshrl.u32 s1, $0x2  }
0xb9: {  	s3 =	sand.u32 $0x4000, s31;
	s1 =	sadd.s32 s1, s30  }
0xba: {  	s0 =	sor.u32 s3, s0;
	s1 =	sshll.u32 s1, $0x11  }
0xbb: {  	s0 =	sor.u32 s1, s0  }
0xbc: {  	s0 =	sadd.s32 $0x8F2B, s0  }
0xbd: {  	[sflag:s0] =	ssyncadd.remote.s32 $0x1  }
0xbe: {  	_ =	sfence.sel $0xFFFF  }
0xbf: {  	[dreg:$0x0] =	wrdreg $0xFFFFFFFF;
	(pc) =	sbr.abs _section_cstart, $3  }
0xc0: {  	[dreg:$0x1] =	wrdreg $0xFFFFFFFF  }
0xc1: {  	_ =	task.clear_ibuf [dreg:s6], $0x2FFFF;
	_ =	strace $0x9FFFFFFF  }
0xc2: {  	(tm) =	ssettm $0x7FFFFFFF  }
0xc3: {  	_ =	shalt  }
tec
execute0_lowered:
.L_overlay_start_1:
0x0: {  	(tag) =	ssettag $0x1  }
0x1: {  	s0 =	srdreg.scid;
	s6 =	rddreg [dreg:$0x0]  }
0x2: {  	s2 =	rddreg [dreg:$0x1];
	s3 =	simm.s32 $0x0;
	s14 =	simm.s32 $0x80  }
0x3: {  	s15 =	simm.s32 $0x5000;
	s5 =	sand.u32 $0x1, s0;
	s0 =	stileid.u32  }
0x4: {  	s16 =	simm.s32 $0x1;
	s17 =	simm.s32 $0x0;
	s8 =	smul.u32 $0x14000, s0  }
0x5: {  	[smem:$0x7FF] =	sst s3;
	s1 =	sshll.u32 s5, $0x4;
	s9 =	smul.u32 $0x140000, s5  }
0x6: {  	s5 =	ssub.s32 $0x2, s5;
	s29 =	smul.u32 $0x50000, s0;
	s31 =	sshll.u32 s0, $0x6  }
0x7: {  	s4 =	sor.u32 s0, s1;
	s1 =	rddreg [dreg:$0x2];
	_ =	strace $0x8000004D  }
0x8: {  	s11 =	sshrl.u32 s5, $0x1;
	s7 =	smul.u32 $0x500, s4;
	s4 =	sadd.s32 $0x38200, s6  }
0x9: {  	s28 =	sshrl.u32 s8, $0x3;
	s8 =	sadd.s32 s8, s9;
	s30 =	sshrl.u32 s29, $0x2  }
0xa: {  	s11 =	ssub.s32 s5, s11;
	s8 =	sshrl.u32 s8, $0x3;
	s13 =	sadd.s32 s30, s2  }
0xb: {  	s10 =	sadd.s32 s7, s6;
	s7 =	sadd.s32 s28, s6;
	s12 =	sadd.s32 s8, s6  }
0xc: {  	s6 =	sor.u32 $0x1C02, s31;
	s5 =	sadd.s32 $0x10200, s7;
	s7 =	sadd.s32 $0x88200, s10  }
0xd: {  	s8 =	sadd.s32 $0x6200, s10;
	s9 =	sadd.s32 $0x92200, s12;
	s10 =	smax.u32 s11, $0x1  }
0xe: {  	s11 =	sshrl.u32 s13, $0x3;
	s12 =	simm.s32 $0x2;
	s13 =	simm.s32 $0x2800  }
.LBB2_1:
0xf: {  	[spmem:s11], [sflag:s6] =	dma.local [hbm:s5], $0x2800  }
0x10: {  	_ =	swait.ge [sflag:s12], $0x2800  }
0x11: {  	[sflag:s12] =	ssyncset.done $0x0  }
0x12: {  	[sflag:s12] =	ssyncadd.s32 $0xFFFFD800  }
0x13: {  	[tilespmem:s3], [sflag:$0x2] =	stream.linear.gather [hbm4b:s7+s3], $0x2780, $0x38;
	[tilespmem:$0x1D000] =	vst v63  }
0x14: {  	_ =	swait.ge [sflag:s12], $0x2780  }
0x15: {  	[sflag:s12] =	ssyncset.done $0x0  }
0x16: {  	[sflag:s12] =	ssyncadd.s32 $0xFFFFD880  }
0x17: {  	[tilespmem:s13], [sflag:$0x2] =	stream.linear.gather [hbm4b:s8+s3], $0x2780, $0x38;
	[tilespmem:$0x1D000] =	vst v63  }
0x18: {  	_ =	swait.ge [sflag:s12], $0x2780  }
0x19: {  	[sflag:s12] =	ssyncset.done $0x0  }
0x1a: {  	[sflag:s12] =	ssyncadd.s32 $0xFFFFD880  }
0x1b: {  	s18 =	simm.s32 $0x0;
	[bflag:$0x0] =	sbarrier.arrive $0xFFFF  }
0x1c: {  	[tilespmem:s15], [sflag:$0x1] =	stream.indirect.gather [hbm4b:s4+s14], $0x80, s18, s14, $0xb8;
	[tilespmem:$0x1D000] =	vst v63  }
0x1d: {  	_ =	swait.ge [sflag:s16], $0x4000  }
0x1e: {  	[sflag:s16] =	ssyncset.done $0x0  }
0x1f: {  	s31 =	simm.s32 $0x2800;
	[sflag:s16] =	ssyncadd.s32 $0xFFFFC000  }
0x20: {  	[spmem:s2] =	stream.indirect.scatter.add.f32 [tilespmem:s15], [sflag:$0x2], $0x80, s31, s14, $0xb8;
	[tilespmem:$0x1D000] =	vst v63  }
0x21: {  	_ =	swait.ge [sflag:s12], $0x4000  }
0x22: {  	s19 =	simm.s32 $0x400;
	s18 =	simm.s32 $0x200;
	[sflag:s12] =	ssyncset.done $0x0  }
.LBB2_2:
0x23: {  	s20 =	sshra.s32 s18, $0x2  }
0x24: {  	[sflag:s12] =	ssyncadd.s32 $0xFFFFC000;
	s18 =	smov.u32 s19;
	s21 =	sadd.s32 $0x200, s19  }
0x25: {  	[tilespmem:s15], [sflag:$0x1] =	stream.indirect.gather [hbm4b:s4+s14], $0x80, s20, s14, $0xb8;
	[tilespmem:$0x1D000] =	vst v63  }
0x26: {  	p0 =	sne.s32 s19, $0x9C00;
	_ =	swait.ge [sflag:s16], $0x4000  }
.Ltmp0:
0x27: {  	[sflag:s16] =	ssyncset.done $0x0;
	(pc) =	sbr.rel @p0 .LBB2_2-.Ltmp0, $4  }
0x28: {  	s19 =	sadd.s32 $0x2800, s20;
	[sflag:s16] =	ssyncadd.s32 $0xFFFFC000  }
0x29: {  	[spmem:s2] =	stream.indirect.scatter.add.f32 [tilespmem:s15], [sflag:$0x2], $0x80, s19, s14, $0xb8;
	[tilespmem:$0x1D000] =	vst v63  }
0x2a: {  	_ =	swait.ge [sflag:s12], $0x4000  }
0x2b: {  	s19 =	smov.u32 s21;
	[sflag:s12] =	ssyncset.done $0x0  }
0x2c: {  	s18 =	sshra.s32 s18, $0x2;
	[sflag:s12] =	ssyncadd.s32 $0xFFFFC000  }
0x2d: {  	[tilespmem:s15], [sflag:$0x1] =	stream.indirect.gather [hbm4b:s4+s14], $0x80, s18, s14, $0xb8;
	[tilespmem:$0x1D000] =	vst v63  }
0x2e: {  	_ =	swait.ge [sflag:s16], $0x4000  }
0x2f: {  	[sflag:s16] =	ssyncset.done $0x0  }
0x30: {  	s18 =	sadd.s32 $0x2800, s18;
	[sflag:s16] =	ssyncadd.s32 $0xFFFFC000  }
0x31: {  	[spmem:s2] =	stream.indirect.scatter.add.f32 [tilespmem:s15], [sflag:$0x2], $0x80, s18, s14, $0xb8;
	[tilespmem:$0x1D000] =	vst v63  }
0x32: {  	_ =	swait.ge [sflag:s12], $0x4000  }
0x33: {  	s17 =	sadd.s32 $0x1, s17;
	[sflag:s12] =	ssyncset.done $0x0  }
0x34: {  	p0 =	sne.s32 s17, s10;
	[sflag:s12] =	ssyncadd.s32 $0xFFFFC000  }
.Ltmp1:
0x35: {  	[bflag:$0x0] =	sbarrier.arrive $0xFFFF;
	(pc) =	sbr.rel @p0 .LBB2_1-.Ltmp1, $4  }
0x36: {  	[hbm:s9], [sflag:s6] =	dma.local [spmem:s11], $0x2800  }
0x37: {  	_ =	swait.ge [sflag:s12], $0x2800  }
0x38: {  	[sflag:s12] =	ssyncset.done $0x0  }
0x39: {  	[sflag:s12] =	ssyncadd.s32 $0xFFFFD800  }
0x3a: {  	_ =	sfence.sel $0x180000  }
0x3b: {  	[bflag:$0x0] =	sbarrier.arrive $0xFFFF  }
0x3c: {  	p0 =	sne.s32 s0, $0x0;
	_ =	strace $0x9000004D  }
0x3d: {  	s0 =	sadd.s32 @!p0 $0x100000, s1;
	[bflag:$0x2] =	sbarrier.arrive $0xFFFF  }
0x3e: {  	[sflag:s0] =	ssyncadd.tile.s32 @!p0 $0x1;
	_ =	shalt  }
.Lfunc_end2:
_tile_overlayer_lowered:
.L_overlay_start_2:
0x3f: {  	(tag) =	ssettag $0x2  }
0x40: {  	s0 =	rddreg [dreg:$0x0];
	s2 =	stileid.u32  }
0x41: {  	s1 =	rddreg [dreg:$0x1];
	p0 =	sne.s32 s2, $0x0  }
0x42: {  	s3 =	rddreg [dreg:$0x2];
	[bflag:$0x3] =	sbarrier.arrive $0xFFFF;
	s2 =	simm.s32 @!p0 $0x1C02  }
0x43: {  	[timem:s3], [sflag:s2] =	dma.local @!p0 [hbm:s0], s1  }
0x44: {  	s0 =	simm.s32 @!p0 $0x2  }
0x45: {  	_ =	swait.ge @!p0 [sflag:s0], s1  }
0x46: {  	s1 =	ssub.s32 @!p0 $0x0, s1;
	[sflag:s0] =	ssyncset.done @!p0 $0x0  }
0x47: {  	[sflag:s0] =	ssyncadd.s32 @!p0 s1  }
0x48: {  	[bflag:$0x3] =	sbarrier.arrive $0xFFFF  }
0x49: {  	_ =	shalt  }

// kernel: kernel.25.cloned.1.call-start
scs
__scs_entry_jumppad:
0x0: {  	(pc) =	sbr.rel $0x88, $3  }
0x1: {  	(tag) =	ssettag $0x0;
	lr =	simm.s32 $0x1  }
0x2: {  	[smem:$0x3F92] =	sst lr;
	_ =	strace $0xD0000000  }
0x3: {  	_ = 	snop  }
0x4: {  	_ = 	snop  }
0x5: {  	_ = 	snop  }
0x6: {  	_ = 	snop  }
0x7: {  	_ = 	snop  }
__scs_overlays_trampoline_lowered:
0x8: {  	[smem:$0x3FA1] =	sst s0  }
0x9: {  	[smem:$0x3FA2] =	sst s1  }
0xa: {  	[smem:$0x3FA3] =	sst s2  }
0xb: {  	[smem:$0x3FA4] =	sst s3  }
0xc: {  	[smem:$0x3FA5] =	sst s4  }
0xd: {  	[smem:$0x3FA6] =	sst s5  }
0xe: {  	[smem:$0x3FA7] =	sst s6  }
0xf: {  	[smem:$0x3FA8] =	sst s7  }
0x10: {  	[smem:$0x3FA9] =	sst s8  }
0x11: {  	[smem:$0x3FAA] =	sst s9;
	s0 =	simm.s32 @!p0 $0x0  }
0x12: {  	s1 =	sld [smem:$0x3F90];
	s0 =	simm.s32 @p0 $0x1  }
0x13: {  	[smem:$0x3FAB] =	sst s0;
	s0 =	simm.s32 @!p1 $0x0  }
0x14: {  	s2 =	sld [smem:$0x3F8F];
	s0 =	simm.s32 @p1 $0x1  }
0x15: {  	[smem:$0x3FAC] =	sst s0;
	s0 =	simm.s32 @!p2 $0x0  }
0x16: {  	s3 =	sld [smem:$0x3FDB];
	s0 =	simm.s32 @p2 $0x1  }
0x17: {  	s4 =	simm.s32 $0x1BF5;
	[smem:$0x3FAE] =	sst s0  }
0x18: {  	s0 =	sld [smem:$0x3F91];
	_ =	swait.ge [sflag:s4], $0x0  }
0x19: {  	s7 =	sld [smem:$0x3F92]  }
0x1a: {  	s8 =	sadd.s32 $0xFFFFE003, lr  }
0x1b: {  	s9 =	sadd.s32 $0xFFFFFEF7, lr;
	s5 =	simm.s32 $0xFFFFFFFF;
	p2 =	slt.u32 s8, $0xFFFFF086  }
0x1c: {  	p1 =	slt.u32 s9, $0xF7A;
	s5 =	simm.s32 @!p2 $0x0  }
0x1d: {  	s5 =	simm.s32 @p1 $0x1;
	p0 =	seq.s32 s7, s2  }
0x1e: {  	s7 =	smul.u32 @!p0 $0xF7A, s2;
	p2 =	seq.s32 @!p0 s5, $0x0  }
0x1f: {  	s9 =	smul.u32 $0xF7A, s1;
	s8 =	simm.s32 @!p0 $0x1BF5;
	p2 =	por !p2, p0  }
0x20: {  	[sflag:s8] =	ssyncset.s32 @!p0 $0xFFFFF086;
	s6 =	sadd.s32 @!p0 s3, s7;
	s7 =	simm.s32 @!p0 $0x108  }
0x21: {  	s3 =	sadd.s32 s3, s9;
	s6 =	sadd.s32 @!p0 $0x88, s6;
	s7 =	simm.s32 @p2 $0x1082  }
0x22: {  	[simem:s7], [sflag:s8] =	dma.local @!p0 [hbm:s6], $0xF7A  }
0x23: {  	s9 =	sor.u32 $0xD0000000, s2;
	s6 =	simm.s32 $0x108;
	_ =	swait.ge @!p0 [sflag:s8], $0x0  }
0x24: {  	s3 =	sadd.s32 $0x88, s3;
	s6 =	simm.s32 @!p1 $0x1082;
	[sflag:s4] =	ssyncset.s32 $0xFFFFF086  }
0x25: {  	[simem:s6], [sflag:s4] =	dma.local [hbm:s3], $0xF7A  }
0x26: {  	[smem:$0x3F92] =	sst s1;
	(tag) =	ssettag s2;
	_ =	strace s9  }
0x27: {  	s1 =	sld [smem:$0x3FA2]  }
0x28: {  	s2 =	sld [smem:$0x3FA3]  }
0x29: {  	s4 =	sld [smem:$0x3FA5]  }
0x2a: {  	p0 =	seq.s32 s5, $0x0;
	s5 =	sld [smem:$0x3FA6]  }
0x2b: {  	s6 =	sld [smem:$0x3FA7]  }
0x2c: {  	s7 =	sld [smem:$0x3FA8]  }
0x2d: {  	s3 =	simm.s32 $0x108;
	s8 =	sld [smem:$0x3FA9]  }
0x2e: {  	s3 =	simm.s32 @!p0 $0x1082;
	s9 =	sld [smem:$0x3FAA]  }
0x2f: {  	lr =	sadd.s32 s0, s3;
	s0 =	sld [smem:$0x3FA1]  }
0x30: {  	s3 =	sld [smem:$0x3FA4]  }
0x31: {  	[smem:$0x3FAD] =	sst s10  }
0x32: {  	s10 =	sld [smem:$0x3FAB];
	_ =	sdelay $0x3  }
0x33: {  	p0 =	seq.s32 s10, $0x1;
	s10 =	sld [smem:$0x3FAD];
	_ =	sdelay $0x3  }
0x34: {  	[smem:$0x3FAD] =	sst s10  }
0x35: {  	s10 =	sld [smem:$0x3FAC];
	_ =	sdelay $0x3  }
0x36: {  	p1 =	seq.s32 s10, $0x1;
	s10 =	sld [smem:$0x3FAD];
	_ =	sdelay $0x3  }
0x37: {  	[smem:$0x3FAD] =	sst s10  }
0x38: {  	s10 =	sld [smem:$0x3FAE]  }
0x39: {  	_ = 	snop;
	(pc) =	sbr.ind lr, $3  }
0x3a: {  	_ = 	snop  }
0x3b: {  	_ = 	snop  }
0x3c: {  	p2 =	seq.s32 s10, $0x1;
	s10 =	sld [smem:$0x3FAD]  }
0x3d: {  	_ =	shalt  }
0x3e: {  	_ =	shalt  }
0x3f: {  	_ =	shalt  }
0x40: {  	_ =	shalt  }
0x41: {  	_ =	shalt  }
0x42: {  	_ =	shalt  }
0x43: {  	_ =	shalt  }
0x44: {  	_ =	shalt  }
0x45: {  	_ =	shalt  }
0x46: {  	_ =	shalt  }
0x47: {  	_ =	shalt  }
0x48: {  	_ =	shalt  }
0x49: {  	_ =	shalt  }
0x4a: {  	_ =	shalt  }
0x4b: {  	_ =	shalt  }
0x4c: {  	_ =	shalt  }
0x4d: {  	_ =	shalt  }
0x4e: {  	_ =	shalt  }
0x4f: {  	_ =	shalt  }
0x50: {  	_ =	shalt  }
0x51: {  	_ =	shalt  }
0x52: {  	_ =	shalt  }
0x53: {  	_ =	shalt  }
0x54: {  	_ =	shalt  }
0x55: {  	_ =	shalt  }
0x56: {  	_ =	shalt  }
0x57: {  	_ =	shalt  }
0x58: {  	_ =	shalt  }
0x59: {  	_ =	shalt  }
0x5a: {  	_ =	shalt  }
0x5b: {  	_ =	shalt  }
0x5c: {  	_ =	shalt  }
0x5d: {  	_ =	shalt  }
0x5e: {  	_ =	shalt  }
0x5f: {  	_ =	shalt  }
0x60: {  	_ =	shalt  }
0x61: {  	_ =	shalt  }
0x62: {  	_ =	shalt  }
0x63: {  	_ =	shalt  }
0x64: {  	_ =	shalt  }
0x65: {  	_ =	shalt  }
0x66: {  	_ =	shalt  }
0x67: {  	_ =	shalt  }
0x68: {  	_ =	shalt  }
0x69: {  	_ =	shalt  }
0x6a: {  	_ =	shalt  }
0x6b: {  	_ =	shalt  }
0x6c: {  	_ =	shalt  }
0x6d: {  	_ =	shalt  }
0x6e: {  	_ =	shalt  }
0x6f: {  	_ =	shalt  }
0x70: {  	_ =	shalt  }
0x71: {  	_ =	shalt  }
0x72: {  	_ =	shalt  }
0x73: {  	_ =	shalt  }
0x74: {  	_ =	shalt  }
0x75: {  	_ =	shalt  }
0x76: {  	_ =	shalt  }
0x77: {  	_ =	shalt  }
0x78: {  	_ =	shalt  }
0x79: {  	_ =	shalt  }
0x7a: {  	_ =	shalt  }
0x7b: {  	_ =	shalt  }
0x7c: {  	_ =	shalt  }
0x7d: {  	_ =	shalt  }
0x7e: {  	_ =	shalt  }
0x7f: {  	_ =	shalt  }
0x80: {  	_ =	shalt  }
0x81: {  	_ =	shalt  }
0x82: {  	_ =	shalt  }
0x83: {  	_ =	shalt  }
0x84: {  	_ =	shalt  }
0x85: {  	_ =	shalt  }
0x86: {  	_ =	shalt  }
0x87: {  	_ =	shalt  }
.Lfunc_end0:
.L_simem_size_0:
called_computation.3_lowered:
.L_overlay_start_0:
0x88: {  	s2 =	sld [smem:$0x3FD9]  }
0x89: {  	s3 =	sld [smem:$0x3FFE];
	_ =	sdelay $0x1  }
0x8a: {  	s1 =	srdreg.scid  }
0x8b: {  	s0 =	sand.u32 $0x1, s1  }
0x8c: {  	s16 =	sshll.u32 s0, $0xA;
	s2 =	sadd.s32 s3, s2  }
0x8d: {  	s2 =	sadd.s32 s2, s16  }
0x8e: {  	[smem:$0x3FB9] =	sst s2  }
0x8f: {  	_ = 	snop  }
0x90: {  	(tm) =	ssettm $0x1  }
0x91: {  	s17 =	sld [smem:$0x3FFB];
	_ =	sdelay $0x3  }
0x92: {  	_ =	strace s17  }
0x93: {  	s2 =	sld [smem:$0x3FFC];
	_ =	sdelay $0x3  }
0x94: {  	_ =	strace s2  }
0x95: {  	s2 =	sld [smem:$0x3FFD];
	_ =	sdelay $0x3  }
0x96: {  	_ =	strace s2  }
0x97: {  	_ =	strace $0x8FFFFFFF  }
0x98: {  	s18 =	sld [smem:$0x3FDB];
	_ =	sdelay $0x1  }
0x99: {  	s19 =	simm.s32 $_scs_section_size  }
0x9a: {  	s4 =	simm.s32 $_size__tile_overlayer_lowered;
	s5 =	simm.s32 $_tile_overlayer_lowered  }
0x9b: {  	s22 =	simm.s32 $0x1BFF;
	s21 =	sshll.u32 s5, $0x1;
	s2 =	sadd.s32 s19, s18  }
0x9c: {  	s6 =	simm.s32 $0x0;
	s20 =	sshll.u32 s4, $0x1;
	s4 =	sadd.s32 s21, s2  }
0x9d: {  	[timem:s6], [sflag:s22] =	dma.local [hbm:s4], s20  }
0x9e: {  	_ =	swait.ge [sflag:s22], s20  }
0x9f: {  	s3 =	ssub.s32 $0x0, s20;
	[sflag:s22] =	ssyncset.done $0x0  }
0xa0: {  	[sflag:s22] =	ssyncadd.s32 s3;
	_ =	sdelay $0x1  }
0xa1: {  	s23 =	simm.s32 $0x1B8B  }
0xa2: {  	_ =	swait.ge [sflag:s23], $0x1  }
0xa3: {  	[sflag:s23] =	ssyncset.done $0x0  }
0xa4: {  	s25 =	simm.s32 $0x1B8E;
	s24 =	sld [smem:$0x3FFE];
	[sflag:s23] =	ssyncadd.s32 $0xFFFFFFFF  }
0xa5: {  	s26 =	simm.s32 $execute0_lowered;
	[smem:$0x3FD2] =	sst s25  }
0xa6: {  	s4 =	sshll.u32 s26, $0x1;
	_ =	strace $0x8000004F;
	[dreg:$0x1] =	wrdreg $0xFFFFFFFF  }
0xa7: {  	s28 =	simm.s32 $_size_execute0_lowered;
	s2 =	sadd.s32 s2, s4;
	[dreg:$0x0] =	wrdreg $0x0  }
0xa8: {  	s4 =	sshll.u32 s28, $0x1;
	[dreg:$0x2] =	wrdreg s2  }
0xa9: {  	[dreg:$0x3] =	wrdreg s4  }
0xaa: {  	[dreg:$0x4] =	wrdreg $0xC0  }
0xab: {  	_ =	task [dreg:s6], $0x5FFFF  }
0xac: {  	[dreg:$0x1] =	wrdreg $0xFFFFFFFF  }
0xad: {  	[dreg:$0x0] =	wrdreg $0x60  }
0xae: {  	[dreg:$0x2] =	wrdreg s24  }
0xaf: {  	[dreg:$0x3] =	wrdreg $0x90000  }
0xb0: {  	[dreg:$0x4] =	wrdreg $0x9  }
0xb1: {  	_ =	task.clear_ibuf [dreg:s6], $0x5FFFF;
	_ =	strace $0x9000004F  }
0xb2: {  	s29 =	simm.s32 $0x9;
	_ =	strace $0x80000051  }
0xb3: {  	_ =	swait.ge [sflag:s29], $0x1  }
0xb4: {  	[sflag:s29] =	ssyncadd.s32 $0xFFFFFFFF  }
0xb5: {  	_ =	strace $0x90000051  }
0xb6: {  	_ =	sfence  }
0xb7: {  	s30 =	sld [smem:$0x0];
	_ =	sdelay $0x2  }
0xb8: {  	s31 =	sshll.u32 s1, $0xD;
	s1 =	sshrl.u32 s1, $0x2  }
0xb9: {  	s3 =	sand.u32 $0x4000, s31;
	s1 =	sadd.s32 s1, s30  }
0xba: {  	s0 =	sor.u32 s3, s0;
	s1 =	sshll.u32 s1, $0x11  }
0xbb: {  	s0 =	sor.u32 s1, s0  }
0xbc: {  	s0 =	sadd.s32 $0x8F2B, s0  }
0xbd: {  	[sflag:s0] =	ssyncadd.remote.s32 $0x1  }
0xbe: {  	_ =	sfence.sel $0xFFFF  }
0xbf: {  	[dreg:$0x0] =	wrdreg $0xFFFFFFFF;
	(pc) =	sbr.abs _section_cstart, $3  }
0xc0: {  	[dreg:$0x1] =	wrdreg $0xFFFFFFFF  }
0xc1: {  	_ =	task.clear_ibuf [dreg:s6], $0x2FFFF;
	_ =	strace $0x9FFFFFFF  }
0xc2: {  	(tm) =	ssettm $0x7FFFFFFF  }
0xc3: {  	_ =	shalt  }
tec
execute0_lowered:
.L_overlay_start_1:
0x0: {  	(tag) =	ssettag $0x1  }
0x1: {  	s0 =	srdreg.scid;
	s6 =	rddreg [dreg:$0x0]  }
0x2: {  	s2 =	rddreg [dreg:$0x1];
	s3 =	simm.s32 $0x0;
	s14 =	simm.s32 $0x80  }
0x3: {  	s15 =	simm.s32 $0x5000;
	s5 =	sand.u32 $0x1, s0;
	s0 =	stileid.u32  }
0x4: {  	s16 =	simm.s32 $0x1;
	s17 =	simm.s32 $0x0;
	s8 =	smul.u32 $0x14000, s0  }
0x5: {  	[smem:$0x7FF] =	sst s3;
	s1 =	sshll.u32 s5, $0x4;
	s9 =	smul.u32 $0x140000, s5  }
0x6: {  	s5 =	ssub.s32 $0x2, s5;
	s29 =	smul.u32 $0x50000, s0;
	s31 =	sshll.u32 s0, $0x6  }
0x7: {  	s4 =	sor.u32 s0, s1;
	s1 =	rddreg [dreg:$0x2];
	_ =	strace $0x80000050  }
0x8: {  	s11 =	sshrl.u32 s5, $0x1;
	s7 =	smul.u32 $0x500, s4;
	s4 =	sadd.s32 $0x38200, s6  }
0x9: {  	s28 =	sshrl.u32 s8, $0x3;
	s8 =	sadd.s32 s8, s9;
	s30 =	sshrl.u32 s29, $0x2  }
0xa: {  	s11 =	ssub.s32 s5, s11;
	s8 =	sshrl.u32 s8, $0x3;
	s13 =	sadd.s32 s30, s2  }
0xb: {  	s10 =	sadd.s32 s7, s6;
	s7 =	sadd.s32 s28, s6;
	s12 =	sadd.s32 s8, s6  }
0xc: {  	s6 =	sor.u32 $0x1C02, s31;
	s5 =	sadd.s32 $0x10200, s7;
	s7 =	sadd.s32 $0x88200, s10  }
0xd: {  	s8 =	sadd.s32 $0x6200, s10;
	s9 =	sadd.s32 $0x92200, s12;
	s10 =	smax.u32 s11, $0x1  }
0xe: {  	s11 =	sshrl.u32 s13, $0x3;
	s12 =	simm.s32 $0x2;
	s13 =	simm.s32 $0x2800  }
.LBB2_1:
0xf: {  	[spmem:s11], [sflag:s6] =	dma.local [hbm:s5], $0x2800  }
0x10: {  	_ =	swait.ge [sflag:s12], $0x2800  }
0x11: {  	[sflag:s12] =	ssyncset.done $0x0  }
0x12: {  	[sflag:s12] =	ssyncadd.s32 $0xFFFFD800  }
0x13: {  	[tilespmem:s3], [sflag:$0x2] =	stream.linear.gather [hbm4b:s7+s3], $0x2780, $0x38;
	[tilespmem:$0x1D000] =	vst v63  }
0x14: {  	_ =	swait.ge [sflag:s12], $0x2780  }
0x15: {  	[sflag:s12] =	ssyncset.done $0x0  }
0x16: {  	[sflag:s12] =	ssyncadd.s32 $0xFFFFD880  }
0x17: {  	[tilespmem:s13], [sflag:$0x2] =	stream.linear.gather [hbm4b:s8+s3], $0x2780, $0x38;
	[tilespmem:$0x1D000] =	vst v63  }
0x18: {  	_ =	swait.ge [sflag:s12], $0x2780  }
0x19: {  	[sflag:s12] =	ssyncset.done $0x0  }
0x1a: {  	[sflag:s12] =	ssyncadd.s32 $0xFFFFD880  }
0x1b: {  	s18 =	simm.s32 $0x0;
	[bflag:$0x0] =	sbarrier.arrive $0xFFFF  }
0x1c: {  	[tilespmem:s15], [sflag:$0x1] =	stream.indirect.gather [hbm4b:s4+s14], $0x80, s18, s14, $0xb8;
	[tilespmem:$0x1D000] =	vst v63  }
0x1d: {  	_ =	swait.ge [sflag:s16], $0x4000  }
0x1e: {  	[sflag:s16] =	ssyncset.done $0x0  }
0x1f: {  	s31 =	simm.s32 $0x2800;
	[sflag:s16] =	ssyncadd.s32 $0xFFFFC000  }
0x20: {  	[spmem:s2] =	stream.indirect.scatter.add.f32 [tilespmem:s15], [sflag:$0x2], $0x80, s31, s14, $0xb8;
	[tilespmem:$0x1D000] =	vst v63  }
0x21: {  	_ =	swait.ge [sflag:s12], $0x4000  }
0x22: {  	s19 =	simm.s32 $0x400;
	s18 =	simm.s32 $0x200;
	[sflag:s12] =	ssyncset.done $0x0  }
.LBB2_2:
0x23: {  	s20 =	sshra.s32 s18, $0x2  }
0x24: {  	[sflag:s12] =	ssyncadd.s32 $0xFFFFC000;
	s18 =	smov.u32 s19;
	s21 =	sadd.s32 $0x200, s19  }
0x25: {  	[tilespmem:s15], [sflag:$0x1] =	stream.indirect.gather [hbm4b:s4+s14], $0x80, s20, s14, $0xb8;
	[tilespmem:$0x1D000] =	vst v63  }
0x26: {  	p0 =	sne.s32 s19, $0x9C00;
	_ =	swait.ge [sflag:s16], $0x4000  }
.Ltmp0:
0x27: {  	[sflag:s16] =	ssyncset.done $0x0;
	(pc) =	sbr.rel @p0 .LBB2_2-.Ltmp0, $4  }
0x28: {  	s19 =	sadd.s32 $0x2800, s20;
	[sflag:s16] =	ssyncadd.s32 $0xFFFFC000  }
0x29: {  	[spmem:s2] =	stream.indirect.scatter.add.f32 [tilespmem:s15], [sflag:$0x2], $0x80, s19, s14, $0xb8;
	[tilespmem:$0x1D000] =	vst v63  }
0x2a: {  	_ =	swait.ge [sflag:s12], $0x4000  }
0x2b: {  	s19 =	smov.u32 s21;
	[sflag:s12] =	ssyncset.done $0x0  }
0x2c: {  	s18 =	sshra.s32 s18, $0x2;
	[sflag:s12] =	ssyncadd.s32 $0xFFFFC000  }
0x2d: {  	[tilespmem:s15], [sflag:$0x1] =	stream.indirect.gather [hbm4b:s4+s14], $0x80, s18, s14, $0xb8;
	[tilespmem:$0x1D000] =	vst v63  }
0x2e: {  	_ =	swait.ge [sflag:s16], $0x4000  }
0x2f: {  	[sflag:s16] =	ssyncset.done $0x0  }
0x30: {  	s18 =	sadd.s32 $0x2800, s18;
	[sflag:s16] =	ssyncadd.s32 $0xFFFFC000  }
0x31: {  	[spmem:s2] =	stream.indirect.scatter.add.f32 [tilespmem:s15], [sflag:$0x2], $0x80, s18, s14, $0xb8;
	[tilespmem:$0x1D000] =	vst v63  }
0x32: {  	_ =	swait.ge [sflag:s12], $0x4000  }
0x33: {  	s17 =	sadd.s32 $0x1, s17;
	[sflag:s12] =	ssyncset.done $0x0  }
0x34: {  	p0 =	sne.s32 s17, s10;
	[sflag:s12] =	ssyncadd.s32 $0xFFFFC000  }
.Ltmp1:
0x35: {  	[bflag:$0x0] =	sbarrier.arrive $0xFFFF;
	(pc) =	sbr.rel @p0 .LBB2_1-.Ltmp1, $4  }
0x36: {  	[hbm:s9], [sflag:s6] =	dma.local [spmem:s11], $0x2800  }
0x37: {  	_ =	swait.ge [sflag:s12], $0x2800  }
0x38: {  	[sflag:s12] =	ssyncset.done $0x0  }
0x39: {  	[sflag:s12] =	ssyncadd.s32 $0xFFFFD800  }
0x3a: {  	_ =	sfence.sel $0x180000  }
0x3b: {  	[bflag:$0x0] =	sbarrier.arrive $0xFFFF  }
0x3c: {  	p0 =	sne.s32 s0, $0x0;
	_ =	strace $0x90000050  }
0x3d: {  	s0 =	sadd.s32 @!p0 $0x100000, s1;
	[bflag:$0x2] =	sbarrier.arrive $0xFFFF  }
0x3e: {  	[sflag:s0] =	ssyncadd.tile.s32 @!p0 $0x1;
	_ =	shalt  }
.Lfunc_end2:
_tile_overlayer_lowered:
.L_overlay_start_2:
0x3f: {  	(tag) =	ssettag $0x2  }
0x40: {  	s0 =	rddreg [dreg:$0x0];
	s2 =	stileid.u32  }
0x41: {  	s1 =	rddreg [dreg:$0x1];
	p0 =	sne.s32 s2, $0x0  }
0x42: {  	s3 =	rddreg [dreg:$0x2];
	[bflag:$0x3] =	sbarrier.arrive $0xFFFF;
	s2 =	simm.s32 @!p0 $0x1C02  }
0x43: {  	[timem:s3], [sflag:s2] =	dma.local @!p0 [hbm:s0], s1  }
0x44: {  	s0 =	simm.s32 @!p0 $0x2  }
0x45: {  	_ =	swait.ge @!p0 [sflag:s0], s1  }
0x46: {  	s1 =	ssub.s32 @!p0 $0x0, s1;
	[sflag:s0] =	ssyncset.done @!p0 $0x0  }
0x47: {  	[sflag:s0] =	ssyncadd.s32 @!p0 s1  }
0x48: {  	[bflag:$0x3] =	sbarrier.arrive $0xFFFF  }
0x49: {  	_ =	shalt  }

// kernel: kernel.28.cloned.1.call-start
scs
__scs_entry_jumppad:
0x0: {  	(pc) =	sbr.rel $0x88, $3  }
0x1: {  	(tag) =	ssettag $0x0;
	lr =	simm.s32 $0x1  }
0x2: {  	[smem:$0x3F92] =	sst lr;
	_ =	strace $0xD0000000  }
0x3: {  	_ = 	snop  }
0x4: {  	_ = 	snop  }
0x5: {  	_ = 	snop  }
0x6: {  	_ = 	snop  }
0x7: {  	_ = 	snop  }
__scs_overlays_trampoline_lowered:
0x8: {  	[smem:$0x3FA1] =	sst s0  }
0x9: {  	[smem:$0x3FA2] =	sst s1  }
0xa: {  	[smem:$0x3FA3] =	sst s2  }
0xb: {  	[smem:$0x3FA4] =	sst s3  }
0xc: {  	[smem:$0x3FA5] =	sst s4  }
0xd: {  	[smem:$0x3FA6] =	sst s5  }
0xe: {  	[smem:$0x3FA7] =	sst s6  }
0xf: {  	[smem:$0x3FA8] =	sst s7  }
0x10: {  	[smem:$0x3FA9] =	sst s8  }
0x11: {  	[smem:$0x3FAA] =	sst s9;
	s0 =	simm.s32 @!p0 $0x0  }
0x12: {  	s1 =	sld [smem:$0x3F90];
	s0 =	simm.s32 @p0 $0x1  }
0x13: {  	[smem:$0x3FAB] =	sst s0;
	s0 =	simm.s32 @!p1 $0x0  }
0x14: {  	s2 =	sld [smem:$0x3F8F];
	s0 =	simm.s32 @p1 $0x1  }
0x15: {  	[smem:$0x3FAC] =	sst s0;
	s0 =	simm.s32 @!p2 $0x0  }
0x16: {  	s3 =	sld [smem:$0x3FDB];
	s0 =	simm.s32 @p2 $0x1  }
0x17: {  	s4 =	simm.s32 $0x1BF5;
	[smem:$0x3FAE] =	sst s0  }
0x18: {  	s0 =	sld [smem:$0x3F91];
	_ =	swait.ge [sflag:s4], $0x0  }
0x19: {  	s7 =	sld [smem:$0x3F92]  }
0x1a: {  	s8 =	sadd.s32 $0xFFFFE003, lr  }
0x1b: {  	s9 =	sadd.s32 $0xFFFFFEF7, lr;
	s5 =	simm.s32 $0xFFFFFFFF;
	p2 =	slt.u32 s8, $0xFFFFF086  }
0x1c: {  	p1 =	slt.u32 s9, $0xF7A;
	s5 =	simm.s32 @!p2 $0x0  }
0x1d: {  	s5 =	simm.s32 @p1 $0x1;
	p0 =	seq.s32 s7, s2  }
0x1e: {  	s7 =	smul.u32 @!p0 $0xF7A, s2;
	p2 =	seq.s32 @!p0 s5, $0x0  }
0x1f: {  	s9 =	smul.u32 $0xF7A, s1;
	s8 =	simm.s32 @!p0 $0x1BF5;
	p2 =	por !p2, p0  }
0x20: {  	[sflag:s8] =	ssyncset.s32 @!p0 $0xFFFFF086;
	s6 =	sadd.s32 @!p0 s3, s7;
	s7 =	simm.s32 @!p0 $0x108  }
0x21: {  	s3 =	sadd.s32 s3, s9;
	s6 =	sadd.s32 @!p0 $0x88, s6;
	s7 =	simm.s32 @p2 $0x1082  }
0x22: {  	[simem:s7], [sflag:s8] =	dma.local @!p0 [hbm:s6], $0xF7A  }
0x23: {  	s9 =	sor.u32 $0xD0000000, s2;
	s6 =	simm.s32 $0x108;
	_ =	swait.ge @!p0 [sflag:s8], $0x0  }
0x24: {  	s3 =	sadd.s32 $0x88, s3;
	s6 =	simm.s32 @!p1 $0x1082;
	[sflag:s4] =	ssyncset.s32 $0xFFFFF086  }
0x25: {  	[simem:s6], [sflag:s4] =	dma.local [hbm:s3], $0xF7A  }
0x26: {  	[smem:$0x3F92] =	sst s1;
	(tag) =	ssettag s2;
	_ =	strace s9  }
0x27: {  	s1 =	sld [smem:$0x3FA2]  }
0x28: {  	s2 =	sld [smem:$0x3FA3]  }
0x29: {  	s4 =	sld [smem:$0x3FA5]  }
0x2a: {  	p0 =	seq.s32 s5, $0x0;
	s5 =	sld [smem:$0x3FA6]  }
0x2b: {  	s6 =	sld [smem:$0x3FA7]  }
0x2c: {  	s7 =	sld [smem:$0x3FA8]  }
0x2d: {  	s3 =	simm.s32 $0x108;
	s8 =	sld [smem:$0x3FA9]  }
0x2e: {  	s3 =	simm.s32 @!p0 $0x1082;
	s9 =	sld [smem:$0x3FAA]  }
0x2f: {  	lr =	sadd.s32 s0, s3;
	s0 =	sld [smem:$0x3FA1]  }
0x30: {  	s3 =	sld [smem:$0x3FA4]  }
0x31: {  	[smem:$0x3FAD] =	sst s10  }
0x32: {  	s10 =	sld [smem:$0x3FAB];
	_ =	sdelay $0x3  }
0x33: {  	p0 =	seq.s32 s10, $0x1;
	s10 =	sld [smem:$0x3FAD];
	_ =	sdelay $0x3  }
0x34: {  	[smem:$0x3FAD] =	sst s10  }
0x35: {  	s10 =	sld [smem:$0x3FAC];
	_ =	sdelay $0x3  }
0x36: {  	p1 =	seq.s32 s10, $0x1;
	s10 =	sld [smem:$0x3FAD];
	_ =	sdelay $0x3  }
0x37: {  	[smem:$0x3FAD] =	sst s10  }
0x38: {  	s10 =	sld [smem:$0x3FAE]  }
0x39: {  	_ = 	snop;
	(pc) =	sbr.ind lr, $3  }
0x3a: {  	_ = 	snop  }
0x3b: {  	_ = 	snop  }
0x3c: {  	p2 =	seq.s32 s10, $0x1;
	s10 =	sld [smem:$0x3FAD]  }
0x3d: {  	_ =	shalt  }
0x3e: {  	_ =	shalt  }
0x3f: {  	_ =	shalt  }
0x40: {  	_ =	shalt  }
0x41: {  	_ =	shalt  }
0x42: {  	_ =	shalt  }
0x43: {  	_ =	shalt  }
0x44: {  	_ =	shalt  }
0x45: {  	_ =	shalt  }
0x46: {  	_ =	shalt  }
0x47: {  	_ =	shalt  }
0x48: {  	_ =	shalt  }
0x49: {  	_ =	shalt  }
0x4a: {  	_ =	shalt  }
0x4b: {  	_ =	shalt  }
0x4c: {  	_ =	shalt  }
0x4d: {  	_ =	shalt  }
0x4e: {  	_ =	shalt  }
0x4f: {  	_ =	shalt  }
0x50: {  	_ =	shalt  }
0x51: {  	_ =	shalt  }
0x52: {  	_ =	shalt  }
0x53: {  	_ =	shalt  }
0x54: {  	_ =	shalt  }
0x55: {  	_ =	shalt  }
0x56: {  	_ =	shalt  }
0x57: {  	_ =	shalt  }
0x58: {  	_ =	shalt  }
0x59: {  	_ =	shalt  }
0x5a: {  	_ =	shalt  }
0x5b: {  	_ =	shalt  }
0x5c: {  	_ =	shalt  }
0x5d: {  	_ =	shalt  }
0x5e: {  	_ =	shalt  }
0x5f: {  	_ =	shalt  }
0x60: {  	_ =	shalt  }
0x61: {  	_ =	shalt  }
0x62: {  	_ =	shalt  }
0x63: {  	_ =	shalt  }
0x64: {  	_ =	shalt  }
0x65: {  	_ =	shalt  }
0x66: {  	_ =	shalt  }
0x67: {  	_ =	shalt  }
0x68: {  	_ =	shalt  }
0x69: {  	_ =	shalt  }
0x6a: {  	_ =	shalt  }
0x6b: {  	_ =	shalt  }
0x6c: {  	_ =	shalt  }
0x6d: {  	_ =	shalt  }
0x6e: {  	_ =	shalt  }
0x6f: {  	_ =	shalt  }
0x70: {  	_ =	shalt  }
0x71: {  	_ =	shalt  }
0x72: {  	_ =	shalt  }
0x73: {  	_ =	shalt  }
0x74: {  	_ =	shalt  }
0x75: {  	_ =	shalt  }
0x76: {  	_ =	shalt  }
0x77: {  	_ =	shalt  }
0x78: {  	_ =	shalt  }
0x79: {  	_ =	shalt  }
0x7a: {  	_ =	shalt  }
0x7b: {  	_ =	shalt  }
0x7c: {  	_ =	shalt  }
0x7d: {  	_ =	shalt  }
0x7e: {  	_ =	shalt  }
0x7f: {  	_ =	shalt  }
0x80: {  	_ =	shalt  }
0x81: {  	_ =	shalt  }
0x82: {  	_ =	shalt  }
0x83: {  	_ =	shalt  }
0x84: {  	_ =	shalt  }
0x85: {  	_ =	shalt  }
0x86: {  	_ =	shalt  }
0x87: {  	_ =	shalt  }
.Lfunc_end0:
.L_simem_size_0:
called_computation.4_lowered:
.L_overlay_start_0:
0x88: {  	s2 =	sld [smem:$0x3FD9]  }
0x89: {  	s3 =	sld [smem:$0x3FFE];
	_ =	sdelay $0x1  }
0x8a: {  	s1 =	srdreg.scid  }
0x8b: {  	s0 =	sand.u32 $0x1, s1  }
0x8c: {  	s16 =	sshll.u32 s0, $0xA;
	s2 =	sadd.s32 s3, s2  }
0x8d: {  	s2 =	sadd.s32 s2, s16  }
0x8e: {  	[smem:$0x3FB9] =	sst s2  }
0x8f: {  	_ = 	snop  }
0x90: {  	(tm) =	ssettm $0x1  }
0x91: {  	s17 =	sld [smem:$0x3FFB];
	_ =	sdelay $0x3  }
0x92: {  	_ =	strace s17  }
0x93: {  	s2 =	sld [smem:$0x3FFC];
	_ =	sdelay $0x3  }
0x94: {  	_ =	strace s2  }
0x95: {  	s2 =	sld [smem:$0x3FFD];
	_ =	sdelay $0x3  }
0x96: {  	_ =	strace s2  }
0x97: {  	_ =	strace $0x8FFFFFFF  }
0x98: {  	s18 =	sld [smem:$0x3FDB];
	_ =	sdelay $0x1  }
0x99: {  	s19 =	simm.s32 $_scs_section_size  }
0x9a: {  	s4 =	simm.s32 $_size__tile_overlayer_lowered;
	s5 =	simm.s32 $_tile_overlayer_lowered  }
0x9b: {  	s22 =	simm.s32 $0x1BFF;
	s21 =	sshll.u32 s5, $0x1;
	s2 =	sadd.s32 s19, s18  }
0x9c: {  	s6 =	simm.s32 $0x0;
	s20 =	sshll.u32 s4, $0x1;
	s4 =	sadd.s32 s21, s2  }
0x9d: {  	[timem:s6], [sflag:s22] =	dma.local [hbm:s4], s20  }
0x9e: {  	_ =	swait.ge [sflag:s22], s20  }
0x9f: {  	s3 =	ssub.s32 $0x0, s20;
	[sflag:s22] =	ssyncset.done $0x0  }
0xa0: {  	[sflag:s22] =	ssyncadd.s32 s3;
	_ =	sdelay $0x1  }
0xa1: {  	s23 =	simm.s32 $0x1B8B  }
0xa2: {  	_ =	swait.ge [sflag:s23], $0x1  }
0xa3: {  	[sflag:s23] =	ssyncset.done $0x0  }
0xa4: {  	s25 =	simm.s32 $0x1B8E;
	s24 =	sld [smem:$0x3FFE];
	[sflag:s23] =	ssyncadd.s32 $0xFFFFFFFF  }
0xa5: {  	s26 =	simm.s32 $execute0_lowered;
	[smem:$0x3FD2] =	sst s25  }
0xa6: {  	s4 =	sshll.u32 s26, $0x1;
	_ =	strace $0x80000052;
	[dreg:$0x1] =	wrdreg $0xFFFFFFFF  }
0xa7: {  	s28 =	simm.s32 $_size_execute0_lowered;
	s2 =	sadd.s32 s2, s4;
	[dreg:$0x0] =	wrdreg $0x0  }
0xa8: {  	s4 =	sshll.u32 s28, $0x1;
	[dreg:$0x2] =	wrdreg s2  }
0xa9: {  	[dreg:$0x3] =	wrdreg s4  }
0xaa: {  	[dreg:$0x4] =	wrdreg $0xC0  }
0xab: {  	_ =	task [dreg:s6], $0x5FFFF  }
0xac: {  	[dreg:$0x1] =	wrdreg $0xFFFFFFFF  }
0xad: {  	[dreg:$0x0] =	wrdreg $0x60  }
0xae: {  	[dreg:$0x2] =	wrdreg s24  }
0xaf: {  	[dreg:$0x3] =	wrdreg $0x90000  }
0xb0: {  	[dreg:$0x4] =	wrdreg $0x9  }
0xb1: {  	_ =	task.clear_ibuf [dreg:s6], $0x5FFFF;
	_ =	strace $0x90000052  }
0xb2: {  	s29 =	simm.s32 $0x9;
	_ =	strace $0x80000054  }
0xb3: {  	_ =	swait.ge [sflag:s29], $0x1  }
0xb4: {  	[sflag:s29] =	ssyncadd.s32 $0xFFFFFFFF  }
0xb5: {  	_ =	strace $0x90000054  }
0xb6: {  	_ =	sfence  }
0xb7: {  	s30 =	sld [smem:$0x0];
	_ =	sdelay $0x2  }
0xb8: {  	s31 =	sshll.u32 s1, $0xD;
	s1 =	sshrl.u32 s1, $0x2  }
0xb9: {  	s3 =	sand.u32 $0x4000, s31;
	s1 =	sadd.s32 s1, s30  }
0xba: {  	s0 =	sor.u32 s3, s0;
	s1 =	sshll.u32 s1, $0x11  }
0xbb: {  	s0 =	sor.u32 s1, s0  }
0xbc: {  	s0 =	sadd.s32 $0x8F2B, s0  }
0xbd: {  	[sflag:s0] =	ssyncadd.remote.s32 $0x1  }
0xbe: {  	_ =	sfence.sel $0xFFFF  }
0xbf: {  	[dreg:$0x0] =	wrdreg $0xFFFFFFFF;
	(pc) =	sbr.abs _section_cstart, $3  }
0xc0: {  	[dreg:$0x1] =	wrdreg $0xFFFFFFFF  }
0xc1: {  	_ =	task.clear_ibuf [dreg:s6], $0x2FFFF;
	_ =	strace $0x9FFFFFFF  }
0xc2: {  	(tm) =	ssettm $0x7FFFFFFF  }
0xc3: {  	_ =	shalt  }
tec
execute0_lowered:
.L_overlay_start_1:
0x0: {  	(tag) =	ssettag $0x1  }
0x1: {  	s0 =	srdreg.scid;
	s6 =	rddreg [dreg:$0x0]  }
0x2: {  	s2 =	rddreg [dreg:$0x1];
	s3 =	simm.s32 $0x0;
	s14 =	simm.s32 $0x80  }
0x3: {  	s15 =	simm.s32 $0x5000;
	s5 =	sand.u32 $0x1, s0;
	s0 =	stileid.u32  }
0x4: {  	s16 =	simm.s32 $0x1;
	s17 =	simm.s32 $0x0;
	s8 =	smul.u32 $0x14000, s0  }
0x5: {  	[smem:$0x7FF] =	sst s3;
	s1 =	sshll.u32 s5, $0x4;
	s9 =	smul.u32 $0x140000, s5  }
0x6: {  	s5 =	ssub.s32 $0x2, s5;
	s29 =	smul.u32 $0x50000, s0;
	s31 =	sshll.u32 s0, $0x6  }
0x7: {  	s4 =	sor.u32 s0, s1;
	s1 =	rddreg [dreg:$0x2];
	_ =	strace $0x80000053  }
0x8: {  	s11 =	sshrl.u32 s5, $0x1;
	s7 =	smul.u32 $0x500, s4;
	s4 =	sadd.s32 $0x38200, s6  }
0x9: {  	s28 =	sshrl.u32 s8, $0x3;
	s8 =	sadd.s32 s8, s9;
	s30 =	sshrl.u32 s29, $0x2  }
0xa: {  	s11 =	ssub.s32 s5, s11;
	s8 =	sshrl.u32 s8, $0x3;
	s13 =	sadd.s32 s30, s2  }
0xb: {  	s10 =	sadd.s32 s7, s6;
	s7 =	sadd.s32 s28, s6;
	s12 =	sadd.s32 s8, s6  }
0xc: {  	s6 =	sor.u32 $0x1C02, s31;
	s5 =	sadd.s32 $0x10200, s7;
	s7 =	sadd.s32 $0x88200, s10  }
0xd: {  	s8 =	sadd.s32 $0x6200, s10;
	s9 =	sadd.s32 $0x92200, s12;
	s10 =	smax.u32 s11, $0x1  }
0xe: {  	s11 =	sshrl.u32 s13, $0x3;
	s12 =	simm.s32 $0x2;
	s13 =	simm.s32 $0x2800  }
.LBB2_1:
0xf: {  	[spmem:s11], [sflag:s6] =	dma.local [hbm:s5], $0x2800  }
0x10: {  	_ =	swait.ge [sflag:s12], $0x2800  }
0x11: {  	[sflag:s12] =	ssyncset.done $0x0  }
0x12: {  	[sflag:s12] =	ssyncadd.s32 $0xFFFFD800  }
0x13: {  	[tilespmem:s3], [sflag:$0x2] =	stream.linear.gather [hbm4b:s7+s3], $0x2780, $0x38;
	[tilespmem:$0x1D000] =	vst v63  }
0x14: {  	_ =	swait.ge [sflag:s12], $0x2780  }
0x15: {  	[sflag:s12] =	ssyncset.done $0x0  }
0x16: {  	[sflag:s12] =	ssyncadd.s32 $0xFFFFD880  }
0x17: {  	[tilespmem:s13], [sflag:$0x2] =	stream.linear.gather [hbm4b:s8+s3], $0x2780, $0x38;
	[tilespmem:$0x1D000] =	vst v63  }
0x18: {  	_ =	swait.ge [sflag:s12], $0x2780  }
0x19: {  	[sflag:s12] =	ssyncset.done $0x0  }
0x1a: {  	[sflag:s12] =	ssyncadd.s32 $0xFFFFD880  }
0x1b: {  	s18 =	simm.s32 $0x0;
	[bflag:$0x0] =	sbarrier.arrive $0xFFFF  }
0x1c: {  	[tilespmem:s15], [sflag:$0x1] =	stream.indirect.gather [hbm4b:s4+s14], $0x80, s18, s14, $0xb8;
	[tilespmem:$0x1D000] =	vst v63  }
0x1d: {  	_ =	swait.ge [sflag:s16], $0x4000  }
0x1e: {  	[sflag:s16] =	ssyncset.done $0x0  }
0x1f: {  	s31 =	simm.s32 $0x2800;
	[sflag:s16] =	ssyncadd.s32 $0xFFFFC000  }
0x20: {  	[spmem:s2] =	stream.indirect.scatter.add.f32 [tilespmem:s15], [sflag:$0x2], $0x80, s31, s14, $0xb8;
	[tilespmem:$0x1D000] =	vst v63  }
0x21: {  	_ =	swait.ge [sflag:s12], $0x4000  }
0x22: {  	s19 =	simm.s32 $0x400;
	s18 =	simm.s32 $0x200;
	[sflag:s12] =	ssyncset.done $0x0  }
.LBB2_2:
0x23: {  	s20 =	sshra.s32 s18, $0x2  }
0x24: {  	[sflag:s12] =	ssyncadd.s32 $0xFFFFC000;
	s18 =	smov.u32 s19;
	s21 =	sadd.s32 $0x200, s19  }
0x25: {  	[tilespmem:s15], [sflag:$0x1] =	stream.indirect.gather [hbm4b:s4+s14], $0x80, s20, s14, $0xb8;
	[tilespmem:$0x1D000] =	vst v63  }
0x26: {  	p0 =	sne.s32 s19, $0x9C00;
	_ =	swait.ge [sflag:s16], $0x4000  }
.Ltmp0:
0x27: {  	[sflag:s16] =	ssyncset.done $0x0;
	(pc) =	sbr.rel @p0 .LBB2_2-.Ltmp0, $4  }
0x28: {  	s19 =	sadd.s32 $0x2800, s20;
	[sflag:s16] =	ssyncadd.s32 $0xFFFFC000  }
0x29: {  	[spmem:s2] =	stream.indirect.scatter.add.f32 [tilespmem:s15], [sflag:$0x2], $0x80, s19, s14, $0xb8;
	[tilespmem:$0x1D000] =	vst v63  }
0x2a: {  	_ =	swait.ge [sflag:s12], $0x4000  }
0x2b: {  	s19 =	smov.u32 s21;
	[sflag:s12] =	ssyncset.done $0x0  }
0x2c: {  	s18 =	sshra.s32 s18, $0x2;
	[sflag:s12] =	ssyncadd.s32 $0xFFFFC000  }
0x2d: {  	[tilespmem:s15], [sflag:$0x1] =	stream.indirect.gather [hbm4b:s4+s14], $0x80, s18, s14, $0xb8;
	[tilespmem:$0x1D000] =	vst v63  }
0x2e: {  	_ =	swait.ge [sflag:s16], $0x4000  }
0x2f: {  	[sflag:s16] =	ssyncset.done $0x0  }
0x30: {  	s18 =	sadd.s32 $0x2800, s18;
	[sflag:s16] =	ssyncadd.s32 $0xFFFFC000  }
0x31: {  	[spmem:s2] =	stream.indirect.scatter.add.f32 [tilespmem:s15], [sflag:$0x2], $0x80, s18, s14, $0xb8;
	[tilespmem:$0x1D000] =	vst v63  }
0x32: {  	_ =	swait.ge [sflag:s12], $0x4000  }
0x33: {  	s17 =	sadd.s32 $0x1, s17;
	[sflag:s12] =	ssyncset.done $0x0  }
0x34: {  	p0 =	sne.s32 s17, s10;
	[sflag:s12] =	ssyncadd.s32 $0xFFFFC000  }
.Ltmp1:
0x35: {  	[bflag:$0x0] =	sbarrier.arrive $0xFFFF;
	(pc) =	sbr.rel @p0 .LBB2_1-.Ltmp1, $4  }
0x36: {  	[hbm:s9], [sflag:s6] =	dma.local [spmem:s11], $0x2800  }
0x37: {  	_ =	swait.ge [sflag:s12], $0x2800  }
0x38: {  	[sflag:s12] =	ssyncset.done $0x0  }
0x39: {  	[sflag:s12] =	ssyncadd.s32 $0xFFFFD800  }
0x3a: {  	_ =	sfence.sel $0x180000  }
0x3b: {  	[bflag:$0x0] =	sbarrier.arrive $0xFFFF  }
0x3c: {  	p0 =	sne.s32 s0, $0x0;
	_ =	strace $0x90000053  }
0x3d: {  	s0 =	sadd.s32 @!p0 $0x100000, s1;
	[bflag:$0x2] =	sbarrier.arrive $0xFFFF  }
0x3e: {  	[sflag:s0] =	ssyncadd.tile.s32 @!p0 $0x1;
	_ =	shalt  }
.Lfunc_end2:
_tile_overlayer_lowered:
.L_overlay_start_2:
0x3f: {  	(tag) =	ssettag $0x2  }
0x40: {  	s0 =	rddreg [dreg:$0x0];
	s2 =	stileid.u32  }
0x41: {  	s1 =	rddreg [dreg:$0x1];
	p0 =	sne.s32 s2, $0x0  }
0x42: {  	s3 =	rddreg [dreg:$0x2];
	[bflag:$0x3] =	sbarrier.arrive $0xFFFF;
	s2 =	simm.s32 @!p0 $0x1C02  }
0x43: {  	[timem:s3], [sflag:s2] =	dma.local @!p0 [hbm:s0], s1  }
0x44: {  	s0 =	simm.s32 @!p0 $0x2  }
0x45: {  	_ =	swait.ge @!p0 [sflag:s0], s1  }
0x46: {  	s1 =	ssub.s32 @!p0 $0x0, s1;
	[sflag:s0] =	ssyncset.done @!p0 $0x0  }
0x47: {  	[sflag:s0] =	ssyncadd.s32 @!p0 s1  }
0x48: {  	[bflag:$0x3] =	sbarrier.arrive $0xFFFF  }
0x49: {  	_ =	shalt  }

// kernel: kernel.31.cloned.1.call-start
scs
__scs_entry_jumppad:
0x0: {  	(pc) =	sbr.rel $0x88, $3  }
0x1: {  	(tag) =	ssettag $0x0;
	lr =	simm.s32 $0x1  }
0x2: {  	[smem:$0x3F92] =	sst lr;
	_ =	strace $0xD0000000  }
0x3: {  	_ = 	snop  }
0x4: {  	_ = 	snop  }
0x5: {  	_ = 	snop  }
0x6: {  	_ = 	snop  }
0x7: {  	_ = 	snop  }
__scs_overlays_trampoline_lowered:
0x8: {  	[smem:$0x3FA1] =	sst s0  }
0x9: {  	[smem:$0x3FA2] =	sst s1  }
0xa: {  	[smem:$0x3FA3] =	sst s2  }
0xb: {  	[smem:$0x3FA4] =	sst s3  }
0xc: {  	[smem:$0x3FA5] =	sst s4  }
0xd: {  	[smem:$0x3FA6] =	sst s5  }
0xe: {  	[smem:$0x3FA7] =	sst s6  }
0xf: {  	[smem:$0x3FA8] =	sst s7  }
0x10: {  	[smem:$0x3FA9] =	sst s8  }
0x11: {  	[smem:$0x3FAA] =	sst s9;
	s0 =	simm.s32 @!p0 $0x0  }
0x12: {  	s1 =	sld [smem:$0x3F90];
	s0 =	simm.s32 @p0 $0x1  }
0x13: {  	[smem:$0x3FAB] =	sst s0;
	s0 =	simm.s32 @!p1 $0x0  }
0x14: {  	s2 =	sld [smem:$0x3F8F];
	s0 =	simm.s32 @p1 $0x1  }
0x15: {  	[smem:$0x3FAC] =	sst s0;
	s0 =	simm.s32 @!p2 $0x0  }
0x16: {  	s3 =	sld [smem:$0x3FDB];
	s0 =	simm.s32 @p2 $0x1  }
0x17: {  	s4 =	simm.s32 $0x1BF5;
	[smem:$0x3FAE] =	sst s0  }
0x18: {  	s0 =	sld [smem:$0x3F91];
	_ =	swait.ge [sflag:s4], $0x0  }
0x19: {  	s7 =	sld [smem:$0x3F92]  }
0x1a: {  	s8 =	sadd.s32 $0xFFFFE003, lr  }
0x1b: {  	s9 =	sadd.s32 $0xFFFFFEF7, lr;
	s5 =	simm.s32 $0xFFFFFFFF;
	p2 =	slt.u32 s8, $0xFFFFF086  }
0x1c: {  	p1 =	slt.u32 s9, $0xF7A;
	s5 =	simm.s32 @!p2 $0x0  }
0x1d: {  	s5 =	simm.s32 @p1 $0x1;
	p0 =	seq.s32 s7, s2  }
0x1e: {  	s7 =	smul.u32 @!p0 $0xF7A, s2;
	p2 =	seq.s32 @!p0 s5, $0x0  }
0x1f: {  	s9 =	smul.u32 $0xF7A, s1;
	s8 =	simm.s32 @!p0 $0x1BF5;
	p2 =	por !p2, p0  }
0x20: {  	[sflag:s8] =	ssyncset.s32 @!p0 $0xFFFFF086;
	s6 =	sadd.s32 @!p0 s3, s7;
	s7 =	simm.s32 @!p0 $0x108  }
0x21: {  	s3 =	sadd.s32 s3, s9;
	s6 =	sadd.s32 @!p0 $0x88, s6;
	s7 =	simm.s32 @p2 $0x1082  }
0x22: {  	[simem:s7], [sflag:s8] =	dma.local @!p0 [hbm:s6], $0xF7A  }
0x23: {  	s9 =	sor.u32 $0xD0000000, s2;
	s6 =	simm.s32 $0x108;
	_ =	swait.ge @!p0 [sflag:s8], $0x0  }
0x24: {  	s3 =	sadd.s32 $0x88, s3;
	s6 =	simm.s32 @!p1 $0x1082;
	[sflag:s4] =	ssyncset.s32 $0xFFFFF086  }
0x25: {  	[simem:s6], [sflag:s4] =	dma.local [hbm:s3], $0xF7A  }
0x26: {  	[smem:$0x3F92] =	sst s1;
	(tag) =	ssettag s2;
	_ =	strace s9  }
0x27: {  	s1 =	sld [smem:$0x3FA2]  }
0x28: {  	s2 =	sld [smem:$0x3FA3]  }
0x29: {  	s4 =	sld [smem:$0x3FA5]  }
0x2a: {  	p0 =	seq.s32 s5, $0x0;
	s5 =	sld [smem:$0x3FA6]  }
0x2b: {  	s6 =	sld [smem:$0x3FA7]  }
0x2c: {  	s7 =	sld [smem:$0x3FA8]  }
0x2d: {  	s3 =	simm.s32 $0x108;
	s8 =	sld [smem:$0x3FA9]  }
0x2e: {  	s3 =	simm.s32 @!p0 $0x1082;
	s9 =	sld [smem:$0x3FAA]  }
0x2f: {  	lr =	sadd.s32 s0, s3;
	s0 =	sld [smem:$0x3FA1]  }
0x30: {  	s3 =	sld [smem:$0x3FA4]  }
0x31: {  	[smem:$0x3FAD] =	sst s10  }
0x32: {  	s10 =	sld [smem:$0x3FAB];
	_ =	sdelay $0x3  }
0x33: {  	p0 =	seq.s32 s10, $0x1;
	s10 =	sld [smem:$0x3FAD];
	_ =	sdelay $0x3  }
0x34: {  	[smem:$0x3FAD] =	sst s10  }
0x35: {  	s10 =	sld [smem:$0x3FAC];
	_ =	sdelay $0x3  }
0x36: {  	p1 =	seq.s32 s10, $0x1;
	s10 =	sld [smem:$0x3FAD];
	_ =	sdelay $0x3  }
0x37: {  	[smem:$0x3FAD] =	sst s10  }
0x38: {  	s10 =	sld [smem:$0x3FAE]  }
0x39: {  	_ = 	snop;
	(pc) =	sbr.ind lr, $3  }
0x3a: {  	_ = 	snop  }
0x3b: {  	_ = 	snop  }
0x3c: {  	p2 =	seq.s32 s10, $0x1;
	s10 =	sld [smem:$0x3FAD]  }
0x3d: {  	_ =	shalt  }
0x3e: {  	_ =	shalt  }
0x3f: {  	_ =	shalt  }
0x40: {  	_ =	shalt  }
0x41: {  	_ =	shalt  }
0x42: {  	_ =	shalt  }
0x43: {  	_ =	shalt  }
0x44: {  	_ =	shalt  }
0x45: {  	_ =	shalt  }
0x46: {  	_ =	shalt  }
0x47: {  	_ =	shalt  }
0x48: {  	_ =	shalt  }
0x49: {  	_ =	shalt  }
0x4a: {  	_ =	shalt  }
0x4b: {  	_ =	shalt  }
0x4c: {  	_ =	shalt  }
0x4d: {  	_ =	shalt  }
0x4e: {  	_ =	shalt  }
0x4f: {  	_ =	shalt  }
0x50: {  	_ =	shalt  }
0x51: {  	_ =	shalt  }
0x52: {  	_ =	shalt  }
0x53: {  	_ =	shalt  }
0x54: {  	_ =	shalt  }
0x55: {  	_ =	shalt  }
0x56: {  	_ =	shalt  }
0x57: {  	_ =	shalt  }
0x58: {  	_ =	shalt  }
0x59: {  	_ =	shalt  }
0x5a: {  	_ =	shalt  }
0x5b: {  	_ =	shalt  }
0x5c: {  	_ =	shalt  }
0x5d: {  	_ =	shalt  }
0x5e: {  	_ =	shalt  }
0x5f: {  	_ =	shalt  }
0x60: {  	_ =	shalt  }
0x61: {  	_ =	shalt  }
0x62: {  	_ =	shalt  }
0x63: {  	_ =	shalt  }
0x64: {  	_ =	shalt  }
0x65: {  	_ =	shalt  }
0x66: {  	_ =	shalt  }
0x67: {  	_ =	shalt  }
0x68: {  	_ =	shalt  }
0x69: {  	_ =	shalt  }
0x6a: {  	_ =	shalt  }
0x6b: {  	_ =	shalt  }
0x6c: {  	_ =	shalt  }
0x6d: {  	_ =	shalt  }
0x6e: {  	_ =	shalt  }
0x6f: {  	_ =	shalt  }
0x70: {  	_ =	shalt  }
0x71: {  	_ =	shalt  }
0x72: {  	_ =	shalt  }
0x73: {  	_ =	shalt  }
0x74: {  	_ =	shalt  }
0x75: {  	_ =	shalt  }
0x76: {  	_ =	shalt  }
0x77: {  	_ =	shalt  }
0x78: {  	_ =	shalt  }
0x79: {  	_ =	shalt  }
0x7a: {  	_ =	shalt  }
0x7b: {  	_ =	shalt  }
0x7c: {  	_ =	shalt  }
0x7d: {  	_ =	shalt  }
0x7e: {  	_ =	shalt  }
0x7f: {  	_ =	shalt  }
0x80: {  	_ =	shalt  }
0x81: {  	_ =	shalt  }
0x82: {  	_ =	shalt  }
0x83: {  	_ =	shalt  }
0x84: {  	_ =	shalt  }
0x85: {  	_ =	shalt  }
0x86: {  	_ =	shalt  }
0x87: {  	_ =	shalt  }
.Lfunc_end0:
.L_simem_size_0:
called_computation.5_lowered:
.L_overlay_start_0:
0x88: {  	s2 =	sld [smem:$0x3FD9]  }
0x89: {  	s3 =	sld [smem:$0x3FFE];
	_ =	sdelay $0x1  }
0x8a: {  	s1 =	srdreg.scid  }
0x8b: {  	s0 =	sand.u32 $0x1, s1  }
0x8c: {  	s16 =	sshll.u32 s0, $0xA;
	s2 =	sadd.s32 s3, s2  }
0x8d: {  	s2 =	sadd.s32 s2, s16  }
0x8e: {  	[smem:$0x3FB9] =	sst s2  }
0x8f: {  	_ = 	snop  }
0x90: {  	(tm) =	ssettm $0x1  }
0x91: {  	s17 =	sld [smem:$0x3FFB];
	_ =	sdelay $0x3  }
0x92: {  	_ =	strace s17  }
0x93: {  	s2 =	sld [smem:$0x3FFC];
	_ =	sdelay $0x3  }
0x94: {  	_ =	strace s2  }
0x95: {  	s2 =	sld [smem:$0x3FFD];
	_ =	sdelay $0x3  }
0x96: {  	_ =	strace s2  }
0x97: {  	_ =	strace $0x8FFFFFFF  }
0x98: {  	s18 =	sld [smem:$0x3FDB];
	_ =	sdelay $0x1  }
0x99: {  	s19 =	simm.s32 $_scs_section_size  }
0x9a: {  	s4 =	simm.s32 $_size__tile_overlayer_lowered;
	s5 =	simm.s32 $_tile_overlayer_lowered  }
0x9b: {  	s22 =	simm.s32 $0x1BFF;
	s21 =	sshll.u32 s5, $0x1;
	s2 =	sadd.s32 s19, s18  }
0x9c: {  	s6 =	simm.s32 $0x0;
	s20 =	sshll.u32 s4, $0x1;
	s4 =	sadd.s32 s21, s2  }
0x9d: {  	[timem:s6], [sflag:s22] =	dma.local [hbm:s4], s20  }
0x9e: {  	_ =	swait.ge [sflag:s22], s20  }
0x9f: {  	s3 =	ssub.s32 $0x0, s20;
	[sflag:s22] =	ssyncset.done $0x0  }
0xa0: {  	[sflag:s22] =	ssyncadd.s32 s3;
	_ =	sdelay $0x1  }
0xa1: {  	s23 =	simm.s32 $0x1B8B  }
0xa2: {  	_ =	swait.ge [sflag:s23], $0x1  }
0xa3: {  	[sflag:s23] =	ssyncset.done $0x0  }
0xa4: {  	s25 =	simm.s32 $0x1B8E;
	s24 =	sld [smem:$0x3FFE];
	[sflag:s23] =	ssyncadd.s32 $0xFFFFFFFF  }
0xa5: {  	s26 =	simm.s32 $execute0_lowered;
	[smem:$0x3FD2] =	sst s25  }
0xa6: {  	s4 =	sshll.u32 s26, $0x1;
	_ =	strace $0x80000055;
	[dreg:$0x1] =	wrdreg $0xFFFFFFFF  }
0xa7: {  	s28 =	simm.s32 $_size_execute0_lowered;
	s2 =	sadd.s32 s2, s4;
	[dreg:$0x0] =	wrdreg $0x0  }
0xa8: {  	s4 =	sshll.u32 s28, $0x1;
	[dreg:$0x2] =	wrdreg s2  }
0xa9: {  	[dreg:$0x3] =	wrdreg s4  }
0xaa: {  	[dreg:$0x4] =	wrdreg $0xC0  }
0xab: {  	_ =	task [dreg:s6], $0x5FFFF  }
0xac: {  	[dreg:$0x1] =	wrdreg $0xFFFFFFFF  }
0xad: {  	[dreg:$0x0] =	wrdreg $0x60  }
0xae: {  	[dreg:$0x2] =	wrdreg s24  }
0xaf: {  	[dreg:$0x3] =	wrdreg $0x90000  }
0xb0: {  	[dreg:$0x4] =	wrdreg $0x9  }
0xb1: {  	_ =	task.clear_ibuf [dreg:s6], $0x5FFFF;
	_ =	strace $0x90000055  }
0xb2: {  	s29 =	simm.s32 $0x9;
	_ =	strace $0x80000057  }
0xb3: {  	_ =	swait.ge [sflag:s29], $0x1  }
0xb4: {  	[sflag:s29] =	ssyncadd.s32 $0xFFFFFFFF  }
0xb5: {  	_ =	strace $0x90000057  }
0xb6: {  	_ =	sfence  }
0xb7: {  	s30 =	sld [smem:$0x0];
	_ =	sdelay $0x2  }
0xb8: {  	s31 =	sshll.u32 s1, $0xD;
	s1 =	sshrl.u32 s1, $0x2  }
0xb9: {  	s3 =	sand.u32 $0x4000, s31;
	s1 =	sadd.s32 s1, s30  }
0xba: {  	s0 =	sor.u32 s3, s0;
	s1 =	sshll.u32 s1, $0x11  }
0xbb: {  	s0 =	sor.u32 s1, s0  }
0xbc: {  	s0 =	sadd.s32 $0x8F2B, s0  }
0xbd: {  	[sflag:s0] =	ssyncadd.remote.s32 $0x1  }
0xbe: {  	_ =	sfence.sel $0xFFFF  }
0xbf: {  	[dreg:$0x0] =	wrdreg $0xFFFFFFFF;
	(pc) =	sbr.abs _section_cstart, $3  }
0xc0: {  	[dreg:$0x1] =	wrdreg $0xFFFFFFFF  }
0xc1: {  	_ =	task.clear_ibuf [dreg:s6], $0x2FFFF;
	_ =	strace $0x9FFFFFFF  }
0xc2: {  	(tm) =	ssettm $0x7FFFFFFF  }
0xc3: {  	_ =	shalt  }
tec
execute0_lowered:
.L_overlay_start_1:
0x0: {  	(tag) =	ssettag $0x1  }
0x1: {  	s0 =	srdreg.scid;
	s6 =	rddreg [dreg:$0x0]  }
0x2: {  	s2 =	rddreg [dreg:$0x1];
	s3 =	simm.s32 $0x0;
	s14 =	simm.s32 $0x80  }
0x3: {  	s15 =	simm.s32 $0x5000;
	s5 =	sand.u32 $0x1, s0;
	s0 =	stileid.u32  }
0x4: {  	s16 =	simm.s32 $0x1;
	s17 =	simm.s32 $0x0;
	s8 =	smul.u32 $0x14000, s0  }
0x5: {  	[smem:$0x7FF] =	sst s3;
	s1 =	sshll.u32 s5, $0x4;
	s9 =	smul.u32 $0x140000, s5  }
0x6: {  	s5 =	ssub.s32 $0x2, s5;
	s29 =	smul.u32 $0x50000, s0;
	s31 =	sshll.u32 s0, $0x6  }
0x7: {  	s4 =	sor.u32 s0, s1;
	s1 =	rddreg [dreg:$0x2];
	_ =	strace $0x80000056  }
0x8: {  	s11 =	sshrl.u32 s5, $0x1;
	s7 =	smul.u32 $0x500, s4;
	s4 =	sadd.s32 $0x38200, s6  }
0x9: {  	s28 =	sshrl.u32 s8, $0x3;
	s8 =	sadd.s32 s8, s9;
	s30 =	sshrl.u32 s29, $0x2  }
0xa: {  	s11 =	ssub.s32 s5, s11;
	s8 =	sshrl.u32 s8, $0x3;
	s13 =	sadd.s32 s30, s2  }
0xb: {  	s10 =	sadd.s32 s7, s6;
	s7 =	sadd.s32 s28, s6;
	s12 =	sadd.s32 s8, s6  }
0xc: {  	s6 =	sor.u32 $0x1C02, s31;
	s5 =	sadd.s32 $0x10200, s7;
	s7 =	sadd.s32 $0x88200, s10  }
0xd: {  	s8 =	sadd.s32 $0x6200, s10;
	s9 =	sadd.s32 $0x92200, s12;
	s10 =	smax.u32 s11, $0x1  }
0xe: {  	s11 =	sshrl.u32 s13, $0x3;
	s12 =	simm.s32 $0x2;
	s13 =	simm.s32 $0x2800  }
.LBB2_1:
0xf: {  	[spmem:s11], [sflag:s6] =	dma.local [hbm:s5], $0x2800  }
0x10: {  	_ =	swait.ge [sflag:s12], $0x2800  }
0x11: {  	[sflag:s12] =	ssyncset.done $0x0  }
0x12: {  	[sflag:s12] =	ssyncadd.s32 $0xFFFFD800  }
0x13: {  	[tilespmem:s3], [sflag:$0x2] =	stream.linear.gather [hbm4b:s7+s3], $0x2780, $0x38;
	[tilespmem:$0x1D000] =	vst v63  }
0x14: {  	_ =	swait.ge [sflag:s12], $0x2780  }
0x15: {  	[sflag:s12] =	ssyncset.done $0x0  }
0x16: {  	[sflag:s12] =	ssyncadd.s32 $0xFFFFD880  }
0x17: {  	[tilespmem:s13], [sflag:$0x2] =	stream.linear.gather [hbm4b:s8+s3], $0x2780, $0x38;
	[tilespmem:$0x1D000] =	vst v63  }
0x18: {  	_ =	swait.ge [sflag:s12], $0x2780  }
0x19: {  	[sflag:s12] =	ssyncset.done $0x0  }
0x1a: {  	[sflag:s12] =	ssyncadd.s32 $0xFFFFD880  }
0x1b: {  	s18 =	simm.s32 $0x0;
	[bflag:$0x0] =	sbarrier.arrive $0xFFFF  }
0x1c: {  	[tilespmem:s15], [sflag:$0x1] =	stream.indirect.gather [hbm4b:s4+s14], $0x80, s18, s14, $0xb8;
	[tilespmem:$0x1D000] =	vst v63  }
0x1d: {  	_ =	swait.ge [sflag:s16], $0x4000  }
0x1e: {  	[sflag:s16] =	ssyncset.done $0x0  }
0x1f: {  	s31 =	simm.s32 $0x2800;
	[sflag:s16] =	ssyncadd.s32 $0xFFFFC000  }
0x20: {  	[spmem:s2] =	stream.indirect.scatter.add.f32 [tilespmem:s15], [sflag:$0x2], $0x80, s31, s14, $0xb8;
	[tilespmem:$0x1D000] =	vst v63  }
0x21: {  	_ =	swait.ge [sflag:s12], $0x4000  }
0x22: {  	s19 =	simm.s32 $0x400;
	s18 =	simm.s32 $0x200;
	[sflag:s12] =	ssyncset.done $0x0  }
.LBB2_2:
0x23: {  	s20 =	sshra.s32 s18, $0x2  }
0x24: {  	[sflag:s12] =	ssyncadd.s32 $0xFFFFC000;
	s18 =	smov.u32 s19;
	s21 =	sadd.s32 $0x200, s19  }
0x25: {  	[tilespmem:s15], [sflag:$0x1] =	stream.indirect.gather [hbm4b:s4+s14], $0x80, s20, s14, $0xb8;
	[tilespmem:$0x1D000] =	vst v63  }
0x26: {  	p0 =	sne.s32 s19, $0x9C00;
	_ =	swait.ge [sflag:s16], $0x4000  }
.Ltmp0:
0x27: {  	[sflag:s16] =	ssyncset.done $0x0;
	(pc) =	sbr.rel @p0 .LBB2_2-.Ltmp0, $4  }
0x28: {  	s19 =	sadd.s32 $0x2800, s20;
	[sflag:s16] =	ssyncadd.s32 $0xFFFFC000  }
0x29: {  	[spmem:s2] =	stream.indirect.scatter.add.f32 [tilespmem:s15], [sflag:$0x2], $0x80, s19, s14, $0xb8;
	[tilespmem:$0x1D000] =	vst v63  }
0x2a: {  	_ =	swait.ge [sflag:s12], $0x4000  }
0x2b: {  	s19 =	smov.u32 s21;
	[sflag:s12] =	ssyncset.done $0x0  }
0x2c: {  	s18 =	sshra.s32 s18, $0x2;
	[sflag:s12] =	ssyncadd.s32 $0xFFFFC000  }
0x2d: {  	[tilespmem:s15], [sflag:$0x1] =	stream.indirect.gather [hbm4b:s4+s14], $0x80, s18, s14, $0xb8;
	[tilespmem:$0x1D000] =	vst v63  }
0x2e: {  	_ =	swait.ge [sflag:s16], $0x4000  }
0x2f: {  	[sflag:s16] =	ssyncset.done $0x0  }
0x30: {  	s18 =	sadd.s32 $0x2800, s18;
	[sflag:s16] =	ssyncadd.s32 $0xFFFFC000  }
0x31: {  	[spmem:s2] =	stream.indirect.scatter.add.f32 [tilespmem:s15], [sflag:$0x2], $0x80, s18, s14, $0xb8;
	[tilespmem:$0x1D000] =	vst v63  }
0x32: {  	_ =	swait.ge [sflag:s12], $0x4000  }
0x33: {  	s17 =	sadd.s32 $0x1, s17;
	[sflag:s12] =	ssyncset.done $0x0  }
0x34: {  	p0 =	sne.s32 s17, s10;
	[sflag:s12] =	ssyncadd.s32 $0xFFFFC000  }
.Ltmp1:
0x35: {  	[bflag:$0x0] =	sbarrier.arrive $0xFFFF;
	(pc) =	sbr.rel @p0 .LBB2_1-.Ltmp1, $4  }
0x36: {  	[hbm:s9], [sflag:s6] =	dma.local [spmem:s11], $0x2800  }
0x37: {  	_ =	swait.ge [sflag:s12], $0x2800  }
0x38: {  	[sflag:s12] =	ssyncset.done $0x0  }
0x39: {  	[sflag:s12] =	ssyncadd.s32 $0xFFFFD800  }
0x3a: {  	_ =	sfence.sel $0x180000  }
0x3b: {  	[bflag:$0x0] =	sbarrier.arrive $0xFFFF  }
0x3c: {  	p0 =	sne.s32 s0, $0x0;
	_ =	strace $0x90000056  }
0x3d: {  	s0 =	sadd.s32 @!p0 $0x100000, s1;
	[bflag:$0x2] =	sbarrier.arrive $0xFFFF  }
0x3e: {  	[sflag:s0] =	ssyncadd.tile.s32 @!p0 $0x1;
	_ =	shalt  }
.Lfunc_end2:
_tile_overlayer_lowered:
.L_overlay_start_2:
0x3f: {  	(tag) =	ssettag $0x2  }
0x40: {  	s0 =	rddreg [dreg:$0x0];
	s2 =	stileid.u32  }
0x41: {  	s1 =	rddreg [dreg:$0x1];
	p0 =	sne.s32 s2, $0x0  }
0x42: {  	s3 =	rddreg [dreg:$0x2];
	[bflag:$0x3] =	sbarrier.arrive $0xFFFF;
	s2 =	simm.s32 @!p0 $0x1C02  }
0x43: {  	[timem:s3], [sflag:s2] =	dma.local @!p0 [hbm:s0], s1  }
0x44: {  	s0 =	simm.s32 @!p0 $0x2  }
0x45: {  	_ =	swait.ge @!p0 [sflag:s0], s1  }
0x46: {  	s1 =	ssub.s32 @!p0 $0x0, s1;
	[sflag:s0] =	ssyncset.done @!p0 $0x0  }
0x47: {  	[sflag:s0] =	ssyncadd.s32 @!p0 s1  }
0x48: {  	[bflag:$0x3] =	sbarrier.arrive $0xFFFF  }
0x49: {  	_ =	shalt  }

// kernel: kernel.34.cloned.1.call-start
scs
__scs_entry_jumppad:
0x0: {  	(pc) =	sbr.rel $0x88, $3  }
0x1: {  	(tag) =	ssettag $0x0;
	lr =	simm.s32 $0x1  }
0x2: {  	[smem:$0x3F92] =	sst lr;
	_ =	strace $0xD0000000  }
0x3: {  	_ = 	snop  }
0x4: {  	_ = 	snop  }
0x5: {  	_ = 	snop  }
0x6: {  	_ = 	snop  }
0x7: {  	_ = 	snop  }
__scs_overlays_trampoline_lowered:
0x8: {  	[smem:$0x3FA1] =	sst s0  }
0x9: {  	[smem:$0x3FA2] =	sst s1  }
0xa: {  	[smem:$0x3FA3] =	sst s2  }
0xb: {  	[smem:$0x3FA4] =	sst s3  }
0xc: {  	[smem:$0x3FA5] =	sst s4  }
0xd: {  	[smem:$0x3FA6] =	sst s5  }
0xe: {  	[smem:$0x3FA7] =	sst s6  }
0xf: {  	[smem:$0x3FA8] =	sst s7  }
0x10: {  	[smem:$0x3FA9] =	sst s8  }
0x11: {  	[smem:$0x3FAA] =	sst s9;
	s0 =	simm.s32 @!p0 $0x0  }
0x12: {  	s1 =	sld [smem:$0x3F90];
	s0 =	simm.s32 @p0 $0x1  }
0x13: {  	[smem:$0x3FAB] =	sst s0;
	s0 =	simm.s32 @!p1 $0x0  }
0x14: {  	s2 =	sld [smem:$0x3F8F];
	s0 =	simm.s32 @p1 $0x1  }
0x15: {  	[smem:$0x3FAC] =	sst s0;
	s0 =	simm.s32 @!p2 $0x0  }
0x16: {  	s3 =	sld [smem:$0x3FDB];
	s0 =	simm.s32 @p2 $0x1  }
0x17: {  	s4 =	simm.s32 $0x1BF5;
	[smem:$0x3FAE] =	sst s0  }
0x18: {  	s0 =	sld [smem:$0x3F91];
	_ =	swait.ge [sflag:s4], $0x0  }
0x19: {  	s7 =	sld [smem:$0x3F92]  }
0x1a: {  	s8 =	sadd.s32 $0xFFFFE003, lr  }
0x1b: {  	s9 =	sadd.s32 $0xFFFFFEF7, lr;
	s5 =	simm.s32 $0xFFFFFFFF;
	p2 =	slt.u32 s8, $0xFFFFF086  }
0x1c: {  	p1 =	slt.u32 s9, $0xF7A;
	s5 =	simm.s32 @!p2 $0x0  }
0x1d: {  	s5 =	simm.s32 @p1 $0x1;
	p0 =	seq.s32 s7, s2  }
0x1e: {  	s7 =	smul.u32 @!p0 $0xF7A, s2;
	p2 =	seq.s32 @!p0 s5, $0x0  }
0x1f: {  	s9 =	smul.u32 $0xF7A, s1;
	s8 =	simm.s32 @!p0 $0x1BF5;
	p2 =	por !p2, p0  }
0x20: {  	[sflag:s8] =	ssyncset.s32 @!p0 $0xFFFFF086;
	s6 =	sadd.s32 @!p0 s3, s7;
	s7 =	simm.s32 @!p0 $0x108  }
0x21: {  	s3 =	sadd.s32 s3, s9;
	s6 =	sadd.s32 @!p0 $0x88, s6;
	s7 =	simm.s32 @p2 $0x1082  }
0x22: {  	[simem:s7], [sflag:s8] =	dma.local @!p0 [hbm:s6], $0xF7A  }
0x23: {  	s9 =	sor.u32 $0xD0000000, s2;
	s6 =	simm.s32 $0x108;
	_ =	swait.ge @!p0 [sflag:s8], $0x0  }
0x24: {  	s3 =	sadd.s32 $0x88, s3;
	s6 =	simm.s32 @!p1 $0x1082;
	[sflag:s4] =	ssyncset.s32 $0xFFFFF086  }
0x25: {  	[simem:s6], [sflag:s4] =	dma.local [hbm:s3], $0xF7A  }
0x26: {  	[smem:$0x3F92] =	sst s1;
	(tag) =	ssettag s2;
	_ =	strace s9  }
0x27: {  	s1 =	sld [smem:$0x3FA2]  }
0x28: {  	s2 =	sld [smem:$0x3FA3]  }
0x29: {  	s4 =	sld [smem:$0x3FA5]  }
0x2a: {  	p0 =	seq.s32 s5, $0x0;
	s5 =	sld [smem:$0x3FA6]  }
0x2b: {  	s6 =	sld [smem:$0x3FA7]  }
0x2c: {  	s7 =	sld [smem:$0x3FA8]  }
0x2d: {  	s3 =	simm.s32 $0x108;
	s8 =	sld [smem:$0x3FA9]  }
0x2e: {  	s3 =	simm.s32 @!p0 $0x1082;
	s9 =	sld [smem:$0x3FAA]  }
0x2f: {  	lr =	sadd.s32 s0, s3;
	s0 =	sld [smem:$0x3FA1]  }
0x30: {  	s3 =	sld [smem:$0x3FA4]  }
0x31: {  	[smem:$0x3FAD] =	sst s10  }
0x32: {  	s10 =	sld [smem:$0x3FAB];
	_ =	sdelay $0x3  }
0x33: {  	p0 =	seq.s32 s10, $0x1;
	s10 =	sld [smem:$0x3FAD];
	_ =	sdelay $0x3  }
0x34: {  	[smem:$0x3FAD] =	sst s10  }
0x35: {  	s10 =	sld [smem:$0x3FAC];
	_ =	sdelay $0x3  }
0x36: {  	p1 =	seq.s32 s10, $0x1;
	s10 =	sld [smem:$0x3FAD];
	_ =	sdelay $0x3  }
0x37: {  	[smem:$0x3FAD] =	sst s10  }
0x38: {  	s10 =	sld [smem:$0x3FAE]  }
0x39: {  	_ = 	snop;
	(pc) =	sbr.ind lr, $3  }
0x3a: {  	_ = 	snop  }
0x3b: {  	_ = 	snop  }
0x3c: {  	p2 =	seq.s32 s10, $0x1;
	s10 =	sld [smem:$0x3FAD]  }
0x3d: {  	_ =	shalt  }
0x3e: {  	_ =	shalt  }
0x3f: {  	_ =	shalt  }
0x40: {  	_ =	shalt  }
0x41: {  	_ =	shalt  }
0x42: {  	_ =	shalt  }
0x43: {  	_ =	shalt  }
0x44: {  	_ =	shalt  }
0x45: {  	_ =	shalt  }
0x46: {  	_ =	shalt  }
0x47: {  	_ =	shalt  }
0x48: {  	_ =	shalt  }
0x49: {  	_ =	shalt  }
0x4a: {  	_ =	shalt  }
0x4b: {  	_ =	shalt  }
0x4c: {  	_ =	shalt  }
0x4d: {  	_ =	shalt  }
0x4e: {  	_ =	shalt  }
0x4f: {  	_ =	shalt  }
0x50: {  	_ =	shalt  }
0x51: {  	_ =	shalt  }
0x52: {  	_ =	shalt  }
0x53: {  	_ =	shalt  }
0x54: {  	_ =	shalt  }
0x55: {  	_ =	shalt  }
0x56: {  	_ =	shalt  }
0x57: {  	_ =	shalt  }
0x58: {  	_ =	shalt  }
0x59: {  	_ =	shalt  }
0x5a: {  	_ =	shalt  }
0x5b: {  	_ =	shalt  }
0x5c: {  	_ =	shalt  }
0x5d: {  	_ =	shalt  }
0x5e: {  	_ =	shalt  }
0x5f: {  	_ =	shalt  }
0x60: {  	_ =	shalt  }
0x61: {  	_ =	shalt  }
0x62: {  	_ =	shalt  }
0x63: {  	_ =	shalt  }
0x64: {  	_ =	shalt  }
0x65: {  	_ =	shalt  }
0x66: {  	_ =	shalt  }
0x67: {  	_ =	shalt  }
0x68: {  	_ =	shalt  }
0x69: {  	_ =	shalt  }
0x6a: {  	_ =	shalt  }
0x6b: {  	_ =	shalt  }
0x6c: {  	_ =	shalt  }
0x6d: {  	_ =	shalt  }
0x6e: {  	_ =	shalt  }
0x6f: {  	_ =	shalt  }
0x70: {  	_ =	shalt  }
0x71: {  	_ =	shalt  }
0x72: {  	_ =	shalt  }
0x73: {  	_ =	shalt  }
0x74: {  	_ =	shalt  }
0x75: {  	_ =	shalt  }
0x76: {  	_ =	shalt  }
0x77: {  	_ =	shalt  }
0x78: {  	_ =	shalt  }
0x79: {  	_ =	shalt  }
0x7a: {  	_ =	shalt  }
0x7b: {  	_ =	shalt  }
0x7c: {  	_ =	shalt  }
0x7d: {  	_ =	shalt  }
0x7e: {  	_ =	shalt  }
0x7f: {  	_ =	shalt  }
0x80: {  	_ =	shalt  }
0x81: {  	_ =	shalt  }
0x82: {  	_ =	shalt  }
0x83: {  	_ =	shalt  }
0x84: {  	_ =	shalt  }
0x85: {  	_ =	shalt  }
0x86: {  	_ =	shalt  }
0x87: {  	_ =	shalt  }
.Lfunc_end0:
.L_simem_size_0:
called_computation.6_lowered:
.L_overlay_start_0:
0x88: {  	s2 =	sld [smem:$0x3FD9]  }
0x89: {  	s3 =	sld [smem:$0x3FFE];
	_ =	sdelay $0x1  }
0x8a: {  	s1 =	srdreg.scid  }
0x8b: {  	s0 =	sand.u32 $0x1, s1  }
0x8c: {  	s16 =	sshll.u32 s0, $0xA;
	s2 =	sadd.s32 s3, s2  }
0x8d: {  	s2 =	sadd.s32 s2, s16  }
0x8e: {  	[smem:$0x3FB9] =	sst s2  }
0x8f: {  	_ = 	snop  }
0x90: {  	(tm) =	ssettm $0x1  }
0x91: {  	s17 =	sld [smem:$0x3FFB];
	_ =	sdelay $0x3  }
0x92: {  	_ =	strace s17  }
0x93: {  	s2 =	sld [smem:$0x3FFC];
	_ =	sdelay $0x3  }
0x94: {  	_ =	strace s2  }
0x95: {  	s2 =	sld [smem:$0x3FFD];
	_ =	sdelay $0x3  }
0x96: {  	_ =	strace s2  }
0x97: {  	_ =	strace $0x8FFFFFFF  }
0x98: {  	s18 =	sld [smem:$0x3FDB];
	_ =	sdelay $0x1  }
0x99: {  	s19 =	simm.s32 $_scs_section_size  }
0x9a: {  	s4 =	simm.s32 $_size__tile_overlayer_lowered;
	s5 =	simm.s32 $_tile_overlayer_lowered  }
0x9b: {  	s22 =	simm.s32 $0x1BFF;
	s21 =	sshll.u32 s5, $0x1;
	s2 =	sadd.s32 s19, s18  }
0x9c: {  	s6 =	simm.s32 $0x0;
	s20 =	sshll.u32 s4, $0x1;
	s4 =	sadd.s32 s21, s2  }
0x9d: {  	[timem:s6], [sflag:s22] =	dma.local [hbm:s4], s20  }
0x9e: {  	_ =	swait.ge [sflag:s22], s20  }
0x9f: {  	s3 =	ssub.s32 $0x0, s20;
	[sflag:s22] =	ssyncset.done $0x0  }
0xa0: {  	[sflag:s22] =	ssyncadd.s32 s3;
	_ =	sdelay $0x1  }
0xa1: {  	s23 =	simm.s32 $0x1B8B  }
0xa2: {  	_ =	swait.ge [sflag:s23], $0x1  }
0xa3: {  	[sflag:s23] =	ssyncset.done $0x0  }
0xa4: {  	s25 =	simm.s32 $0x1B8E;
	s24 =	sld [smem:$0x3FFE];
	[sflag:s23] =	ssyncadd.s32 $0xFFFFFFFF  }
0xa5: {  	s26 =	simm.s32 $execute0_lowered;
	[smem:$0x3FD2] =	sst s25  }
0xa6: {  	s4 =	sshll.u32 s26, $0x1;
	_ =	strace $0x80000058;
	[dreg:$0x1] =	wrdreg $0xFFFFFFFF  }
0xa7: {  	s28 =	simm.s32 $_size_execute0_lowered;
	s2 =	sadd.s32 s2, s4;
	[dreg:$0x0] =	wrdreg $0x0  }
0xa8: {  	s4 =	sshll.u32 s28, $0x1;
	[dreg:$0x2] =	wrdreg s2  }
0xa9: {  	[dreg:$0x3] =	wrdreg s4  }
0xaa: {  	[dreg:$0x4] =	wrdreg $0xC0  }
0xab: {  	_ =	task [dreg:s6], $0x5FFFF  }
0xac: {  	[dreg:$0x1] =	wrdreg $0xFFFFFFFF  }
0xad: {  	[dreg:$0x0] =	wrdreg $0x60  }
0xae: {  	[dreg:$0x2] =	wrdreg s24  }
0xaf: {  	[dreg:$0x3] =	wrdreg $0x90000  }
0xb0: {  	[dreg:$0x4] =	wrdreg $0x9  }
0xb1: {  	_ =	task.clear_ibuf [dreg:s6], $0x5FFFF;
	_ =	strace $0x90000058  }
0xb2: {  	s29 =	simm.s32 $0x9;
	_ =	strace $0x8000005A  }
0xb3: {  	_ =	swait.ge [sflag:s29], $0x1  }
0xb4: {  	[sflag:s29] =	ssyncadd.s32 $0xFFFFFFFF  }
0xb5: {  	_ =	strace $0x9000005A  }
0xb6: {  	_ =	sfence  }
0xb7: {  	s30 =	sld [smem:$0x0];
	_ =	sdelay $0x2  }
0xb8: {  	s31 =	sshll.u32 s1, $0xD;
	s1 =	sshrl.u32 s1, $0x2  }
0xb9: {  	s3 =	sand.u32 $0x4000, s31;
	s1 =	sadd.s32 s1, s30  }
0xba: {  	s0 =	sor.u32 s3, s0;
	s1 =	sshll.u32 s1, $0x11  }
0xbb: {  	s0 =	sor.u32 s1, s0  }
0xbc: {  	s0 =	sadd.s32 $0x8F2B, s0  }
0xbd: {  	[sflag:s0] =	ssyncadd.remote.s32 $0x1  }
0xbe: {  	_ =	sfence.sel $0xFFFF  }
0xbf: {  	[dreg:$0x0] =	wrdreg $0xFFFFFFFF;
	(pc) =	sbr.abs _section_cstart, $3  }
0xc0: {  	[dreg:$0x1] =	wrdreg $0xFFFFFFFF  }
0xc1: {  	_ =	task.clear_ibuf [dreg:s6], $0x2FFFF;
	_ =	strace $0x9FFFFFFF  }
0xc2: {  	(tm) =	ssettm $0x7FFFFFFF  }
0xc3: {  	_ =	shalt  }
tec
execute0_lowered:
.L_overlay_start_1:
0x0: {  	(tag) =	ssettag $0x1  }
0x1: {  	s0 =	srdreg.scid;
	s6 =	rddreg [dreg:$0x0]  }
0x2: {  	s2 =	rddreg [dreg:$0x1];
	s3 =	simm.s32 $0x0;
	s14 =	simm.s32 $0x80  }
0x3: {  	s15 =	simm.s32 $0x5000;
	s5 =	sand.u32 $0x1, s0;
	s0 =	stileid.u32  }
0x4: {  	s16 =	simm.s32 $0x1;
	s17 =	simm.s32 $0x0;
	s8 =	smul.u32 $0x14000, s0  }
0x5: {  	[smem:$0x7FF] =	sst s3;
	s1 =	sshll.u32 s5, $0x4;
	s9 =	smul.u32 $0x140000, s5  }
0x6: {  	s5 =	ssub.s32 $0x2, s5;
	s29 =	smul.u32 $0x50000, s0;
	s31 =	sshll.u32 s0, $0x6  }
0x7: {  	s4 =	sor.u32 s0, s1;
	s1 =	rddreg [dreg:$0x2];
	_ =	strace $0x80000059  }
0x8: {  	s11 =	sshrl.u32 s5, $0x1;
	s7 =	smul.u32 $0x500, s4;
	s4 =	sadd.s32 $0x38200, s6  }
0x9: {  	s28 =	sshrl.u32 s8, $0x3;
	s8 =	sadd.s32 s8, s9;
	s30 =	sshrl.u32 s29, $0x2  }
0xa: {  	s11 =	ssub.s32 s5, s11;
	s8 =	sshrl.u32 s8, $0x3;
	s13 =	sadd.s32 s30, s2  }
0xb: {  	s10 =	sadd.s32 s7, s6;
	s7 =	sadd.s32 s28, s6;
	s12 =	sadd.s32 s8, s6  }
0xc: {  	s6 =	sor.u32 $0x1C02, s31;
	s5 =	sadd.s32 $0x10200, s7;
	s7 =	sadd.s32 $0x88200, s10  }
0xd: {  	s8 =	sadd.s32 $0x6200, s10;
	s9 =	sadd.s32 $0x92200, s12;
	s10 =	smax.u32 s11, $0x1  }
0xe: {  	s11 =	sshrl.u32 s13, $0x3;
	s12 =	simm.s32 $0x2;
	s13 =	simm.s32 $0x2800  }
.LBB2_1:
0xf: {  	[spmem:s11], [sflag:s6] =	dma.local [hbm:s5], $0x2800  }
0x10: {  	_ =	swait.ge [sflag:s12], $0x2800  }
0x11: {  	[sflag:s12] =	ssyncset.done $0x0  }
0x12: {  	[sflag:s12] =	ssyncadd.s32 $0xFFFFD800  }
0x13: {  	[tilespmem:s3], [sflag:$0x2] =	stream.linear.gather [hbm4b:s7+s3], $0x2780, $0x38;
	[tilespmem:$0x1D000] =	vst v63  }
0x14: {  	_ =	swait.ge [sflag:s12], $0x2780  }
0x15: {  	[sflag:s12] =	ssyncset.done $0x0  }
0x16: {  	[sflag:s12] =	ssyncadd.s32 $0xFFFFD880  }
0x17: {  	[tilespmem:s13], [sflag:$0x2] =	stream.linear.gather [hbm4b:s8+s3], $0x2780, $0x38;
	[tilespmem:$0x1D000] =	vst v63  }
0x18: {  	_ =	swait.ge [sflag:s12], $0x2780  }
0x19: {  	[sflag:s12] =	ssyncset.done $0x0  }
0x1a: {  	[sflag:s12] =	ssyncadd.s32 $0xFFFFD880  }
0x1b: {  	s18 =	simm.s32 $0x0;
	[bflag:$0x0] =	sbarrier.arrive $0xFFFF  }
0x1c: {  	[tilespmem:s15], [sflag:$0x1] =	stream.indirect.gather [hbm4b:s4+s14], $0x80, s18, s14, $0xb8;
	[tilespmem:$0x1D000] =	vst v63  }
0x1d: {  	_ =	swait.ge [sflag:s16], $0x4000  }
0x1e: {  	[sflag:s16] =	ssyncset.done $0x0  }
0x1f: {  	s31 =	simm.s32 $0x2800;
	[sflag:s16] =	ssyncadd.s32 $0xFFFFC000  }
0x20: {  	[spmem:s2] =	stream.indirect.scatter.add.f32 [tilespmem:s15], [sflag:$0x2], $0x80, s31, s14, $0xb8;
	[tilespmem:$0x1D000] =	vst v63  }
0x21: {  	_ =	swait.ge [sflag:s12], $0x4000  }
0x22: {  	s19 =	simm.s32 $0x400;
	s18 =	simm.s32 $0x200;
	[sflag:s12] =	ssyncset.done $0x0  }
.LBB2_2:
0x23: {  	s20 =	sshra.s32 s18, $0x2  }
0x24: {  	[sflag:s12] =	ssyncadd.s32 $0xFFFFC000;
	s18 =	smov.u32 s19;
	s21 =	sadd.s32 $0x200, s19  }
0x25: {  	[tilespmem:s15], [sflag:$0x1] =	stream.indirect.gather [hbm4b:s4+s14], $0x80, s20, s14, $0xb8;
	[tilespmem:$0x1D000] =	vst v63  }
0x26: {  	p0 =	sne.s32 s19, $0x9C00;
	_ =	swait.ge [sflag:s16], $0x4000  }
.Ltmp0:
0x27: {  	[sflag:s16] =	ssyncset.done $0x0;
	(pc) =	sbr.rel @p0 .LBB2_2-.Ltmp0, $4  }
0x28: {  	s19 =	sadd.s32 $0x2800, s20;
	[sflag:s16] =	ssyncadd.s32 $0xFFFFC000  }
0x29: {  	[spmem:s2] =	stream.indirect.scatter.add.f32 [tilespmem:s15], [sflag:$0x2], $0x80, s19, s14, $0xb8;
	[tilespmem:$0x1D000] =	vst v63  }
0x2a: {  	_ =	swait.ge [sflag:s12], $0x4000  }
0x2b: {  	s19 =	smov.u32 s21;
	[sflag:s12] =	ssyncset.done $0x0  }
0x2c: {  	s18 =	sshra.s32 s18, $0x2;
	[sflag:s12] =	ssyncadd.s32 $0xFFFFC000  }
0x2d: {  	[tilespmem:s15], [sflag:$0x1] =	stream.indirect.gather [hbm4b:s4+s14], $0x80, s18, s14, $0xb8;
	[tilespmem:$0x1D000] =	vst v63  }
0x2e: {  	_ =	swait.ge [sflag:s16], $0x4000  }
0x2f: {  	[sflag:s16] =	ssyncset.done $0x0  }
0x30: {  	s18 =	sadd.s32 $0x2800, s18;
	[sflag:s16] =	ssyncadd.s32 $0xFFFFC000  }
0x31: {  	[spmem:s2] =	stream.indirect.scatter.add.f32 [tilespmem:s15], [sflag:$0x2], $0x80, s18, s14, $0xb8;
	[tilespmem:$0x1D000] =	vst v63  }
0x32: {  	_ =	swait.ge [sflag:s12], $0x4000  }
0x33: {  	s17 =	sadd.s32 $0x1, s17;
	[sflag:s12] =	ssyncset.done $0x0  }
0x34: {  	p0 =	sne.s32 s17, s10;
	[sflag:s12] =	ssyncadd.s32 $0xFFFFC000  }
.Ltmp1:
0x35: {  	[bflag:$0x0] =	sbarrier.arrive $0xFFFF;
	(pc) =	sbr.rel @p0 .LBB2_1-.Ltmp1, $4  }
0x36: {  	[hbm:s9], [sflag:s6] =	dma.local [spmem:s11], $0x2800  }
0x37: {  	_ =	swait.ge [sflag:s12], $0x2800  }
0x38: {  	[sflag:s12] =	ssyncset.done $0x0  }
0x39: {  	[sflag:s12] =	ssyncadd.s32 $0xFFFFD800  }
0x3a: {  	_ =	sfence.sel $0x180000  }
0x3b: {  	[bflag:$0x0] =	sbarrier.arrive $0xFFFF  }
0x3c: {  	p0 =	sne.s32 s0, $0x0;
	_ =	strace $0x90000059  }
0x3d: {  	s0 =	sadd.s32 @!p0 $0x100000, s1;
	[bflag:$0x2] =	sbarrier.arrive $0xFFFF  }
0x3e: {  	[sflag:s0] =	ssyncadd.tile.s32 @!p0 $0x1;
	_ =	shalt  }
.Lfunc_end2:
_tile_overlayer_lowered:
.L_overlay_start_2:
0x3f: {  	(tag) =	ssettag $0x2  }
0x40: {  	s0 =	rddreg [dreg:$0x0];
	s2 =	stileid.u32  }
0x41: {  	s1 =	rddreg [dreg:$0x1];
	p0 =	sne.s32 s2, $0x0  }
0x42: {  	s3 =	rddreg [dreg:$0x2];
	[bflag:$0x3] =	sbarrier.arrive $0xFFFF;
	s2 =	simm.s32 @!p0 $0x1C02  }
0x43: {  	[timem:s3], [sflag:s2] =	dma.local @!p0 [hbm:s0], s1  }
0x44: {  	s0 =	simm.s32 @!p0 $0x2  }
0x45: {  	_ =	swait.ge @!p0 [sflag:s0], s1  }
0x46: {  	s1 =	ssub.s32 @!p0 $0x0, s1;
	[sflag:s0] =	ssyncset.done @!p0 $0x0  }
0x47: {  	[sflag:s0] =	ssyncadd.s32 @!p0 s1  }
0x48: {  	[bflag:$0x3] =	sbarrier.arrive $0xFFFF  }
0x49: {  	_ =	shalt  }

</sc_bundles>
